<compile_context>
chip_gen: v7x
topology: tpu7x:2x2x1
jax: 0.10.2.dev20260603
libtpu: 0.0.44.dev20260713+nightly
codegen_flags: <defaults>
</compile_context>

<pallas_src>
import functools

import jax
import jax.numpy as jnp
from jax import lax
from jax.experimental import pallas as pl
from jax.experimental.pallas import tpu as pltpu
from jax.experimental.pallas import tpu_sc as plsc

_N = 10000
_E = 320000
_D = 128
_HID = 48
_OUT = 128
_CLS = 10
_G = 64

_NC = 2
_NS = 16
_NW = _NC * _NS
_CH = 125
_EPT = _E // _NW
_NCHUNK = _EPT // _CH
_NROWS = _E // _CH
_NACC = 10240
_RPT = _NACC // _NS
_ZR = 160


def _scatter_pass(table, src2d, dst2d, width, _K=5, _L=2):
    mesh = plsc.VectorSubcoreMesh(core_axis_name="c", subcore_axis_name="s")

    @functools.partial(
        pl.kernel,
        out_type=jax.ShapeDtypeStruct((_NC, _NACC, width), jnp.float32),
        mesh=mesh,
        scratch_types=[
            pltpu.VMEM((_NCHUNK, _CH), jnp.int32),
            pltpu.VMEM((_NCHUNK, _CH), jnp.int32),
            [pltpu.VMEM((_CH, width), jnp.float32)] * _K,
            pltpu.VMEM((_ZR, width), jnp.float32),
            pltpu.VMEM_SHARED((_NACC, width), jnp.float32),
            [pltpu.SemaphoreType.DMA] * _K,
            [pltpu.SemaphoreType.DMA] * _K,
        ],
        compiler_params=pltpu.CompilerParams(use_tc_tiling_on_sc=False),
    )
    def k(table_hbm, src_hbm, dst_hbm, out_hbm, sidx, didx, bufs, zbuf, acc,
          gsem, ssem):
        cid = lax.axis_index("c")
        sid = lax.axis_index("s")
        wid = cid * _NS + sid

        zvec = jnp.zeros((16,), jnp.float32)

        def zbody(i, carry):
            for k2 in range(width // 16):
                zbuf[i, pl.ds(k2 * 16, 16)] = zvec
            return carry

        pltpu.async_copy(src_hbm.at[pl.ds(wid * _NCHUNK, _NCHUNK)], sidx,
                         gsem[0])
        pltpu.async_copy(dst_hbm.at[pl.ds(wid * _NCHUNK, _NCHUNK)], didx,
                         gsem[1])
        lax.fori_loop(0, _ZR, zbody, 0)
        for t in range(_RPT // _ZR):
            pltpu.async_copy(zbuf, acc.at[pl.ds(sid * _RPT + t * _ZR, _ZR)],
                             ssem[t % _L])
        pltpu.make_async_copy(src_hbm.at[pl.ds(wid * _NCHUNK, _NCHUNK)],
                              sidx, gsem[0]).wait()
        pltpu.make_async_copy(dst_hbm.at[pl.ds(wid * _NCHUNK, _NCHUNK)],
                              didx, gsem[1]).wait()
        for t in range(_RPT // _ZR):
            pltpu.make_async_copy(
                zbuf, acc.at[pl.ds(sid * _RPT + t * _ZR, _ZR)],
                ssem[t % _L]).wait()
        plsc.subcore_barrier()

        for c in range(_K - _L):
            pltpu.async_copy(table_hbm.at[sidx.at[c]], bufs[c], gsem[c])

        def group(i, carry):
            j0 = i * _K
            for s in range(_K):
                j = j0 + s
                bp = (s - _L) % _K
                pltpu.make_async_copy(
                    table_hbm.at[sidx.at[j]], bufs[s], gsem[s]).wait()
                pltpu.async_copy(
                    bufs[s], acc.at[didx.at[j]], ssem[s], add=True)

                @pl.when(j >= _L)
                def _():
                    pltpu.make_async_copy(
                        bufs[bp], acc.at[didx.at[j]], ssem[bp]).wait()

                @pl.when(j + _K - _L < _NCHUNK)
                def _():
                    pltpu.async_copy(
                        table_hbm.at[sidx.at[j + _K - _L]], bufs[bp], gsem[bp])

            return carry

        lax.fori_loop(0, _NCHUNK // _K, group, 0)
        for t in range(_L):
            c = _NCHUNK - _L + t
            pltpu.make_async_copy(
                bufs[c % _K], acc.at[didx.at[c]], ssem[c % _K]).wait()
        plsc.subcore_barrier()

        pltpu.sync_copy(acc.at[pl.ds(sid * _RPT, _RPT)],
                        out_hbm.at[cid, pl.ds(sid * _RPT, _RPT)])

    return k(table, src2d, dst2d)


def _halfmean(w):
    h = w.shape[-1] // 2
    return 0.5 * (w[..., :h] + w[..., h:])


def _proj0_body(x_ref, w_ref, b_ref, o_ref):
    t = (
        jnp.dot(x_ref[...], _halfmean(w_ref[...]),
                preferred_element_type=jnp.float32)
        + _halfmean(b_ref[...])
    )
    o_ref[...] = jnp.concatenate(
        [t, jnp.ones((_N, 1), jnp.float32), jnp.zeros((_N, 15), jnp.float32)],
        axis=1)


def _mid_body(a_ref, x_ref, ws_ref, bs_ref, wm1_ref, bm1_ref,
              h0_ref, t1_ref):
    h0 = (
        a_ref[0, :_N, :_HID] + a_ref[1, :_N, :_HID]
        + jnp.dot(x_ref[...], ws_ref[...], preferred_element_type=jnp.float32)
        + bs_ref[...]
    )
    h0_ref[...] = h0
    t1_ref[...] = (
        jnp.dot(h0, _halfmean(wm1_ref[...]),
                preferred_element_type=jnp.float32)
        + _halfmean(bm1_ref[...])
    )


def _add_body(a_ref, h0_ref, o_ref):
    o_ref[...] = a_ref[0, :_N] + a_ref[1, :_N] + h0_ref[...]


def _final_body(a2_ref, a0_ref, h1_ref, batch_ref,
                wm2_ref, bm2_ref, ws_ref, bs_ref, wf_ref, bf_ref, o_ref):
    agg = a2_ref[0, :_N] + a2_ref[1, :_N]
    deg = a0_ref[0, :_N, _HID:_HID + 1] + a0_ref[1, :_N, _HID:_HID + 1]
    h2 = (
        jnp.dot(agg, _halfmean(wm2_ref[...]),
                preferred_element_type=jnp.float32)
        + deg * _halfmean(bm2_ref[...])
        + jnp.dot(h1_ref[...], ws_ref[...], preferred_element_type=jnp.float32)
        + bs_ref[...]
    )
    onehot = (
        batch_ref[...] == lax.broadcasted_iota(jnp.int32, (_G, 1), 0)
    ).astype(jnp.float32)
    sums = jnp.dot(onehot, h2, preferred_element_type=jnp.float32)
    counts = jnp.sum(onehot, axis=1, keepdims=True)
    pooled = sums / jnp.maximum(counts, 1.0)
    logits = (
        jnp.dot(pooled, wf_ref[...], preferred_element_type=jnp.float32)
        + bf_ref[...]
    )
    shifted = logits - jnp.max(logits, axis=1, keepdims=True)
    lse = jnp.log(jnp.sum(jnp.exp(shifted), axis=1, keepdims=True))
    o_ref[...] = shifted - lse


def kernel(x, edge_index, batch, Wm0, bm0, Ws0, bs0, Wm1, bm1, Wm2, bm2,
           Ws2, bs2, Wf, bf):
    f32 = jnp.float32
    src2d = edge_index[0].reshape(_NROWS, _CH)
    dst2d = edge_index[1].reshape(_NROWS, _CH)

    t0e = pl.pallas_call(
        _proj0_body,
        out_shape=jax.ShapeDtypeStruct((_N, 64), f32),
    )(x, Wm0, bm0.reshape(1, 2 * _HID))

    a0 = _scatter_pass(t0e, src2d, dst2d, 64)

    h0, t1 = pl.pallas_call(
        _mid_body,
        out_shape=(
            jax.ShapeDtypeStruct((_N, _HID), f32),
            jax.ShapeDtypeStruct((_N, _HID), f32),
        ),
    )(a0, x, Ws0, bs0.reshape(1, _HID), Wm1, bm1.reshape(1, 2 * _HID))

    a1 = _scatter_pass(t1, src2d, dst2d, _HID, _K=8, _L=2)

    h1 = pl.pallas_call(
        _add_body,
        out_shape=jax.ShapeDtypeStruct((_N, _HID), f32),
    )(a1, h0)

    a2 = _scatter_pass(h1, src2d, dst2d, _HID, _K=8, _L=2)

    return pl.pallas_call(
        _final_body,
        out_shape=jax.ShapeDtypeStruct((_G, _CLS), f32),
    )(a2, a0, h1, batch.reshape(1, _N), Wm2, bm2.reshape(1, 2 * _OUT),
      Ws2, bs2.reshape(1, _OUT), Wf, bf.reshape(1, _CLS))

# --- scband reference (transcript-rebuilt; emitter-appended) ---
"""Pipeline reference for scband-general-conv-net-51754355916840 (READ-ONLY COPY).

The authoritative reference and input builder live on the scoring server;
editing this copy changes nothing except your own understanding.
"""

import jax, jax.numpy as jnp
import numpy as np

N = 10000
E = 320000
D = 128
HID = 48      # hidden_sf(3) * model_dim(16)
HEADS = 2
OUT = 128     # out_sf(1) * output_channels(128)
CLS = 10      # out_dim
G = 64        # number of graphs in batch


def _lin_init(key, fan_in, fan_out):
    s = 1.0 / np.sqrt(fan_in)
    kw, kb = jax.random.split(key)
    W = jax.random.uniform(kw, (fan_in, fan_out), jnp.float32, -s, s)
    b = jax.random.uniform(kb, (fan_out,), jnp.float32, -s, s)
    return W, b


def setup_inputs(seed: int = 0):
    key = jax.random.key(seed)
    ks = jax.random.split(key, 10)
    x = jax.random.normal(ks[0], (N, D), dtype=jnp.float32)
    edge_index = jax.random.randint(ks[1], (2, E), 0, N, dtype=jnp.int32)
    batch = jnp.sort(jax.random.randint(ks[2], (N,), 0, G, dtype=jnp.int32))
    # Layer 0: in=128 -> out=48, heads=2 (lin_msg: 128->96, lin_self: 128->48)
    Wm0, bm0 = _lin_init(ks[3], D, HID * HEADS)
    Ws0, bs0 = _lin_init(ks[4], D, HID)
    # Layer 1: in=48 -> out=48, lin_self is Identity (in_channels == out_channels)
    Wm1, bm1 = _lin_init(ks[5], HID, HID * HEADS)
    # Layer 2: in=48 -> out=128 (lin_msg: 48->256, lin_self: 48->128)
    Wm2, bm2 = _lin_init(ks[6], HID, OUT * HEADS)
    Ws2, bs2 = _lin_init(ks[7], HID, OUT)
    # Final classifier fc1: 128 -> 10
    Wf, bf = _lin_init(ks[8], OUT, CLS)
    return {"x": x, "edge_index": edge_index, "batch": batch,
            "Wm0": Wm0, "bm0": bm0, "Ws0": Ws0, "bs0": bs0,
            "Wm1": Wm1, "bm1": bm1,
            "Wm2": Wm2, "bm2": bm2, "Ws2": Ws2, "bs2": bs2,
            "Wf": Wf, "bf": bf}


def _general_conv(x, src, dst, Wm, bm, Ws, bs, out_ch):
    # message: lin_msg(x_j) on gathered source features, view (-1, heads, out)
    msg = x[src] @ Wm + bm
    msg = msg.reshape(E, HEADS, out_ch)
    # aggr='add' at destination nodes
    agg = jax.ops.segment_sum(msg, dst, num_segments=N)
    out = agg.mean(axis=1)  # mean over heads
    if Ws is None:
        out = out + x  # lin_self = Identity
    else:
        out = out + (x @ Ws + bs)
    return out


def reference(x, edge_index, batch, Wm0, bm0, Ws0, bs0, Wm1, bm1, Wm2, bm2, Ws2, bs2, Wf, bf):
    src = edge_index[0]
    dst = edge_index[1]
    h = _general_conv(x, src, dst, Wm0, bm0, Ws0, bs0, HID)
    h = _general_conv(h, src, dst, Wm1, bm1, None, None, HID)
    h = _general_conv(h, src, dst, Wm2, bm2, Ws2, bs2, OUT)
    # global_mean_pool
    sums = jax.ops.segment_sum(h, batch, num_segments=G)
    counts = jax.ops.segment_sum(jnp.ones((N, 1), jnp.float32), batch, num_segments=G)
    pooled = sums / jnp.clip(counts, 1.0)
    logits = pooled @ Wf + bf
    return jax.nn.log_softmax(logits, axis=1)

if __name__ == "__main__":
    import jax
    _d = setup_inputs()
    print(jax.jit(kernel)(*tuple(_d.values())))

</pallas_src>

<mosaic_0001>
#map = affine_map<(d0, d1) -> (0, 0)>
#map1 = affine_map<(d0, d1) -> (0, 0, 0)>
module attributes {stable_mosaic.version = 14 : i64} {
  func.func @k(%arg0: i32, %arg1: i32, %arg2: memref<10000x64xf32, #tpu.memory_space<hbm>>, %arg3: memref<2560x125xi32, #tpu.memory_space<hbm>>, %arg4: memref<2560x125xi32, #tpu.memory_space<hbm>>, %arg5: memref<2x10240x64xf32, #tpu.memory_space<hbm>>, %arg6: memref<80x125xi32, #tpu.memory_space<vmem>>, %arg7: memref<80x125xi32, #tpu.memory_space<vmem>>, %arg8: memref<125x64xf32, #tpu.memory_space<vmem>>, %arg9: memref<125x64xf32, #tpu.memory_space<vmem>>, %arg10: memref<125x64xf32, #tpu.memory_space<vmem>>, %arg11: memref<125x64xf32, #tpu.memory_space<vmem>>, %arg12: memref<125x64xf32, #tpu.memory_space<vmem>>, %arg13: memref<160x64xf32, #tpu.memory_space<vmem>>, %arg14: memref<10240x64xf32, #tpu.memory_space<vmem_shared>>, %arg15: memref<!tpu.dma_semaphore, #tpu.memory_space<semaphore_mem>>, %arg16: memref<!tpu.dma_semaphore, #tpu.memory_space<semaphore_mem>>, %arg17: memref<!tpu.dma_semaphore, #tpu.memory_space<semaphore_mem>>, %arg18: memref<!tpu.dma_semaphore, #tpu.memory_space<semaphore_mem>>, %arg19: memref<!tpu.dma_semaphore, #tpu.memory_space<semaphore_mem>>, %arg20: memref<!tpu.dma_semaphore, #tpu.memory_space<semaphore_mem>>, %arg21: memref<!tpu.dma_semaphore, #tpu.memory_space<semaphore_mem>>, %arg22: memref<!tpu.dma_semaphore, #tpu.memory_space<semaphore_mem>>, %arg23: memref<!tpu.dma_semaphore, #tpu.memory_space<semaphore_mem>>, %arg24: memref<!tpu.dma_semaphore, #tpu.memory_space<semaphore_mem>>) attributes {dimension_semantics = [#tpu.dimension_semantics<core_parallel>, #tpu.dimension_semantics<subcore_parallel>], iteration_bounds = array<i64: 2, 16>, scalar_prefetch = 0 : i64, scratch_operands = 19 : i64, tpu.core_type = #tpu.core_type<sc_vector_subcore>, window_params = [{transform_indices = #map}, {transform_indices = #map}, {transform_indices = #map}, {transform_indices = #map1}]} {
    %mul3A = arith.constant 16 : i32
    %mul3A_0 = arith.muli %arg0, %mul3A : i32
    %add3A = arith.addi %mul3A_0, %arg1 : i32
    %broadcast_in_dim3A = arith.constant 0.000000e+00 : f32
    %broadcast_in_dim3A_1 = vector.broadcast %broadcast_in_dim3A : f32 to vector<16xf32>
    %mul3A_2 = arith.constant 80 : i32
    %mul3A_3 = arith.muli %add3A, %mul3A_2 : i32
    %dma_start3A = arith.constant 0 : i32
    %dma_start3A_4 = tpu.memref_slice %arg3[%mul3A_3, %dma_start3A] : memref<2560x125xi32, #tpu.memory_space<hbm>> -> memref<80x125xi32, #tpu.memory_space<hbm>>
    %dma_start3A_5 = arith.constant 0 : i32
    %dma_start3A_6 = tpu.memref_slice %arg3[%mul3A_3, %dma_start3A_5] : memref<2560x125xi32, #tpu.memory_space<hbm>> -> memref<80x125xi32, #tpu.memory_space<hbm>>
    tpu.enqueue_dma source(%dma_start3A_6 : memref<80x125xi32, #tpu.memory_space<hbm>>) target(%arg6 : memref<80x125xi32, #tpu.memory_space<vmem>>) target_semaphore(%arg15 : memref<!tpu.dma_semaphore, #tpu.memory_space<semaphore_mem>>)
    %mul3A_7 = arith.constant 80 : i32
    %mul3A_8 = arith.muli %add3A, %mul3A_7 : i32
    %dma_start3A_9 = arith.constant 0 : i32
    %dma_start3A_10 = tpu.memref_slice %arg4[%mul3A_8, %dma_start3A_9] : memref<2560x125xi32, #tpu.memory_space<hbm>> -> memref<80x125xi32, #tpu.memory_space<hbm>>
    %dma_start3A_11 = arith.constant 0 : i32
    %dma_start3A_12 = tpu.memref_slice %arg4[%mul3A_8, %dma_start3A_11] : memref<2560x125xi32, #tpu.memory_space<hbm>> -> memref<80x125xi32, #tpu.memory_space<hbm>>
    tpu.enqueue_dma source(%dma_start3A_12 : memref<80x125xi32, #tpu.memory_space<hbm>>) target(%arg7 : memref<80x125xi32, #tpu.memory_space<vmem>>) target_semaphore(%arg16 : memref<!tpu.dma_semaphore, #tpu.memory_space<semaphore_mem>>)
    %scan3A = arith.constant 0 : i32
    %scan3A_13 = arith.constant 0 : i32
    %scan3A_14 = arith.constant 160 : i32
    %scan3A_15 = arith.addi %scan3A_13, %scan3A_14 : i32
    %scan3A_16 = arith.constant 1 : i32
    scf.for %scan3A_139 = %scan3A_13 to %scan3A_15 step %scan3A_16  : i32 {
      %swap3A = arith.index_cast %scan3A_139 : i32 to index
      %swap3A_140 = arith.constant 0 : index
      %swap3A_141 = tpu.vector_load %arg13[%swap3A, %swap3A_140] {strides = array<i32>} : memref<160x64xf32, #tpu.memory_space<vmem>>, vector<1x16xf32>,
      %swap3A_142 = vector.shape_cast %swap3A_141 : vector<1x16xf32> to vector<16xf32>
      %swap3A_143 = vector.shape_cast %broadcast_in_dim3A_1 : vector<16xf32> to vector<1x16xf32>
      tpu.vector_store %arg13[%swap3A, %swap3A_140], %swap3A_143 {strides = array<i32>} : memref<160x64xf32, #tpu.memory_space<vmem>>, vector<1x16xf32>,
      %swap3A_144 = arith.index_cast %scan3A_139 : i32 to index
      %swap3A_145 = arith.constant 16 : index
      %swap3A_146 = tpu.vector_load %arg13[%swap3A_144, %swap3A_145] {strides = array<i32>} : memref<160x64xf32, #tpu.memory_space<vmem>>, vector<1x16xf32>,
      %swap3A_147 = vector.shape_cast %swap3A_146 : vector<1x16xf32> to vector<16xf32>
      %swap3A_148 = vector.shape_cast %broadcast_in_dim3A_1 : vector<16xf32> to vector<1x16xf32>
      tpu.vector_store %arg13[%swap3A_144, %swap3A_145], %swap3A_148 {strides = array<i32>} : memref<160x64xf32, #tpu.memory_space<vmem>>, vector<1x16xf32>,
      %swap3A_149 = arith.index_cast %scan3A_139 : i32 to index
      %swap3A_150 = arith.constant 32 : index
      %swap3A_151 = tpu.vector_load %arg13[%swap3A_149, %swap3A_150] {strides = array<i32>} : memref<160x64xf32, #tpu.memory_space<vmem>>, vector<1x16xf32>,
      %swap3A_152 = vector.shape_cast %swap3A_151 : vector<1x16xf32> to vector<16xf32>
      %swap3A_153 = vector.shape_cast %broadcast_in_dim3A_1 : vector<16xf32> to vector<1x16xf32>
      tpu.vector_store %arg13[%swap3A_149, %swap3A_150], %swap3A_153 {strides = array<i32>} : memref<160x64xf32, #tpu.memory_space<vmem>>, vector<1x16xf32>,
      %swap3A_154 = arith.index_cast %scan3A_139 : i32 to index
      %swap3A_155 = arith.constant 48 : index
      %swap3A_156 = tpu.vector_load %arg13[%swap3A_154, %swap3A_155] {strides = array<i32>} : memref<160x64xf32, #tpu.memory_space<vmem>>, vector<1x16xf32>,
      %swap3A_157 = vector.shape_cast %swap3A_156 : vector<1x16xf32> to vector<16xf32>
      %swap3A_158 = vector.shape_cast %broadcast_in_dim3A_1 : vector<16xf32> to vector<1x16xf32>
      tpu.vector_store %arg13[%swap3A_154, %swap3A_155], %swap3A_158 {strides = array<i32>} : memref<160x64xf32, #tpu.memory_space<vmem>>, vector<1x16xf32>,
    }
    %scan3A_17 = arith.constant 160 : i32
    %mul3A_18 = arith.constant 640 : i32
    %mul3A_19 = arith.muli %arg1, %mul3A_18 : i32
    %add3A_20 = arith.constant 0 : i32
    %add3A_21 = arith.addi %mul3A_19, %add3A_20 : i32
    %dma_start3A_22 = arith.constant 0 : i32
    %dma_start3A_23 = tpu.memref_slice %arg14[%add3A_21, %dma_start3A_22] : memref<10240x64xf32, #tpu.memory_space<vmem_shared>> -> memref<160x64xf32, #tpu.memory_space<vmem_shared>>
    %dma_start3A_24 = arith.constant 0 : i32
    %dma_start3A_25 = tpu.memref_slice %arg14[%add3A_21, %dma_start3A_24] : memref<10240x64xf32, #tpu.memory_space<vmem_shared>> -> memref<160x64xf32, #tpu.memory_space<vmem_shared>>
    tpu.enqueue_dma source(%arg13 : memref<160x64xf32, #tpu.memory_space<vmem>>) target(%dma_start3A_25 : memref<160x64xf32, #tpu.memory_space<vmem_shared>>) target_semaphore(%arg20 : memref<!tpu.dma_semaphore, #tpu.memory_space<semaphore_mem>>)
    %mul3A_26 = arith.constant 640 : i32
    %mul3A_27 = arith.muli %arg1, %mul3A_26 : i32
    %add3A_28 = arith.constant 160 : i32
    %add3A_29 = arith.addi %mul3A_27, %add3A_28 : i32
    %dma_start3A_30 = arith.constant 0 : i32
    %dma_start3A_31 = tpu.memref_slice %arg14[%add3A_29, %dma_start3A_30] : memref<10240x64xf32, #tpu.memory_space<vmem_shared>> -> memref<160x64xf32, #tpu.memory_space<vmem_shared>>
    %dma_start3A_32 = arith.constant 0 : i32
    %dma_start3A_33 = tpu.memref_slice %arg14[%add3A_29, %dma_start3A_32] : memref<10240x64xf32, #tpu.memory_space<vmem_shared>> -> memref<160x64xf32, #tpu.memory_space<vmem_shared>>
    tpu.enqueue_dma source(%arg13 : memref<160x64xf32, #tpu.memory_space<vmem>>) target(%dma_start3A_33 : memref<160x64xf32, #tpu.memory_space<vmem_shared>>) target_semaphore(%arg21 : memref<!tpu.dma_semaphore, #tpu.memory_space<semaphore_mem>>)
    %mul3A_34 = arith.constant 640 : i32
    %mul3A_35 = arith.muli %arg1, %mul3A_34 : i32
    %add3A_36 = arith.constant 320 : i32
    %add3A_37 = arith.addi %mul3A_35, %add3A_36 : i32
    %dma_start3A_38 = arith.constant 0 : i32
    %dma_start3A_39 = tpu.memref_slice %arg14[%add3A_37, %dma_start3A_38] : memref<10240x64xf32, #tpu.memory_space<vmem_shared>> -> memref<160x64xf32, #tpu.memory_space<vmem_shared>>
    %dma_start3A_40 = arith.constant 0 : i32
    %dma_start3A_41 = tpu.memref_slice %arg14[%add3A_37, %dma_start3A_40] : memref<10240x64xf32, #tpu.memory_space<vmem_shared>> -> memref<160x64xf32, #tpu.memory_space<vmem_shared>>
    tpu.enqueue_dma source(%arg13 : memref<160x64xf32, #tpu.memory_space<vmem>>) target(%dma_start3A_41 : memref<160x64xf32, #tpu.memory_space<vmem_shared>>) target_semaphore(%arg20 : memref<!tpu.dma_semaphore, #tpu.memory_space<semaphore_mem>>)
    %mul3A_42 = arith.constant 640 : i32
    %mul3A_43 = arith.muli %arg1, %mul3A_42 : i32
    %add3A_44 = arith.constant 480 : i32
    %add3A_45 = arith.addi %mul3A_43, %add3A_44 : i32
    %dma_start3A_46 = arith.constant 0 : i32
    %dma_start3A_47 = tpu.memref_slice %arg14[%add3A_45, %dma_start3A_46] : memref<10240x64xf32, #tpu.memory_space<vmem_shared>> -> memref<160x64xf32, #tpu.memory_space<vmem_shared>>
    %dma_start3A_48 = arith.constant 0 : i32
    %dma_start3A_49 = tpu.memref_slice %arg14[%add3A_45, %dma_start3A_48] : memref<10240x64xf32, #tpu.memory_space<vmem_shared>> -> memref<160x64xf32, #tpu.memory_space<vmem_shared>>
    tpu.enqueue_dma source(%arg13 : memref<160x64xf32, #tpu.memory_space<vmem>>) target(%dma_start3A_49 : memref<160x64xf32, #tpu.memory_space<vmem_shared>>) target_semaphore(%arg21 : memref<!tpu.dma_semaphore, #tpu.memory_space<semaphore_mem>>)
    %mul3A_50 = arith.constant 80 : i32
    %mul3A_51 = arith.muli %add3A, %mul3A_50 : i32
    %dma_wait3A = arith.constant 0 : i32
    %dma_wait3A_52 = tpu.memref_slice %arg3[%mul3A_51, %dma_wait3A] : memref<2560x125xi32, #tpu.memory_space<hbm>> -> memref<80x125xi32, #tpu.memory_space<hbm>>
    %dma_wait3A_53 = arith.constant 0 : i32
    %dma_wait3A_54 = tpu.memref_slice %arg3[%mul3A_51, %dma_wait3A_53] : memref<2560x125xi32, #tpu.memory_space<hbm>> -> memref<80x125xi32, #tpu.memory_space<hbm>>
    tpu.wait_dma2 semaphore(%arg15 : memref<!tpu.dma_semaphore, #tpu.memory_space<semaphore_mem>>) src(%dma_wait3A_54 : memref<80x125xi32, #tpu.memory_space<hbm>>) dst(%arg6 : memref<80x125xi32, #tpu.memory_space<vmem>>)
    %mul3A_55 = arith.constant 80 : i32
    %mul3A_56 = arith.muli %add3A, %mul3A_55 : i32
    %dma_wait3A_57 = arith.constant 0 : i32
    %dma_wait3A_58 = tpu.memref_slice %arg4[%mul3A_56, %dma_wait3A_57] : memref<2560x125xi32, #tpu.memory_space<hbm>> -> memref<80x125xi32, #tpu.memory_space<hbm>>
    %dma_wait3A_59 = arith.constant 0 : i32
    %dma_wait3A_60 = tpu.memref_slice %arg4[%mul3A_56, %dma_wait3A_59] : memref<2560x125xi32, #tpu.memory_space<hbm>> -> memref<80x125xi32, #tpu.memory_space<hbm>>
    tpu.wait_dma2 semaphore(%arg16 : memref<!tpu.dma_semaphore, #tpu.memory_space<semaphore_mem>>) src(%dma_wait3A_60 : memref<80x125xi32, #tpu.memory_space<hbm>>) dst(%arg7 : memref<80x125xi32, #tpu.memory_space<vmem>>)
    %mul3A_61 = arith.constant 640 : i32
    %mul3A_62 = arith.muli %arg1, %mul3A_61 : i32
    %add3A_63 = arith.constant 0 : i32
    %add3A_64 = arith.addi %mul3A_62, %add3A_63 : i32
    %dma_wait3A_65 = arith.constant 0 : i32
    %dma_wait3A_66 = tpu.memref_slice %arg14[%add3A_64, %dma_wait3A_65] : memref<10240x64xf32, #tpu.memory_space<vmem_shared>> -> memref<160x64xf32, #tpu.memory_space<vmem_shared>>
    %dma_wait3A_67 = arith.constant 0 : i32
    %dma_wait3A_68 = tpu.memref_slice %arg14[%add3A_64, %dma_wait3A_67] : memref<10240x64xf32, #tpu.memory_space<vmem_shared>> -> memref<160x64xf32, #tpu.memory_space<vmem_shared>>
    tpu.wait_dma2 semaphore(%arg20 : memref<!tpu.dma_semaphore, #tpu.memory_space<semaphore_mem>>) src(%arg13 : memref<160x64xf32, #tpu.memory_space<vmem>>) dst(%dma_wait3A_68 : memref<160x64xf32, #tpu.memory_space<vmem_shared>>)
    %mul3A_69 = arith.constant 640 : i32
    %mul3A_70 = arith.muli %arg1, %mul3A_69 : i32
    %add3A_71 = arith.constant 160 : i32
    %add3A_72 = arith.addi %mul3A_70, %add3A_71 : i32
    %dma_wait3A_73 = arith.constant 0 : i32
    %dma_wait3A_74 = tpu.memref_slice %arg14[%add3A_72, %dma_wait3A_73] : memref<10240x64xf32, #tpu.memory_space<vmem_shared>> -> memref<160x64xf32, #tpu.memory_space<vmem_shared>>
    %dma_wait3A_75 = arith.constant 0 : i32
    %dma_wait3A_76 = tpu.memref_slice %arg14[%add3A_72, %dma_wait3A_75] : memref<10240x64xf32, #tpu.memory_space<vmem_shared>> -> memref<160x64xf32, #tpu.memory_space<vmem_shared>>
    tpu.wait_dma2 semaphore(%arg21 : memref<!tpu.dma_semaphore, #tpu.memory_space<semaphore_mem>>) src(%arg13 : memref<160x64xf32, #tpu.memory_space<vmem>>) dst(%dma_wait3A_76 : memref<160x64xf32, #tpu.memory_space<vmem_shared>>)
    %mul3A_77 = arith.constant 640 : i32
    %mul3A_78 = arith.muli %arg1, %mul3A_77 : i32
    %add3A_79 = arith.constant 320 : i32
    %add3A_80 = arith.addi %mul3A_78, %add3A_79 : i32
    %dma_wait3A_81 = arith.constant 0 : i32
    %dma_wait3A_82 = tpu.memref_slice %arg14[%add3A_80, %dma_wait3A_81] : memref<10240x64xf32, #tpu.memory_space<vmem_shared>> -> memref<160x64xf32, #tpu.memory_space<vmem_shared>>
    %dma_wait3A_83 = arith.constant 0 : i32
    %dma_wait3A_84 = tpu.memref_slice %arg14[%add3A_80, %dma_wait3A_83] : memref<10240x64xf32, #tpu.memory_space<vmem_shared>> -> memref<160x64xf32, #tpu.memory_space<vmem_shared>>
    tpu.wait_dma2 semaphore(%arg20 : memref<!tpu.dma_semaphore, #tpu.memory_space<semaphore_mem>>) src(%arg13 : memref<160x64xf32, #tpu.memory_space<vmem>>) dst(%dma_wait3A_84 : memref<160x64xf32, #tpu.memory_space<vmem_shared>>)
    %mul3A_85 = arith.constant 640 : i32
    %mul3A_86 = arith.muli %arg1, %mul3A_85 : i32
    %add3A_87 = arith.constant 480 : i32
    %add3A_88 = arith.addi %mul3A_86, %add3A_87 : i32
    %dma_wait3A_89 = arith.constant 0 : i32
    %dma_wait3A_90 = tpu.memref_slice %arg14[%add3A_88, %dma_wait3A_89] : memref<10240x64xf32, #tpu.memory_space<vmem_shared>> -> memref<160x64xf32, #tpu.memory_space<vmem_shared>>
    %dma_wait3A_91 = arith.constant 0 : i32
    %dma_wait3A_92 = tpu.memref_slice %arg14[%add3A_88, %dma_wait3A_91] : memref<10240x64xf32, #tpu.memory_space<vmem_shared>> -> memref<160x64xf32, #tpu.memory_space<vmem_shared>>
    tpu.wait_dma2 semaphore(%arg21 : memref<!tpu.dma_semaphore, #tpu.memory_space<semaphore_mem>>) src(%arg13 : memref<160x64xf32, #tpu.memory_space<vmem>>) dst(%dma_wait3A_92 : memref<160x64xf32, #tpu.memory_space<vmem_shared>>)
    %barrier3A = arith.constant 0 : index
    tpu.barrier barrier_id(%barrier3A)
    %dma_start3A_93 = arith.constant 0 : i32
    %dma_start3A_94 = arith.constant 0 : i32
    %dma_start3A_95 = tpu.memref_slice %arg6[%dma_start3A_93, %dma_start3A_94] : memref<80x125xi32, #tpu.memory_space<vmem>> -> memref<1x125xi32, #tpu.memory_space<vmem>>
    %dma_start3A_96 = tpu.memref_squeeze %dma_start3A_95 : memref<1x125xi32, #tpu.memory_space<vmem>> -> memref<125xi32, #tpu.memory_space<vmem>>
    %dma_start3A_97 = arith.constant 0 : i32
    %dma_start3A_98 = arith.constant 0 : i32
    %dma_start3A_99 = tpu.memref_slice %arg2[%dma_start3A_97, %dma_start3A_98] : memref<10000x64xf32, #tpu.memory_space<hbm>> -> memref<10000x64xf32, #tpu.memory_space<hbm>>
    tpu.enqueue_indirect_dma source(%dma_start3A_99 : memref<10000x64xf32, #tpu.memory_space<hbm>>) target(%arg8 : memref<125x64xf32, #tpu.memory_space<vmem>>) offsets(%dma_start3A_96 : memref<125xi32, #tpu.memory_space<vmem>>) semaphore(%arg15 : memref<!tpu.dma_semaphore, #tpu.memory_space<semaphore_mem>>)
    %dma_start3A_100 = arith.constant 1 : i32
    %dma_start3A_101 = arith.constant 0 : i32
    %dma_start3A_102 = tpu.memref_slice %arg6[%dma_start3A_100, %dma_start3A_101] : memref<80x125xi32, #tpu.memory_space<vmem>> -> memref<1x125xi32, #tpu.memory_space<vmem>>
    %dma_start3A_103 = tpu.memref_squeeze %dma_start3A_102 : memref<1x125xi32, #tpu.memory_space<vmem>> -> memref<125xi32, #tpu.memory_space<vmem>>
    %dma_start3A_104 = arith.constant 0 : i32
    %dma_start3A_105 = arith.constant 0 : i32
    %dma_start3A_106 = tpu.memref_slice %arg2[%dma_start3A_104, %dma_start3A_105] : memref<10000x64xf32, #tpu.memory_space<hbm>> -> memref<10000x64xf32, #tpu.memory_space<hbm>>
    tpu.enqueue_indirect_dma source(%dma_start3A_106 : memref<10000x64xf32, #tpu.memory_space<hbm>>) target(%arg9 : memref<125x64xf32, #tpu.memory_space<vmem>>) offsets(%dma_start3A_103 : memref<125xi32, #tpu.memory_space<vmem>>) semaphore(%arg16 : memref<!tpu.dma_semaphore, #tpu.memory_space<semaphore_mem>>)
    %dma_start3A_107 = arith.constant 2 : i32
    %dma_start3A_108 = arith.constant 0 : i32
    %dma_start3A_109 = tpu.memref_slice %arg6[%dma_start3A_107, %dma_start3A_108] : memref<80x125xi32, #tpu.memory_space<vmem>> -> memref<1x125xi32, #tpu.memory_space<vmem>>
    %dma_start3A_110 = tpu.memref_squeeze %dma_start3A_109 : memref<1x125xi32, #tpu.memory_space<vmem>> -> memref<125xi32, #tpu.memory_space<vmem>>
    %dma_start3A_111 = arith.constant 0 : i32
    %dma_start3A_112 = arith.constant 0 : i32
    %dma_start3A_113 = tpu.memref_slice %arg2[%dma_start3A_111, %dma_start3A_112] : memref<10000x64xf32, #tpu.memory_space<hbm>> -> memref<10000x64xf32, #tpu.memory_space<hbm>>
    tpu.enqueue_indirect_dma source(%dma_start3A_113 : memref<10000x64xf32, #tpu.memory_space<hbm>>) target(%arg10 : memref<125x64xf32, #tpu.memory_space<vmem>>) offsets(%dma_start3A_110 : memref<125xi32, #tpu.memory_space<vmem>>) semaphore(%arg17 : memref<!tpu.dma_semaphore, #tpu.memory_space<semaphore_mem>>)
    %scan3A_114 = arith.constant 0 : i32
    %scan3A_115 = arith.constant 0 : i32
    %scan3A_116 = arith.constant 16 : i32
    %scan3A_117 = arith.addi %scan3A_115, %scan3A_116 : i32
    %scan3A_118 = arith.constant 1 : i32
    scf.for %scan3A_139 = %scan3A_115 to %scan3A_117 step %scan3A_118  : i32 {
      %mul3A_140 = arith.constant 5 : i32
      %mul3A_141 = arith.muli %scan3A_139, %mul3A_140 : i32
      %add3A_142 = arith.constant 0 : i32
      %add3A_143 = arith.addi %mul3A_141, %add3A_142 : i32
      %dma_wait3A_144 = arith.constant 0 : i32
      %dma_wait3A_145 = tpu.memref_slice %arg6[%add3A_143, %dma_wait3A_144] : memref<80x125xi32, #tpu.memory_space<vmem>> -> memref<1x125xi32, #tpu.memory_space<vmem>>
      %dma_wait3A_146 = tpu.memref_squeeze %dma_wait3A_145 : memref<1x125xi32, #tpu.memory_space<vmem>> -> memref<125xi32, #tpu.memory_space<vmem>>
      %dma_wait3A_147 = arith.constant 0 : i32
      %dma_wait3A_148 = arith.constant 0 : i32
      %dma_wait3A_149 = tpu.memref_slice %arg2[%dma_wait3A_147, %dma_wait3A_148] : memref<10000x64xf32, #tpu.memory_space<hbm>> -> memref<10000x64xf32, #tpu.memory_space<hbm>>
      tpu.wait_indirect_dma semaphore(%arg15 : memref<!tpu.dma_semaphore, #tpu.memory_space<semaphore_mem>>) src(%dma_wait3A_149 : memref<10000x64xf32, #tpu.memory_space<hbm>>) dst(%arg8 : memref<125x64xf32, #tpu.memory_space<vmem>>)
      %dma_start3A_150 = arith.constant 0 : i32
      %dma_start3A_151 = tpu.memref_slice %arg7[%add3A_143, %dma_start3A_150] : memref<80x125xi32, #tpu.memory_space<vmem>> -> memref<1x125xi32, #tpu.memory_space<vmem>>
      %dma_start3A_152 = tpu.memref_squeeze %dma_start3A_151 : memref<1x125xi32, #tpu.memory_space<vmem>> -> memref<125xi32, #tpu.memory_space<vmem>>
      %dma_start3A_153 = arith.constant 0 : i32
      %dma_start3A_154 = arith.constant 0 : i32
      %dma_start3A_155 = tpu.memref_slice %arg14[%dma_start3A_153, %dma_start3A_154] : memref<10240x64xf32, #tpu.memory_space<vmem_shared>> -> memref<10240x64xf32, #tpu.memory_space<vmem_shared>>
      tpu.enqueue_indirect_dma source(%arg8 : memref<125x64xf32, #tpu.memory_space<vmem>>) target(%dma_start3A_155 : memref<10240x64xf32, #tpu.memory_space<vmem_shared>>) offsets(%dma_start3A_152 : memref<125xi32, #tpu.memory_space<vmem>>) semaphore(%arg20 : memref<!tpu.dma_semaphore, #tpu.memory_space<semaphore_mem>>) {add = true}
      %ge3A = arith.constant 2 : i32
      %ge3A_156 = arith.cmpi sge, %add3A_143, %ge3A : i32
      %convert_element_type3A = arith.extui %ge3A_156 : i1 to i32
      %cond3A = arith.constant 0 : i32
      %cond3A_157 = arith.cmpi ne, %convert_element_type3A, %cond3A : i32
      scf.if %cond3A_157 {
        %dma_wait3A_277 = arith.constant 0 : i32
        %dma_wait3A_278 = tpu.memref_slice %arg7[%add3A_143, %dma_wait3A_277] : memref<80x125xi32, #tpu.memory_space<vmem>> -> memref<1x125xi32, #tpu.memory_space<vmem>>
        %dma_wait3A_279 = tpu.memref_squeeze %dma_wait3A_278 : memref<1x125xi32, #tpu.memory_space<vmem>> -> memref<125xi32, #tpu.memory_space<vmem>>
        %dma_wait3A_280 = arith.constant 0 : i32
        %dma_wait3A_281 = arith.constant 0 : i32
        %dma_wait3A_282 = tpu.memref_slice %arg14[%dma_wait3A_280, %dma_wait3A_281] : memref<10240x64xf32, #tpu.memory_space<vmem_shared>> -> memref<10240x64xf32, #tpu.memory_space<vmem_shared>>
        tpu.wait_indirect_dma semaphore(%arg23 : memref<!tpu.dma_semaphore, #tpu.memory_space<semaphore_mem>>) src(%arg11 : memref<125x64xf32, #tpu.memory_space<vmem>>) dst(%dma_wait3A_282 : memref<10240x64xf32, #tpu.memory_space<vmem_shared>>)
      } else {
      }
      %add3A_158 = arith.constant 5 : i32
      %add3A_159 = arith.addi %add3A_143, %add3A_158 : i32
      %sub3A = arith.constant 2 : i32
      %sub3A_160 = arith.subi %add3A_159, %sub3A : i32
      %lt3A = arith.constant 80 : i32
      %lt3A_161 = arith.cmpi slt, %sub3A_160, %lt3A : i32
      %convert_element_type3A_162 = arith.extui %lt3A_161 : i1 to i32
      %cond3A_163 = arith.constant 0 : i32
      %cond3A_164 = arith.cmpi ne, %convert_element_type3A_162, %cond3A_163 : i32
      scf.if %cond3A_164 {
        %add3A_277 = arith.constant 5 : i32
        %add3A_278 = arith.addi %add3A_143, %add3A_277 : i32
        %sub3A_279 = arith.constant 2 : i32
        %sub3A_280 = arith.subi %add3A_278, %sub3A_279 : i32
        %dma_start3A_281 = arith.constant 0 : i32
        %dma_start3A_282 = tpu.memref_slice %arg6[%sub3A_280, %dma_start3A_281] : memref<80x125xi32, #tpu.memory_space<vmem>> -> memref<1x125xi32, #tpu.memory_space<vmem>>
        %dma_start3A_283 = tpu.memref_squeeze %dma_start3A_282 : memref<1x125xi32, #tpu.memory_space<vmem>> -> memref<125xi32, #tpu.memory_space<vmem>>
        %dma_start3A_284 = arith.constant 0 : i32
        %dma_start3A_285 = arith.constant 0 : i32
        %dma_start3A_286 = tpu.memref_slice %arg2[%dma_start3A_284, %dma_start3A_285] : memref<10000x64xf32, #tpu.memory_space<hbm>> -> memref<10000x64xf32, #tpu.memory_space<hbm>>
        tpu.enqueue_indirect_dma source(%dma_start3A_286 : memref<10000x64xf32, #tpu.memory_space<hbm>>) target(%arg11 : memref<125x64xf32, #tpu.memory_space<vmem>>) offsets(%dma_start3A_283 : memref<125xi32, #tpu.memory_space<vmem>>) semaphore(%arg18 : memref<!tpu.dma_semaphore, #tpu.memory_space<semaphore_mem>>)
      } else {
      }
      %add3A_165 = arith.constant 1 : i32
      %add3A_166 = arith.addi %mul3A_141, %add3A_165 : i32
      %dma_wait3A_167 = arith.constant 0 : i32
      %dma_wait3A_168 = tpu.memref_slice %arg6[%add3A_166, %dma_wait3A_167] : memref<80x125xi32, #tpu.memory_space<vmem>> -> memref<1x125xi32, #tpu.memory_space<vmem>>
      %dma_wait3A_169 = tpu.memref_squeeze %dma_wait3A_168 : memref<1x125xi32, #tpu.memory_space<vmem>> -> memref<125xi32, #tpu.memory_space<vmem>>
      %dma_wait3A_170 = arith.constant 0 : i32
      %dma_wait3A_171 = arith.constant 0 : i32
      %dma_wait3A_172 = tpu.memref_slice %arg2[%dma_wait3A_170, %dma_wait3A_171] : memref<10000x64xf32, #tpu.memory_space<hbm>> -> memref<10000x64xf32, #tpu.memory_space<hbm>>
      tpu.wait_indirect_dma semaphore(%arg16 : memref<!tpu.dma_semaphore, #tpu.memory_space<semaphore_mem>>) src(%dma_wait3A_172 : memref<10000x64xf32, #tpu.memory_space<hbm>>) dst(%arg9 : memref<125x64xf32, #tpu.memory_space<vmem>>)
      %dma_start3A_173 = arith.constant 0 : i32
      %dma_start3A_174 = tpu.memref_slice %arg7[%add3A_166, %dma_start3A_173] : memref<80x125xi32, #tpu.memory_space<vmem>> -> memref<1x125xi32, #tpu.memory_space<vmem>>
      %dma_start3A_175 = tpu.memref_squeeze %dma_start3A_174 : memref<1x125xi32, #tpu.memory_space<vmem>> -> memref<125xi32, #tpu.memory_space<vmem>>
      %dma_start3A_176 = arith.constant 0 : i32
      %dma_start3A_177 = arith.constant 0 : i32
      %dma_start3A_178 = tpu.memref_slice %arg14[%dma_start3A_176, %dma_start3A_177] : memref<10240x64xf32, #tpu.memory_space<vmem_shared>> -> memref<10240x64xf32, #tpu.memory_space<vmem_shared>>
      tpu.enqueue_indirect_dma source(%arg9 : memref<125x64xf32, #tpu.memory_space<vmem>>) target(%dma_start3A_178 : memref<10240x64xf32, #tpu.memory_space<vmem_shared>>) offsets(%dma_start3A_175 : memref<125xi32, #tpu.memory_space<vmem>>) semaphore(%arg21 : memref<!tpu.dma_semaphore, #tpu.memory_space<semaphore_mem>>) {add = true}
      %ge3A_179 = arith.constant 2 : i32
      %ge3A_180 = arith.cmpi sge, %add3A_166, %ge3A_179 : i32
      %convert_element_type3A_181 = arith.extui %ge3A_180 : i1 to i32
      %cond3A_182 = arith.constant 0 : i32
      %cond3A_183 = arith.cmpi ne, %convert_element_type3A_181, %cond3A_182 : i32
      scf.if %cond3A_183 {
        %dma_wait3A_277 = arith.constant 0 : i32
        %dma_wait3A_278 = tpu.memref_slice %arg7[%add3A_166, %dma_wait3A_277] : memref<80x125xi32, #tpu.memory_space<vmem>> -> memref<1x125xi32, #tpu.memory_space<vmem>>
        %dma_wait3A_279 = tpu.memref_squeeze %dma_wait3A_278 : memref<1x125xi32, #tpu.memory_space<vmem>> -> memref<125xi32, #tpu.memory_space<vmem>>
        %dma_wait3A_280 = arith.constant 0 : i32
        %dma_wait3A_281 = arith.constant 0 : i32
        %dma_wait3A_282 = tpu.memref_slice %arg14[%dma_wait3A_280, %dma_wait3A_281] : memref<10240x64xf32, #tpu.memory_space<vmem_shared>> -> memref<10240x64xf32, #tpu.memory_space<vmem_shared>>
        tpu.wait_indirect_dma semaphore(%arg24 : memref<!tpu.dma_semaphore, #tpu.memory_space<semaphore_mem>>) src(%arg12 : memref<125x64xf32, #tpu.memory_space<vmem>>) dst(%dma_wait3A_282 : memref<10240x64xf32, #tpu.memory_space<vmem_shared>>)
      } else {
      }
      %add3A_184 = arith.constant 5 : i32
      %add3A_185 = arith.addi %add3A_166, %add3A_184 : i32
      %sub3A_186 = arith.constant 2 : i32
      %sub3A_187 = arith.subi %add3A_185, %sub3A_186 : i32
      %lt3A_188 = arith.constant 80 : i32
      %lt3A_189 = arith.cmpi slt, %sub3A_187, %lt3A_188 : i32
      %convert_element_type3A_190 = arith.extui %lt3A_189 : i1 to i32
      %cond3A_191 = arith.constant 0 : i32
      %cond3A_192 = arith.cmpi ne, %convert_element_type3A_190, %cond3A_191 : i32
      scf.if %cond3A_192 {
        %add3A_277 = arith.constant 5 : i32
        %add3A_278 = arith.addi %add3A_166, %add3A_277 : i32
        %sub3A_279 = arith.constant 2 : i32
        %sub3A_280 = arith.subi %add3A_278, %sub3A_279 : i32
        %dma_start3A_281 = arith.constant 0 : i32
        %dma_start3A_282 = tpu.memref_slice %arg6[%sub3A_280, %dma_start3A_281] : memref<80x125xi32, #tpu.memory_space<vmem>> -> memref<1x125xi32, #tpu.memory_space<vmem>>
        %dma_start3A_283 = tpu.memref_squeeze %dma_start3A_282 : memref<1x125xi32, #tpu.memory_space<vmem>> -> memref<125xi32, #tpu.memory_space<vmem>>
        %dma_start3A_284 = arith.constant 0 : i32
        %dma_start3A_285 = arith.constant 0 : i32
        %dma_start3A_286 = tpu.memref_slice %arg2[%dma_start3A_284, %dma_start3A_285] : memref<10000x64xf32, #tpu.memory_space<hbm>> -> memref<10000x64xf32, #tpu.memory_space<hbm>>
        tpu.enqueue_indirect_dma source(%dma_start3A_286 : memref<10000x64xf32, #tpu.memory_space<hbm>>) target(%arg12 : memref<125x64xf32, #tpu.memory_space<vmem>>) offsets(%dma_start3A_283 : memref<125xi32, #tpu.memory_space<vmem>>) semaphore(%arg19 : memref<!tpu.dma_semaphore, #tpu.memory_space<semaphore_mem>>)
      } else {
      }
      %add3A_193 = arith.constant 2 : i32
      %add3A_194 = arith.addi %mul3A_141, %add3A_193 : i32
      %dma_wait3A_195 = arith.constant 0 : i32
      %dma_wait3A_196 = tpu.memref_slice %arg6[%add3A_194, %dma_wait3A_195] : memref<80x125xi32, #tpu.memory_space<vmem>> -> memref<1x125xi32, #tpu.memory_space<vmem>>
      %dma_wait3A_197 = tpu.memref_squeeze %dma_wait3A_196 : memref<1x125xi32, #tpu.memory_space<vmem>> -> memref<125xi32, #tpu.memory_space<vmem>>
      %dma_wait3A_198 = arith.constant 0 : i32
      %dma_wait3A_199 = arith.constant 0 : i32
      %dma_wait3A_200 = tpu.memref_slice %arg2[%dma_wait3A_198, %dma_wait3A_199] : memref<10000x64xf32, #tpu.memory_space<hbm>> -> memref<10000x64xf32, #tpu.memory_space<hbm>>
      tpu.wait_indirect_dma semaphore(%arg17 : memref<!tpu.dma_semaphore, #tpu.memory_space<semaphore_mem>>) src(%dma_wait3A_200 : memref<10000x64xf32, #tpu.memory_space<hbm>>) dst(%arg10 : memref<125x64xf32, #tpu.memory_space<vmem>>)
      %dma_start3A_201 = arith.constant 0 : i32
      %dma_start3A_202 = tpu.memref_slice %arg7[%add3A_194, %dma_start3A_201] : memref<80x125xi32, #tpu.memory_space<vmem>> -> memref<1x125xi32, #tpu.memory_space<vmem>>
      %dma_start3A_203 = tpu.memref_squeeze %dma_start3A_202 : memref<1x125xi32, #tpu.memory_space<vmem>> -> memref<125xi32, #tpu.memory_space<vmem>>
      %dma_start3A_204 = arith.constant 0 : i32
      %dma_start3A_205 = arith.constant 0 : i32
      %dma_start3A_206 = tpu.memref_slice %arg14[%dma_start3A_204, %dma_start3A_205] : memref<10240x64xf32, #tpu.memory_space<vmem_shared>> -> memref<10240x64xf32, #tpu.memory_space<vmem_shared>>
      tpu.enqueue_indirect_dma source(%arg10 : memref<125x64xf32, #tpu.memory_space<vmem>>) target(%dma_start3A_206 : memref<10240x64xf32, #tpu.memory_space<vmem_shared>>) offsets(%dma_start3A_203 : memref<125xi32, #tpu.memory_space<vmem>>) semaphore(%arg22 : memref<!tpu.dma_semaphore, #tpu.memory_space<semaphore_mem>>) {add = true}
      %ge3A_207 = arith.constant 2 : i32
      %ge3A_208 = arith.cmpi sge, %add3A_194, %ge3A_207 : i32
      %convert_element_type3A_209 = arith.extui %ge3A_208 : i1 to i32
      %cond3A_210 = arith.constant 0 : i32
      %cond3A_211 = arith.cmpi ne, %convert_element_type3A_209, %cond3A_210 : i32
      scf.if %cond3A_211 {
        %dma_wait3A_277 = arith.constant 0 : i32
        %dma_wait3A_278 = tpu.memref_slice %arg7[%add3A_194, %dma_wait3A_277] : memref<80x125xi32, #tpu.memory_space<vmem>> -> memref<1x125xi32, #tpu.memory_space<vmem>>
        %dma_wait3A_279 = tpu.memref_squeeze %dma_wait3A_278 : memref<1x125xi32, #tpu.memory_space<vmem>> -> memref<125xi32, #tpu.memory_space<vmem>>
        %dma_wait3A_280 = arith.constant 0 : i32
        %dma_wait3A_281 = arith.constant 0 : i32
        %dma_wait3A_282 = tpu.memref_slice %arg14[%dma_wait3A_280, %dma_wait3A_281] : memref<10240x64xf32, #tpu.memory_space<vmem_shared>> -> memref<10240x64xf32, #tpu.memory_space<vmem_shared>>
        tpu.wait_indirect_dma semaphore(%arg20 : memref<!tpu.dma_semaphore, #tpu.memory_space<semaphore_mem>>) src(%arg8 : memref<125x64xf32, #tpu.memory_space<vmem>>) dst(%dma_wait3A_282 : memref<10240x64xf32, #tpu.memory_space<vmem_shared>>)
      } else {
      }
      %add3A_212 = arith.constant 5 : i32
      %add3A_213 = arith.addi %add3A_194, %add3A_212 : i32
      %sub3A_214 = arith.constant 2 : i32
      %sub3A_215 = arith.subi %add3A_213, %sub3A_214 : i32
      %lt3A_216 = arith.constant 80 : i32
      %lt3A_217 = arith.cmpi slt, %sub3A_215, %lt3A_216 : i32
      %convert_element_type3A_218 = arith.extui %lt3A_217 : i1 to i32
      %cond3A_219 = arith.constant 0 : i32
      %cond3A_220 = arith.cmpi ne, %convert_element_type3A_218, %cond3A_219 : i32
      scf.if %cond3A_220 {
        %add3A_277 = arith.constant 5 : i32
        %add3A_278 = arith.addi %add3A_194, %add3A_277 : i32
        %sub3A_279 = arith.constant 2 : i32
        %sub3A_280 = arith.subi %add3A_278, %sub3A_279 : i32
        %dma_start3A_281 = arith.constant 0 : i32
        %dma_start3A_282 = tpu.memref_slice %arg6[%sub3A_280, %dma_start3A_281] : memref<80x125xi32, #tpu.memory_space<vmem>> -> memref<1x125xi32, #tpu.memory_space<vmem>>
        %dma_start3A_283 = tpu.memref_squeeze %dma_start3A_282 : memref<1x125xi32, #tpu.memory_space<vmem>> -> memref<125xi32, #tpu.memory_space<vmem>>
        %dma_start3A_284 = arith.constant 0 : i32
        %dma_start3A_285 = arith.constant 0 : i32
        %dma_start3A_286 = tpu.memref_slice %arg2[%dma_start3A_284, %dma_start3A_285] : memref<10000x64xf32, #tpu.memory_space<hbm>> -> memref<10000x64xf32, #tpu.memory_space<hbm>>
        tpu.enqueue_indirect_dma source(%dma_start3A_286 : memref<10000x64xf32, #tpu.memory_space<hbm>>) target(%arg8 : memref<125x64xf32, #tpu.memory_space<vmem>>) offsets(%dma_start3A_283 : memref<125xi32, #tpu.memory_space<vmem>>) semaphore(%arg15 : memref<!tpu.dma_semaphore, #tpu.memory_space<semaphore_mem>>)
      } else {
      }
      %add3A_221 = arith.constant 3 : i32
      %add3A_222 = arith.addi %mul3A_141, %add3A_221 : i32
      %dma_wait3A_223 = arith.constant 0 : i32
      %dma_wait3A_224 = tpu.memref_slice %arg6[%add3A_222, %dma_wait3A_223] : memref<80x125xi32, #tpu.memory_space<vmem>> -> memref<1x125xi32, #tpu.memory_space<vmem>>
      %dma_wait3A_225 = tpu.memref_squeeze %dma_wait3A_224 : memref<1x125xi32, #tpu.memory_space<vmem>> -> memref<125xi32, #tpu.memory_space<vmem>>
      %dma_wait3A_226 = arith.constant 0 : i32
      %dma_wait3A_227 = arith.constant 0 : i32
      %dma_wait3A_228 = tpu.memref_slice %arg2[%dma_wait3A_226, %dma_wait3A_227] : memref<10000x64xf32, #tpu.memory_space<hbm>> -> memref<10000x64xf32, #tpu.memory_space<hbm>>
      tpu.wait_indirect_dma semaphore(%arg18 : memref<!tpu.dma_semaphore, #tpu.memory_space<semaphore_mem>>) src(%dma_wait3A_228 : memref<10000x64xf32, #tpu.memory_space<hbm>>) dst(%arg11 : memref<125x64xf32, #tpu.memory_space<vmem>>)
      %dma_start3A_229 = arith.constant 0 : i32
      %dma_start3A_230 = tpu.memref_slice %arg7[%add3A_222, %dma_start3A_229] : memref<80x125xi32, #tpu.memory_space<vmem>> -> memref<1x125xi32, #tpu.memory_space<vmem>>
      %dma_start3A_231 = tpu.memref_squeeze %dma_start3A_230 : memref<1x125xi32, #tpu.memory_space<vmem>> -> memref<125xi32, #tpu.memory_space<vmem>>
      %dma_start3A_232 = arith.constant 0 : i32
      %dma_start3A_233 = arith.constant 0 : i32
      %dma_start3A_234 = tpu.memref_slice %arg14[%dma_start3A_232, %dma_start3A_233] : memref<10240x64xf32, #tpu.memory_space<vmem_shared>> -> memref<10240x64xf32, #tpu.memory_space<vmem_shared>>
      tpu.enqueue_indirect_dma source(%arg11 : memref<125x64xf32, #tpu.memory_space<vmem>>) target(%dma_start3A_234 : memref<10240x64xf32, #tpu.memory_space<vmem_shared>>) offsets(%dma_start3A_231 : memref<125xi32, #tpu.memory_space<vmem>>) semaphore(%arg23 : memref<!tpu.dma_semaphore, #tpu.memory_space<semaphore_mem>>) {add = true}
      %ge3A_235 = arith.constant 2 : i32
      %ge3A_236 = arith.cmpi sge, %add3A_222, %ge3A_235 : i32
      %convert_element_type3A_237 = arith.extui %ge3A_236 : i1 to i32
      %cond3A_238 = arith.constant 0 : i32
      %cond3A_239 = arith.cmpi ne, %convert_element_type3A_237, %cond3A_238 : i32
      scf.if %cond3A_239 {
        %dma_wait3A_277 = arith.constant 0 : i32
        %dma_wait3A_278 = tpu.memref_slice %arg7[%add3A_222, %dma_wait3A_277] : memref<80x125xi32, #tpu.memory_space<vmem>> -> memref<1x125xi32, #tpu.memory_space<vmem>>
        %dma_wait3A_279 = tpu.memref_squeeze %dma_wait3A_278 : memref<1x125xi32, #tpu.memory_space<vmem>> -> memref<125xi32, #tpu.memory_space<vmem>>
        %dma_wait3A_280 = arith.constant 0 : i32
        %dma_wait3A_281 = arith.constant 0 : i32
        %dma_wait3A_282 = tpu.memref_slice %arg14[%dma_wait3A_280, %dma_wait3A_281] : memref<10240x64xf32, #tpu.memory_space<vmem_shared>> -> memref<10240x64xf32, #tpu.memory_space<vmem_shared>>
        tpu.wait_indirect_dma semaphore(%arg21 : memref<!tpu.dma_semaphore, #tpu.memory_space<semaphore_mem>>) src(%arg9 : memref<125x64xf32, #tpu.memory_space<vmem>>) dst(%dma_wait3A_282 : memref<10240x64xf32, #tpu.memory_space<vmem_shared>>)
      } else {
      }
      %add3A_240 = arith.constant 5 : i32
      %add3A_241 = arith.addi %add3A_222, %add3A_240 : i32
      %sub3A_242 = arith.constant 2 : i32
      %sub3A_243 = arith.subi %add3A_241, %sub3A_242 : i32
      %lt3A_244 = arith.constant 80 : i32
      %lt3A_245 = arith.cmpi slt, %sub3A_243, %lt3A_244 : i32
      %convert_element_type3A_246 = arith.extui %lt3A_245 : i1 to i32
      %cond3A_247 = arith.constant 0 : i32
      %cond3A_248 = arith.cmpi ne, %convert_element_type3A_246, %cond3A_247 : i32
      scf.if %cond3A_248 {
        %add3A_277 = arith.constant 5 : i32
        %add3A_278 = arith.addi %add3A_222, %add3A_277 : i32
        %sub3A_279 = arith.constant 2 : i32
        %sub3A_280 = arith.subi %add3A_278, %sub3A_279 : i32
        %dma_start3A_281 = arith.constant 0 : i32
        %dma_start3A_282 = tpu.memref_slice %arg6[%sub3A_280, %dma_start3A_281] : memref<80x125xi32, #tpu.memory_space<vmem>> -> memref<1x125xi32, #tpu.memory_space<vmem>>
        %dma_start3A_283 = tpu.memref_squeeze %dma_start3A_282 : memref<1x125xi32, #tpu.memory_space<vmem>> -> memref<125xi32, #tpu.memory_space<vmem>>
        %dma_start3A_284 = arith.constant 0 : i32
        %dma_start3A_285 = arith.constant 0 : i32
        %dma_start3A_286 = tpu.memref_slice %arg2[%dma_start3A_284, %dma_start3A_285] : memref<10000x64xf32, #tpu.memory_space<hbm>> -> memref<10000x64xf32, #tpu.memory_space<hbm>>
        tpu.enqueue_indirect_dma source(%dma_start3A_286 : memref<10000x64xf32, #tpu.memory_space<hbm>>) target(%arg9 : memref<125x64xf32, #tpu.memory_space<vmem>>) offsets(%dma_start3A_283 : memref<125xi32, #tpu.memory_space<vmem>>) semaphore(%arg16 : memref<!tpu.dma_semaphore, #tpu.memory_space<semaphore_mem>>)
      } else {
      }
      %add3A_249 = arith.constant 4 : i32
      %add3A_250 = arith.addi %mul3A_141, %add3A_249 : i32
      %dma_wait3A_251 = arith.constant 0 : i32
      %dma_wait3A_252 = tpu.memref_slice %arg6[%add3A_250, %dma_wait3A_251] : memref<80x125xi32, #tpu.memory_space<vmem>> -> memref<1x125xi32, #tpu.memory_space<vmem>>
      %dma_wait3A_253 = tpu.memref_squeeze %dma_wait3A_252 : memref<1x125xi32, #tpu.memory_space<vmem>> -> memref<125xi32, #tpu.memory_space<vmem>>
      %dma_wait3A_254 = arith.constant 0 : i32
      %dma_wait3A_255 = arith.constant 0 : i32
      %dma_wait3A_256 = tpu.memref_slice %arg2[%dma_wait3A_254, %dma_wait3A_255] : memref<10000x64xf32, #tpu.memory_space<hbm>> -> memref<10000x64xf32, #tpu.memory_space<hbm>>
      tpu.wait_indirect_dma semaphore(%arg19 : memref<!tpu.dma_semaphore, #tpu.memory_space<semaphore_mem>>) src(%dma_wait3A_256 : memref<10000x64xf32, #tpu.memory_space<hbm>>) dst(%arg12 : memref<125x64xf32, #tpu.memory_space<vmem>>)
      %dma_start3A_257 = arith.constant 0 : i32
      %dma_start3A_258 = tpu.memref_slice %arg7[%add3A_250, %dma_start3A_257] : memref<80x125xi32, #tpu.memory_space<vmem>> -> memref<1x125xi32, #tpu.memory_space<vmem>>
      %dma_start3A_259 = tpu.memref_squeeze %dma_start3A_258 : memref<1x125xi32, #tpu.memory_space<vmem>> -> memref<125xi32, #tpu.memory_space<vmem>>
      %dma_start3A_260 = arith.constant 0 : i32
      %dma_start3A_261 = arith.constant 0 : i32
      %dma_start3A_262 = tpu.memref_slice %arg14[%dma_start3A_260, %dma_start3A_261] : memref<10240x64xf32, #tpu.memory_space<vmem_shared>> -> memref<10240x64xf32, #tpu.memory_space<vmem_shared>>
      tpu.enqueue_indirect_dma source(%arg12 : memref<125x64xf32, #tpu.memory_space<vmem>>) target(%dma_start3A_262 : memref<10240x64xf32, #tpu.memory_space<vmem_shared>>) offsets(%dma_start3A_259 : memref<125xi32, #tpu.memory_space<vmem>>) semaphore(%arg24 : memref<!tpu.dma_semaphore, #tpu.memory_space<semaphore_mem>>) {add = true}
      %ge3A_263 = arith.constant 2 : i32
      %ge3A_264 = arith.cmpi sge, %add3A_250, %ge3A_263 : i32
      %convert_element_type3A_265 = arith.extui %ge3A_264 : i1 to i32
      %cond3A_266 = arith.constant 0 : i32
      %cond3A_267 = arith.cmpi ne, %convert_element_type3A_265, %cond3A_266 : i32
      scf.if %cond3A_267 {
        %dma_wait3A_277 = arith.constant 0 : i32
        %dma_wait3A_278 = tpu.memref_slice %arg7[%add3A_250, %dma_wait3A_277] : memref<80x125xi32, #tpu.memory_space<vmem>> -> memref<1x125xi32, #tpu.memory_space<vmem>>
        %dma_wait3A_279 = tpu.memref_squeeze %dma_wait3A_278 : memref<1x125xi32, #tpu.memory_space<vmem>> -> memref<125xi32, #tpu.memory_space<vmem>>
        %dma_wait3A_280 = arith.constant 0 : i32
        %dma_wait3A_281 = arith.constant 0 : i32
        %dma_wait3A_282 = tpu.memref_slice %arg14[%dma_wait3A_280, %dma_wait3A_281] : memref<10240x64xf32, #tpu.memory_space<vmem_shared>> -> memref<10240x64xf32, #tpu.memory_space<vmem_shared>>
        tpu.wait_indirect_dma semaphore(%arg22 : memref<!tpu.dma_semaphore, #tpu.memory_space<semaphore_mem>>) src(%arg10 : memref<125x64xf32, #tpu.memory_space<vmem>>) dst(%dma_wait3A_282 : memref<10240x64xf32, #tpu.memory_space<vmem_shared>>)
      } else {
      }
      %add3A_268 = arith.constant 5 : i32
      %add3A_269 = arith.addi %add3A_250, %add3A_268 : i32
      %sub3A_270 = arith.constant 2 : i32
      %sub3A_271 = arith.subi %add3A_269, %sub3A_270 : i32
      %lt3A_272 = arith.constant 80 : i32
      %lt3A_273 = arith.cmpi slt, %sub3A_271, %lt3A_272 : i32
      %convert_element_type3A_274 = arith.extui %lt3A_273 : i1 to i32
      %cond3A_275 = arith.constant 0 : i32
      %cond3A_276 = arith.cmpi ne, %convert_element_type3A_274, %cond3A_275 : i32
      scf.if %cond3A_276 {
        %add3A_277 = arith.constant 5 : i32
        %add3A_278 = arith.addi %add3A_250, %add3A_277 : i32
        %sub3A_279 = arith.constant 2 : i32
        %sub3A_280 = arith.subi %add3A_278, %sub3A_279 : i32
        %dma_start3A_281 = arith.constant 0 : i32
        %dma_start3A_282 = tpu.memref_slice %arg6[%sub3A_280, %dma_start3A_281] : memref<80x125xi32, #tpu.memory_space<vmem>> -> memref<1x125xi32, #tpu.memory_space<vmem>>
        %dma_start3A_283 = tpu.memref_squeeze %dma_start3A_282 : memref<1x125xi32, #tpu.memory_space<vmem>> -> memref<125xi32, #tpu.memory_space<vmem>>
        %dma_start3A_284 = arith.constant 0 : i32
        %dma_start3A_285 = arith.constant 0 : i32
        %dma_start3A_286 = tpu.memref_slice %arg2[%dma_start3A_284, %dma_start3A_285] : memref<10000x64xf32, #tpu.memory_space<hbm>> -> memref<10000x64xf32, #tpu.memory_space<hbm>>
        tpu.enqueue_indirect_dma source(%dma_start3A_286 : memref<10000x64xf32, #tpu.memory_space<hbm>>) target(%arg10 : memref<125x64xf32, #tpu.memory_space<vmem>>) offsets(%dma_start3A_283 : memref<125xi32, #tpu.memory_space<vmem>>) semaphore(%arg17 : memref<!tpu.dma_semaphore, #tpu.memory_space<semaphore_mem>>)
      } else {
      }
    }
    %scan3A_119 = arith.constant 16 : i32
    %dma_wait3A_120 = arith.constant 78 : i32
    %dma_wait3A_121 = arith.constant 0 : i32
    %dma_wait3A_122 = tpu.memref_slice %arg7[%dma_wait3A_120, %dma_wait3A_121] : memref<80x125xi32, #tpu.memory_space<vmem>> -> memref<1x125xi32, #tpu.memory_space<vmem>>
    %dma_wait3A_123 = tpu.memref_squeeze %dma_wait3A_122 : memref<1x125xi32, #tpu.memory_space<vmem>> -> memref<125xi32, #tpu.memory_space<vmem>>
    %dma_wait3A_124 = arith.constant 0 : i32
    %dma_wait3A_125 = arith.constant 0 : i32
    %dma_wait3A_126 = tpu.memref_slice %arg14[%dma_wait3A_124, %dma_wait3A_125] : memref<10240x64xf32, #tpu.memory_space<vmem_shared>> -> memref<10240x64xf32, #tpu.memory_space<vmem_shared>>
    tpu.wait_indirect_dma semaphore(%arg23 : memref<!tpu.dma_semaphore, #tpu.memory_space<semaphore_mem>>) src(%arg11 : memref<125x64xf32, #tpu.memory_space<vmem>>) dst(%dma_wait3A_126 : memref<10240x64xf32, #tpu.memory_space<vmem_shared>>)
    %dma_wait3A_127 = arith.constant 79 : i32
    %dma_wait3A_128 = arith.constant 0 : i32
    %dma_wait3A_129 = tpu.memref_slice %arg7[%dma_wait3A_127, %dma_wait3A_128] : memref<80x125xi32, #tpu.memory_space<vmem>> -> memref<1x125xi32, #tpu.memory_space<vmem>>
    %dma_wait3A_130 = tpu.memref_squeeze %dma_wait3A_129 : memref<1x125xi32, #tpu.memory_space<vmem>> -> memref<125xi32, #tpu.memory_space<vmem>>
    %dma_wait3A_131 = arith.constant 0 : i32
    %dma_wait3A_132 = arith.constant 0 : i32
    %dma_wait3A_133 = tpu.memref_slice %arg14[%dma_wait3A_131, %dma_wait3A_132] : memref<10240x64xf32, #tpu.memory_space<vmem_shared>> -> memref<10240x64xf32, #tpu.memory_space<vmem_shared>>
    tpu.wait_indirect_dma semaphore(%arg24 : memref<!tpu.dma_semaphore, #tpu.memory_space<semaphore_mem>>) src(%arg12 : memref<125x64xf32, #tpu.memory_space<vmem>>) dst(%dma_wait3A_133 : memref<10240x64xf32, #tpu.memory_space<vmem_shared>>)
    %barrier3A_134 = arith.constant 0 : index
    tpu.barrier barrier_id(%barrier3A_134)
    %mul3A_135 = arith.constant 640 : i32
    %mul3A_136 = arith.muli %arg1, %mul3A_135 : i32
    %mul3A_137 = arith.constant 640 : i32
    %mul3A_138 = arith.muli %arg1, %mul3A_137 : i32
    "tpu.region"() ({
      %run_scoped3A = tpu.sem_alloc : memref<!tpu.dma_semaphore, #tpu.memory_space<semaphore_mem>>
      %dma_start3A_139 = arith.constant 0 : i32
      %dma_start3A_140 = tpu.memref_slice %arg5[%arg0, %mul3A_138, %dma_start3A_139] : memref<2x10240x64xf32, #tpu.memory_space<hbm>> -> memref<1x640x64xf32, #tpu.memory_space<hbm>>
      %dma_start3A_141 = tpu.memref_squeeze %dma_start3A_140 : memref<1x640x64xf32, #tpu.memory_space<hbm>> -> memref<640x64xf32, #tpu.memory_space<hbm>>
      %dma_start3A_142 = arith.constant 0 : i32
      %dma_start3A_143 = tpu.memref_slice %arg14[%mul3A_136, %dma_start3A_142] : memref<10240x64xf32, #tpu.memory_space<vmem_shared>> -> memref<640x64xf32, #tpu.memory_space<vmem_shared>>
      tpu.enqueue_dma source(%dma_start3A_143 : memref<640x64xf32, #tpu.memory_space<vmem_shared>>) target(%dma_start3A_141 : memref<640x64xf32, #tpu.memory_space<hbm>>) target_semaphore(%run_scoped3A : memref<!tpu.dma_semaphore, #tpu.memory_space<semaphore_mem>>)
      %dma_wait3A_144 = arith.constant 0 : i32
      %dma_wait3A_145 = tpu.memref_slice %arg5[%arg0, %mul3A_138, %dma_wait3A_144] : memref<2x10240x64xf32, #tpu.memory_space<hbm>> -> memref<1x640x64xf32, #tpu.memory_space<hbm>>
      %dma_wait3A_146 = tpu.memref_squeeze %dma_wait3A_145 : memref<1x640x64xf32, #tpu.memory_space<hbm>> -> memref<640x64xf32, #tpu.memory_space<hbm>>
      %dma_wait3A_147 = arith.constant 0 : i32
      %dma_wait3A_148 = tpu.memref_slice %arg14[%mul3A_136, %dma_wait3A_147] : memref<10240x64xf32, #tpu.memory_space<vmem_shared>> -> memref<640x64xf32, #tpu.memory_space<vmem_shared>>
      tpu.wait_dma2 semaphore(%run_scoped3A : memref<!tpu.dma_semaphore, #tpu.memory_space<semaphore_mem>>) src(%dma_wait3A_148 : memref<640x64xf32, #tpu.memory_space<vmem_shared>>) dst(%dma_wait3A_146 : memref<640x64xf32, #tpu.memory_space<hbm>>)
      tpu.yield
    }) : () -> ()
    return
  }
}

#map = affine_map<(d0, d1) -> (0, 0)>
#map1 = affine_map<(d0, d1) -> (0, 0, 0)>
module attributes {stable_mosaic.version = 14 : i64} {
  func.func @k(%arg0: i32, %arg1: i32, %arg2: memref<10000x48xf32, #tpu.memory_space<hbm>>, %arg3: memref<2560x125xi32, #tpu.memory_space<hbm>>, %arg4: memref<2560x125xi32, #tpu.memory_space<hbm>>, %arg5: memref<2x10240x48xf32, #tpu.memory_space<hbm>>, %arg6: memref<80x125xi32, #tpu.memory_space<vmem>>, %arg7: memref<80x125xi32, #tpu.memory_space<vmem>>, %arg8: memref<125x48xf32, #tpu.memory_space<vmem>>, %arg9: memref<125x48xf32, #tpu.memory_space<vmem>>, %arg10: memref<125x48xf32, #tpu.memory_space<vmem>>, %arg11: memref<125x48xf32, #tpu.memory_space<vmem>>, %arg12: memref<125x48xf32, #tpu.memory_space<vmem>>, %arg13: memref<125x48xf32, #tpu.memory_space<vmem>>, %arg14: memref<125x48xf32, #tpu.memory_space<vmem>>, %arg15: memref<125x48xf32, #tpu.memory_space<vmem>>, %arg16: memref<160x48xf32, #tpu.memory_space<vmem>>, %arg17: memref<10240x48xf32, #tpu.memory_space<vmem_shared>>, %arg18: memref<!tpu.dma_semaphore, #tpu.memory_space<semaphore_mem>>, %arg19: memref<!tpu.dma_semaphore, #tpu.memory_space<semaphore_mem>>, %arg20: memref<!tpu.dma_semaphore, #tpu.memory_space<semaphore_mem>>, %arg21: memref<!tpu.dma_semaphore, #tpu.memory_space<semaphore_mem>>, %arg22: memref<!tpu.dma_semaphore, #tpu.memory_space<semaphore_mem>>, %arg23: memref<!tpu.dma_semaphore, #tpu.memory_space<semaphore_mem>>, %arg24: memref<!tpu.dma_semaphore, #tpu.memory_space<semaphore_mem>>, %arg25: memref<!tpu.dma_semaphore, #tpu.memory_space<semaphore_mem>>, %arg26: memref<!tpu.dma_semaphore, #tpu.memory_space<semaphore_mem>>, %arg27: memref<!tpu.dma_semaphore, #tpu.memory_space<semaphore_mem>>, %arg28: memref<!tpu.dma_semaphore, #tpu.memory_space<semaphore_mem>>, %arg29: memref<!tpu.dma_semaphore, #tpu.memory_space<semaphore_mem>>, %arg30: memref<!tpu.dma_semaphore, #tpu.memory_space<semaphore_mem>>, %arg31: memref<!tpu.dma_semaphore, #tpu.memory_space<semaphore_mem>>, %arg32: memref<!tpu.dma_semaphore, #tpu.memory_space<semaphore_mem>>, %arg33: memref<!tpu.dma_semaphore, #tpu.memory_space<semaphore_mem>>) attributes {dimension_semantics = [#tpu.dimension_semantics<core_parallel>, #tpu.dimension_semantics<subcore_parallel>], iteration_bounds = array<i64: 2, 16>, scalar_prefetch = 0 : i64, scratch_operands = 28 : i64, tpu.core_type = #tpu.core_type<sc_vector_subcore>, window_params = [{transform_indices = #map}, {transform_indices = #map}, {transform_indices = #map}, {transform_indices = #map1}]} {
    %mul3A = arith.constant 16 : i32
    %mul3A_0 = arith.muli %arg0, %mul3A : i32
    %add3A = arith.addi %mul3A_0, %arg1 : i32
    %broadcast_in_dim3A = arith.constant 0.000000e+00 : f32
    %broadcast_in_dim3A_1 = vector.broadcast %broadcast_in_dim3A : f32 to vector<16xf32>
    %mul3A_2 = arith.constant 80 : i32
    %mul3A_3 = arith.muli %add3A, %mul3A_2 : i32
    %dma_start3A = arith.constant 0 : i32
    %dma_start3A_4 = tpu.memref_slice %arg3[%mul3A_3, %dma_start3A] : memref<2560x125xi32, #tpu.memory_space<hbm>> -> memref<80x125xi32, #tpu.memory_space<hbm>>
    %dma_start3A_5 = arith.constant 0 : i32
    %dma_start3A_6 = tpu.memref_slice %arg3[%mul3A_3, %dma_start3A_5] : memref<2560x125xi32, #tpu.memory_space<hbm>> -> memref<80x125xi32, #tpu.memory_space<hbm>>
    tpu.enqueue_dma source(%dma_start3A_6 : memref<80x125xi32, #tpu.memory_space<hbm>>) target(%arg6 : memref<80x125xi32, #tpu.memory_space<vmem>>) target_semaphore(%arg18 : memref<!tpu.dma_semaphore, #tpu.memory_space<semaphore_mem>>)
    %mul3A_7 = arith.constant 80 : i32
    %mul3A_8 = arith.muli %add3A, %mul3A_7 : i32
    %dma_start3A_9 = arith.constant 0 : i32
    %dma_start3A_10 = tpu.memref_slice %arg4[%mul3A_8, %dma_start3A_9] : memref<2560x125xi32, #tpu.memory_space<hbm>> -> memref<80x125xi32, #tpu.memory_space<hbm>>
    %dma_start3A_11 = arith.constant 0 : i32
    %dma_start3A_12 = tpu.memref_slice %arg4[%mul3A_8, %dma_start3A_11] : memref<2560x125xi32, #tpu.memory_space<hbm>> -> memref<80x125xi32, #tpu.memory_space<hbm>>
    tpu.enqueue_dma source(%dma_start3A_12 : memref<80x125xi32, #tpu.memory_space<hbm>>) target(%arg7 : memref<80x125xi32, #tpu.memory_space<vmem>>) target_semaphore(%arg19 : memref<!tpu.dma_semaphore, #tpu.memory_space<semaphore_mem>>)
    %scan3A = arith.constant 0 : i32
    %scan3A_13 = arith.constant 0 : i32
    %scan3A_14 = arith.constant 160 : i32
    %scan3A_15 = arith.addi %scan3A_13, %scan3A_14 : i32
    %scan3A_16 = arith.constant 1 : i32
    scf.for %scan3A_160 = %scan3A_13 to %scan3A_15 step %scan3A_16  : i32 {
      %swap3A = arith.index_cast %scan3A_160 : i32 to index
      %swap3A_161 = arith.constant 0 : index
      %swap3A_162 = tpu.vector_load %arg16[%swap3A, %swap3A_161] {strides = array<i32>} : memref<160x48xf32, #tpu.memory_space<vmem>>, vector<1x16xf32>,
      %swap3A_163 = vector.shape_cast %swap3A_162 : vector<1x16xf32> to vector<16xf32>
      %swap3A_164 = vector.shape_cast %broadcast_in_dim3A_1 : vector<16xf32> to vector<1x16xf32>
      tpu.vector_store %arg16[%swap3A, %swap3A_161], %swap3A_164 {strides = array<i32>} : memref<160x48xf32, #tpu.memory_space<vmem>>, vector<1x16xf32>,
      %swap3A_165 = arith.index_cast %scan3A_160 : i32 to index
      %swap3A_166 = arith.constant 16 : index
      %swap3A_167 = tpu.vector_load %arg16[%swap3A_165, %swap3A_166] {strides = array<i32>} : memref<160x48xf32, #tpu.memory_space<vmem>>, vector<1x16xf32>,
      %swap3A_168 = vector.shape_cast %swap3A_167 : vector<1x16xf32> to vector<16xf32>
      %swap3A_169 = vector.shape_cast %broadcast_in_dim3A_1 : vector<16xf32> to vector<1x16xf32>
      tpu.vector_store %arg16[%swap3A_165, %swap3A_166], %swap3A_169 {strides = array<i32>} : memref<160x48xf32, #tpu.memory_space<vmem>>, vector<1x16xf32>,
      %swap3A_170 = arith.index_cast %scan3A_160 : i32 to index
      %swap3A_171 = arith.constant 32 : index
      %swap3A_172 = tpu.vector_load %arg16[%swap3A_170, %swap3A_171] {strides = array<i32>} : memref<160x48xf32, #tpu.memory_space<vmem>>, vector<1x16xf32>,
      %swap3A_173 = vector.shape_cast %swap3A_172 : vector<1x16xf32> to vector<16xf32>
      %swap3A_174 = vector.shape_cast %broadcast_in_dim3A_1 : vector<16xf32> to vector<1x16xf32>
      tpu.vector_store %arg16[%swap3A_170, %swap3A_171], %swap3A_174 {strides = array<i32>} : memref<160x48xf32, #tpu.memory_space<vmem>>, vector<1x16xf32>,
    }
    %scan3A_17 = arith.constant 160 : i32
    %mul3A_18 = arith.constant 640 : i32
    %mul3A_19 = arith.muli %arg1, %mul3A_18 : i32
    %add3A_20 = arith.constant 0 : i32
    %add3A_21 = arith.addi %mul3A_19, %add3A_20 : i32
    %dma_start3A_22 = arith.constant 0 : i32
    %dma_start3A_23 = tpu.memref_slice %arg17[%add3A_21, %dma_start3A_22] : memref<10240x48xf32, #tpu.memory_space<vmem_shared>> -> memref<160x48xf32, #tpu.memory_space<vmem_shared>>
    %dma_start3A_24 = arith.constant 0 : i32
    %dma_start3A_25 = tpu.memref_slice %arg17[%add3A_21, %dma_start3A_24] : memref<10240x48xf32, #tpu.memory_space<vmem_shared>> -> memref<160x48xf32, #tpu.memory_space<vmem_shared>>
    tpu.enqueue_dma source(%arg16 : memref<160x48xf32, #tpu.memory_space<vmem>>) target(%dma_start3A_25 : memref<160x48xf32, #tpu.memory_space<vmem_shared>>) target_semaphore(%arg26 : memref<!tpu.dma_semaphore, #tpu.memory_space<semaphore_mem>>)
    %mul3A_26 = arith.constant 640 : i32
    %mul3A_27 = arith.muli %arg1, %mul3A_26 : i32
    %add3A_28 = arith.constant 160 : i32
    %add3A_29 = arith.addi %mul3A_27, %add3A_28 : i32
    %dma_start3A_30 = arith.constant 0 : i32
    %dma_start3A_31 = tpu.memref_slice %arg17[%add3A_29, %dma_start3A_30] : memref<10240x48xf32, #tpu.memory_space<vmem_shared>> -> memref<160x48xf32, #tpu.memory_space<vmem_shared>>
    %dma_start3A_32 = arith.constant 0 : i32
    %dma_start3A_33 = tpu.memref_slice %arg17[%add3A_29, %dma_start3A_32] : memref<10240x48xf32, #tpu.memory_space<vmem_shared>> -> memref<160x48xf32, #tpu.memory_space<vmem_shared>>
    tpu.enqueue_dma source(%arg16 : memref<160x48xf32, #tpu.memory_space<vmem>>) target(%dma_start3A_33 : memref<160x48xf32, #tpu.memory_space<vmem_shared>>) target_semaphore(%arg27 : memref<!tpu.dma_semaphore, #tpu.memory_space<semaphore_mem>>)
    %mul3A_34 = arith.constant 640 : i32
    %mul3A_35 = arith.muli %arg1, %mul3A_34 : i32
    %add3A_36 = arith.constant 320 : i32
    %add3A_37 = arith.addi %mul3A_35, %add3A_36 : i32
    %dma_start3A_38 = arith.constant 0 : i32
    %dma_start3A_39 = tpu.memref_slice %arg17[%add3A_37, %dma_start3A_38] : memref<10240x48xf32, #tpu.memory_space<vmem_shared>> -> memref<160x48xf32, #tpu.memory_space<vmem_shared>>
    %dma_start3A_40 = arith.constant 0 : i32
    %dma_start3A_41 = tpu.memref_slice %arg17[%add3A_37, %dma_start3A_40] : memref<10240x48xf32, #tpu.memory_space<vmem_shared>> -> memref<160x48xf32, #tpu.memory_space<vmem_shared>>
    tpu.enqueue_dma source(%arg16 : memref<160x48xf32, #tpu.memory_space<vmem>>) target(%dma_start3A_41 : memref<160x48xf32, #tpu.memory_space<vmem_shared>>) target_semaphore(%arg26 : memref<!tpu.dma_semaphore, #tpu.memory_space<semaphore_mem>>)
    %mul3A_42 = arith.constant 640 : i32
    %mul3A_43 = arith.muli %arg1, %mul3A_42 : i32
    %add3A_44 = arith.constant 480 : i32
    %add3A_45 = arith.addi %mul3A_43, %add3A_44 : i32
    %dma_start3A_46 = arith.constant 0 : i32
    %dma_start3A_47 = tpu.memref_slice %arg17[%add3A_45, %dma_start3A_46] : memref<10240x48xf32, #tpu.memory_space<vmem_shared>> -> memref<160x48xf32, #tpu.memory_space<vmem_shared>>
    %dma_start3A_48 = arith.constant 0 : i32
    %dma_start3A_49 = tpu.memref_slice %arg17[%add3A_45, %dma_start3A_48] : memref<10240x48xf32, #tpu.memory_space<vmem_shared>> -> memref<160x48xf32, #tpu.memory_space<vmem_shared>>
    tpu.enqueue_dma source(%arg16 : memref<160x48xf32, #tpu.memory_space<vmem>>) target(%dma_start3A_49 : memref<160x48xf32, #tpu.memory_space<vmem_shared>>) target_semaphore(%arg27 : memref<!tpu.dma_semaphore, #tpu.memory_space<semaphore_mem>>)
    %mul3A_50 = arith.constant 80 : i32
    %mul3A_51 = arith.muli %add3A, %mul3A_50 : i32
    %dma_wait3A = arith.constant 0 : i32
    %dma_wait3A_52 = tpu.memref_slice %arg3[%mul3A_51, %dma_wait3A] : memref<2560x125xi32, #tpu.memory_space<hbm>> -> memref<80x125xi32, #tpu.memory_space<hbm>>
    %dma_wait3A_53 = arith.constant 0 : i32
    %dma_wait3A_54 = tpu.memref_slice %arg3[%mul3A_51, %dma_wait3A_53] : memref<2560x125xi32, #tpu.memory_space<hbm>> -> memref<80x125xi32, #tpu.memory_space<hbm>>
    tpu.wait_dma2 semaphore(%arg18 : memref<!tpu.dma_semaphore, #tpu.memory_space<semaphore_mem>>) src(%dma_wait3A_54 : memref<80x125xi32, #tpu.memory_space<hbm>>) dst(%arg6 : memref<80x125xi32, #tpu.memory_space<vmem>>)
    %mul3A_55 = arith.constant 80 : i32
    %mul3A_56 = arith.muli %add3A, %mul3A_55 : i32
    %dma_wait3A_57 = arith.constant 0 : i32
    %dma_wait3A_58 = tpu.memref_slice %arg4[%mul3A_56, %dma_wait3A_57] : memref<2560x125xi32, #tpu.memory_space<hbm>> -> memref<80x125xi32, #tpu.memory_space<hbm>>
    %dma_wait3A_59 = arith.constant 0 : i32
    %dma_wait3A_60 = tpu.memref_slice %arg4[%mul3A_56, %dma_wait3A_59] : memref<2560x125xi32, #tpu.memory_space<hbm>> -> memref<80x125xi32, #tpu.memory_space<hbm>>
    tpu.wait_dma2 semaphore(%arg19 : memref<!tpu.dma_semaphore, #tpu.memory_space<semaphore_mem>>) src(%dma_wait3A_60 : memref<80x125xi32, #tpu.memory_space<hbm>>) dst(%arg7 : memref<80x125xi32, #tpu.memory_space<vmem>>)
    %mul3A_61 = arith.constant 640 : i32
    %mul3A_62 = arith.muli %arg1, %mul3A_61 : i32
    %add3A_63 = arith.constant 0 : i32
    %add3A_64 = arith.addi %mul3A_62, %add3A_63 : i32
    %dma_wait3A_65 = arith.constant 0 : i32
    %dma_wait3A_66 = tpu.memref_slice %arg17[%add3A_64, %dma_wait3A_65] : memref<10240x48xf32, #tpu.memory_space<vmem_shared>> -> memref<160x48xf32, #tpu.memory_space<vmem_shared>>
    %dma_wait3A_67 = arith.constant 0 : i32
    %dma_wait3A_68 = tpu.memref_slice %arg17[%add3A_64, %dma_wait3A_67] : memref<10240x48xf32, #tpu.memory_space<vmem_shared>> -> memref<160x48xf32, #tpu.memory_space<vmem_shared>>
    tpu.wait_dma2 semaphore(%arg26 : memref<!tpu.dma_semaphore, #tpu.memory_space<semaphore_mem>>) src(%arg16 : memref<160x48xf32, #tpu.memory_space<vmem>>) dst(%dma_wait3A_68 : memref<160x48xf32, #tpu.memory_space<vmem_shared>>)
    %mul3A_69 = arith.constant 640 : i32
    %mul3A_70 = arith.muli %arg1, %mul3A_69 : i32
    %add3A_71 = arith.constant 160 : i32
    %add3A_72 = arith.addi %mul3A_70, %add3A_71 : i32
    %dma_wait3A_73 = arith.constant 0 : i32
    %dma_wait3A_74 = tpu.memref_slice %arg17[%add3A_72, %dma_wait3A_73] : memref<10240x48xf32, #tpu.memory_space<vmem_shared>> -> memref<160x48xf32, #tpu.memory_space<vmem_shared>>
    %dma_wait3A_75 = arith.constant 0 : i32
    %dma_wait3A_76 = tpu.memref_slice %arg17[%add3A_72, %dma_wait3A_75] : memref<10240x48xf32, #tpu.memory_space<vmem_shared>> -> memref<160x48xf32, #tpu.memory_space<vmem_shared>>
    tpu.wait_dma2 semaphore(%arg27 : memref<!tpu.dma_semaphore, #tpu.memory_space<semaphore_mem>>) src(%arg16 : memref<160x48xf32, #tpu.memory_space<vmem>>) dst(%dma_wait3A_76 : memref<160x48xf32, #tpu.memory_space<vmem_shared>>)
    %mul3A_77 = arith.constant 640 : i32
    %mul3A_78 = arith.muli %arg1, %mul3A_77 : i32
    %add3A_79 = arith.constant 320 : i32
    %add3A_80 = arith.addi %mul3A_78, %add3A_79 : i32
    %dma_wait3A_81 = arith.constant 0 : i32
    %dma_wait3A_82 = tpu.memref_slice %arg17[%add3A_80, %dma_wait3A_81] : memref<10240x48xf32, #tpu.memory_space<vmem_shared>> -> memref<160x48xf32, #tpu.memory_space<vmem_shared>>
    %dma_wait3A_83 = arith.constant 0 : i32
    %dma_wait3A_84 = tpu.memref_slice %arg17[%add3A_80, %dma_wait3A_83] : memref<10240x48xf32, #tpu.memory_space<vmem_shared>> -> memref<160x48xf32, #tpu.memory_space<vmem_shared>>
    tpu.wait_dma2 semaphore(%arg26 : memref<!tpu.dma_semaphore, #tpu.memory_space<semaphore_mem>>) src(%arg16 : memref<160x48xf32, #tpu.memory_space<vmem>>) dst(%dma_wait3A_84 : memref<160x48xf32, #tpu.memory_space<vmem_shared>>)
    %mul3A_85 = arith.constant 640 : i32
    %mul3A_86 = arith.muli %arg1, %mul3A_85 : i32
    %add3A_87 = arith.constant 480 : i32
    %add3A_88 = arith.addi %mul3A_86, %add3A_87 : i32
    %dma_wait3A_89 = arith.constant 0 : i32
    %dma_wait3A_90 = tpu.memref_slice %arg17[%add3A_88, %dma_wait3A_89] : memref<10240x48xf32, #tpu.memory_space<vmem_shared>> -> memref<160x48xf32, #tpu.memory_space<vmem_shared>>
    %dma_wait3A_91 = arith.constant 0 : i32
    %dma_wait3A_92 = tpu.memref_slice %arg17[%add3A_88, %dma_wait3A_91] : memref<10240x48xf32, #tpu.memory_space<vmem_shared>> -> memref<160x48xf32, #tpu.memory_space<vmem_shared>>
    tpu.wait_dma2 semaphore(%arg27 : memref<!tpu.dma_semaphore, #tpu.memory_space<semaphore_mem>>) src(%arg16 : memref<160x48xf32, #tpu.memory_space<vmem>>) dst(%dma_wait3A_92 : memref<160x48xf32, #tpu.memory_space<vmem_shared>>)
    %barrier3A = arith.constant 0 : index
    tpu.barrier barrier_id(%barrier3A)
    %dma_start3A_93 = arith.constant 0 : i32
    %dma_start3A_94 = arith.constant 0 : i32
    %dma_start3A_95 = tpu.memref_slice %arg6[%dma_start3A_93, %dma_start3A_94] : memref<80x125xi32, #tpu.memory_space<vmem>> -> memref<1x125xi32, #tpu.memory_space<vmem>>
    %dma_start3A_96 = tpu.memref_squeeze %dma_start3A_95 : memref<1x125xi32, #tpu.memory_space<vmem>> -> memref<125xi32, #tpu.memory_space<vmem>>
    %dma_start3A_97 = arith.constant 0 : i32
    %dma_start3A_98 = arith.constant 0 : i32
    %dma_start3A_99 = tpu.memref_slice %arg2[%dma_start3A_97, %dma_start3A_98] : memref<10000x48xf32, #tpu.memory_space<hbm>> -> memref<10000x48xf32, #tpu.memory_space<hbm>>
    tpu.enqueue_indirect_dma source(%dma_start3A_99 : memref<10000x48xf32, #tpu.memory_space<hbm>>) target(%arg8 : memref<125x48xf32, #tpu.memory_space<vmem>>) offsets(%dma_start3A_96 : memref<125xi32, #tpu.memory_space<vmem>>) semaphore(%arg18 : memref<!tpu.dma_semaphore, #tpu.memory_space<semaphore_mem>>)
    %dma_start3A_100 = arith.constant 1 : i32
    %dma_start3A_101 = arith.constant 0 : i32
    %dma_start3A_102 = tpu.memref_slice %arg6[%dma_start3A_100, %dma_start3A_101] : memref<80x125xi32, #tpu.memory_space<vmem>> -> memref<1x125xi32, #tpu.memory_space<vmem>>
    %dma_start3A_103 = tpu.memref_squeeze %dma_start3A_102 : memref<1x125xi32, #tpu.memory_space<vmem>> -> memref<125xi32, #tpu.memory_space<vmem>>
    %dma_start3A_104 = arith.constant 0 : i32
    %dma_start3A_105 = arith.constant 0 : i32
    %dma_start3A_106 = tpu.memref_slice %arg2[%dma_start3A_104, %dma_start3A_105] : memref<10000x48xf32, #tpu.memory_space<hbm>> -> memref<10000x48xf32, #tpu.memory_space<hbm>>
    tpu.enqueue_indirect_dma source(%dma_start3A_106 : memref<10000x48xf32, #tpu.memory_space<hbm>>) target(%arg9 : memref<125x48xf32, #tpu.memory_space<vmem>>) offsets(%dma_start3A_103 : memref<125xi32, #tpu.memory_space<vmem>>) semaphore(%arg19 : memref<!tpu.dma_semaphore, #tpu.memory_space<semaphore_mem>>)
    %dma_start3A_107 = arith.constant 2 : i32
    %dma_start3A_108 = arith.constant 0 : i32
    %dma_start3A_109 = tpu.memref_slice %arg6[%dma_start3A_107, %dma_start3A_108] : memref<80x125xi32, #tpu.memory_space<vmem>> -> memref<1x125xi32, #tpu.memory_space<vmem>>
    %dma_start3A_110 = tpu.memref_squeeze %dma_start3A_109 : memref<1x125xi32, #tpu.memory_space<vmem>> -> memref<125xi32, #tpu.memory_space<vmem>>
    %dma_start3A_111 = arith.constant 0 : i32
    %dma_start3A_112 = arith.constant 0 : i32
    %dma_start3A_113 = tpu.memref_slice %arg2[%dma_start3A_111, %dma_start3A_112] : memref<10000x48xf32, #tpu.memory_space<hbm>> -> memref<10000x48xf32, #tpu.memory_space<hbm>>
    tpu.enqueue_indirect_dma source(%dma_start3A_113 : memref<10000x48xf32, #tpu.memory_space<hbm>>) target(%arg10 : memref<125x48xf32, #tpu.memory_space<vmem>>) offsets(%dma_start3A_110 : memref<125xi32, #tpu.memory_space<vmem>>) semaphore(%arg20 : memref<!tpu.dma_semaphore, #tpu.memory_space<semaphore_mem>>)
    %dma_start3A_114 = arith.constant 3 : i32
    %dma_start3A_115 = arith.constant 0 : i32
    %dma_start3A_116 = tpu.memref_slice %arg6[%dma_start3A_114, %dma_start3A_115] : memref<80x125xi32, #tpu.memory_space<vmem>> -> memref<1x125xi32, #tpu.memory_space<vmem>>
    %dma_start3A_117 = tpu.memref_squeeze %dma_start3A_116 : memref<1x125xi32, #tpu.memory_space<vmem>> -> memref<125xi32, #tpu.memory_space<vmem>>
    %dma_start3A_118 = arith.constant 0 : i32
    %dma_start3A_119 = arith.constant 0 : i32
    %dma_start3A_120 = tpu.memref_slice %arg2[%dma_start3A_118, %dma_start3A_119] : memref<10000x48xf32, #tpu.memory_space<hbm>> -> memref<10000x48xf32, #tpu.memory_space<hbm>>
    tpu.enqueue_indirect_dma source(%dma_start3A_120 : memref<10000x48xf32, #tpu.memory_space<hbm>>) target(%arg11 : memref<125x48xf32, #tpu.memory_space<vmem>>) offsets(%dma_start3A_117 : memref<125xi32, #tpu.memory_space<vmem>>) semaphore(%arg21 : memref<!tpu.dma_semaphore, #tpu.memory_space<semaphore_mem>>)
    %dma_start3A_121 = arith.constant 4 : i32
    %dma_start3A_122 = arith.constant 0 : i32
    %dma_start3A_123 = tpu.memref_slice %arg6[%dma_start3A_121, %dma_start3A_122] : memref<80x125xi32, #tpu.memory_space<vmem>> -> memref<1x125xi32, #tpu.memory_space<vmem>>
    %dma_start3A_124 = tpu.memref_squeeze %dma_start3A_123 : memref<1x125xi32, #tpu.memory_space<vmem>> -> memref<125xi32, #tpu.memory_space<vmem>>
    %dma_start3A_125 = arith.constant 0 : i32
    %dma_start3A_126 = arith.constant 0 : i32
    %dma_start3A_127 = tpu.memref_slice %arg2[%dma_start3A_125, %dma_start3A_126] : memref<10000x48xf32, #tpu.memory_space<hbm>> -> memref<10000x48xf32, #tpu.memory_space<hbm>>
    tpu.enqueue_indirect_dma source(%dma_start3A_127 : memref<10000x48xf32, #tpu.memory_space<hbm>>) target(%arg12 : memref<125x48xf32, #tpu.memory_space<vmem>>) offsets(%dma_start3A_124 : memref<125xi32, #tpu.memory_space<vmem>>) semaphore(%arg22 : memref<!tpu.dma_semaphore, #tpu.memory_space<semaphore_mem>>)
    %dma_start3A_128 = arith.constant 5 : i32
    %dma_start3A_129 = arith.constant 0 : i32
    %dma_start3A_130 = tpu.memref_slice %arg6[%dma_start3A_128, %dma_start3A_129] : memref<80x125xi32, #tpu.memory_space<vmem>> -> memref<1x125xi32, #tpu.memory_space<vmem>>
    %dma_start3A_131 = tpu.memref_squeeze %dma_start3A_130 : memref<1x125xi32, #tpu.memory_space<vmem>> -> memref<125xi32, #tpu.memory_space<vmem>>
    %dma_start3A_132 = arith.constant 0 : i32
    %dma_start3A_133 = arith.constant 0 : i32
    %dma_start3A_134 = tpu.memref_slice %arg2[%dma_start3A_132, %dma_start3A_133] : memref<10000x48xf32, #tpu.memory_space<hbm>> -> memref<10000x48xf32, #tpu.memory_space<hbm>>
    tpu.enqueue_indirect_dma source(%dma_start3A_134 : memref<10000x48xf32, #tpu.memory_space<hbm>>) target(%arg13 : memref<125x48xf32, #tpu.memory_space<vmem>>) offsets(%dma_start3A_131 : memref<125xi32, #tpu.memory_space<vmem>>) semaphore(%arg23 : memref<!tpu.dma_semaphore, #tpu.memory_space<semaphore_mem>>)
    %scan3A_135 = arith.constant 0 : i32
    %scan3A_136 = arith.constant 0 : i32
    %scan3A_137 = arith.constant 10 : i32
    %scan3A_138 = arith.addi %scan3A_136, %scan3A_137 : i32
    %scan3A_139 = arith.constant 1 : i32
    scf.for %scan3A_160 = %scan3A_136 to %scan3A_138 step %scan3A_139  : i32 {
      %mul3A_161 = arith.constant 8 : i32
      %mul3A_162 = arith.muli %scan3A_160, %mul3A_161 : i32
      %add3A_163 = arith.constant 0 : i32
      %add3A_164 = arith.addi %mul3A_162, %add3A_163 : i32
      %dma_wait3A_165 = arith.constant 0 : i32
      %dma_wait3A_166 = tpu.memref_slice %arg6[%add3A_164, %dma_wait3A_165] : memref<80x125xi32, #tpu.memory_space<vmem>> -> memref<1x125xi32, #tpu.memory_space<vmem>>
      %dma_wait3A_167 = tpu.memref_squeeze %dma_wait3A_166 : memref<1x125xi32, #tpu.memory_space<vmem>> -> memref<125xi32, #tpu.memory_space<vmem>>
      %dma_wait3A_168 = arith.constant 0 : i32
      %dma_wait3A_169 = arith.constant 0 : i32
      %dma_wait3A_170 = tpu.memref_slice %arg2[%dma_wait3A_168, %dma_wait3A_169] : memref<10000x48xf32, #tpu.memory_space<hbm>> -> memref<10000x48xf32, #tpu.memory_space<hbm>>
      tpu.wait_indirect_dma semaphore(%arg18 : memref<!tpu.dma_semaphore, #tpu.memory_space<semaphore_mem>>) src(%dma_wait3A_170 : memref<10000x48xf32, #tpu.memory_space<hbm>>) dst(%arg8 : memref<125x48xf32, #tpu.memory_space<vmem>>)
      %dma_start3A_171 = arith.constant 0 : i32
      %dma_start3A_172 = tpu.memref_slice %arg7[%add3A_164, %dma_start3A_171] : memref<80x125xi32, #tpu.memory_space<vmem>> -> memref<1x125xi32, #tpu.memory_space<vmem>>
      %dma_start3A_173 = tpu.memref_squeeze %dma_start3A_172 : memref<1x125xi32, #tpu.memory_space<vmem>> -> memref<125xi32, #tpu.memory_space<vmem>>
      %dma_start3A_174 = arith.constant 0 : i32
      %dma_start3A_175 = arith.constant 0 : i32
      %dma_start3A_176 = tpu.memref_slice %arg17[%dma_start3A_174, %dma_start3A_175] : memref<10240x48xf32, #tpu.memory_space<vmem_shared>> -> memref<10240x48xf32, #tpu.memory_space<vmem_shared>>
      tpu.enqueue_indirect_dma source(%arg8 : memref<125x48xf32, #tpu.memory_space<vmem>>) target(%dma_start3A_176 : memref<10240x48xf32, #tpu.memory_space<vmem_shared>>) offsets(%dma_start3A_173 : memref<125xi32, #tpu.memory_space<vmem>>) semaphore(%arg26 : memref<!tpu.dma_semaphore, #tpu.memory_space<semaphore_mem>>) {add = true}
      %ge3A = arith.constant 2 : i32
      %ge3A_177 = arith.cmpi sge, %add3A_164, %ge3A : i32
      %convert_element_type3A = arith.extui %ge3A_177 : i1 to i32
      %cond3A = arith.constant 0 : i32
      %cond3A_178 = arith.cmpi ne, %convert_element_type3A, %cond3A : i32
      scf.if %cond3A_178 {
        %dma_wait3A_382 = arith.constant 0 : i32
        %dma_wait3A_383 = tpu.memref_slice %arg7[%add3A_164, %dma_wait3A_382] : memref<80x125xi32, #tpu.memory_space<vmem>> -> memref<1x125xi32, #tpu.memory_space<vmem>>
        %dma_wait3A_384 = tpu.memref_squeeze %dma_wait3A_383 : memref<1x125xi32, #tpu.memory_space<vmem>> -> memref<125xi32, #tpu.memory_space<vmem>>
        %dma_wait3A_385 = arith.constant 0 : i32
        %dma_wait3A_386 = arith.constant 0 : i32
        %dma_wait3A_387 = tpu.memref_slice %arg17[%dma_wait3A_385, %dma_wait3A_386] : memref<10240x48xf32, #tpu.memory_space<vmem_shared>> -> memref<10240x48xf32, #tpu.memory_space<vmem_shared>>
        tpu.wait_indirect_dma semaphore(%arg32 : memref<!tpu.dma_semaphore, #tpu.memory_space<semaphore_mem>>) src(%arg14 : memref<125x48xf32, #tpu.memory_space<vmem>>) dst(%dma_wait3A_387 : memref<10240x48xf32, #tpu.memory_space<vmem_shared>>)
      } else {
      }
      %add3A_179 = arith.constant 8 : i32
      %add3A_180 = arith.addi %add3A_164, %add3A_179 : i32
      %sub3A = arith.constant 2 : i32
      %sub3A_181 = arith.subi %add3A_180, %sub3A : i32
      %lt3A = arith.constant 80 : i32
      %lt3A_182 = arith.cmpi slt, %sub3A_181, %lt3A : i32
      %convert_element_type3A_183 = arith.extui %lt3A_182 : i1 to i32
      %cond3A_184 = arith.constant 0 : i32
      %cond3A_185 = arith.cmpi ne, %convert_element_type3A_183, %cond3A_184 : i32
      scf.if %cond3A_185 {
        %add3A_382 = arith.constant 8 : i32
        %add3A_383 = arith.addi %add3A_164, %add3A_382 : i32
        %sub3A_384 = arith.constant 2 : i32
        %sub3A_385 = arith.subi %add3A_383, %sub3A_384 : i32
        %dma_start3A_386 = arith.constant 0 : i32
        %dma_start3A_387 = tpu.memref_slice %arg6[%sub3A_385, %dma_start3A_386] : memref<80x125xi32, #tpu.memory_space<vmem>> -> memref<1x125xi32, #tpu.memory_space<vmem>>
        %dma_start3A_388 = tpu.memref_squeeze %dma_start3A_387 : memref<1x125xi32, #tpu.memory_space<vmem>> -> memref<125xi32, #tpu.memory_space<vmem>>
        %dma_start3A_389 = arith.constant 0 : i32
        %dma_start3A_390 = arith.constant 0 : i32
        %dma_start3A_391 = tpu.memref_slice %arg2[%dma_start3A_389, %dma_start3A_390] : memref<10000x48xf32, #tpu.memory_space<hbm>> -> memref<10000x48xf32, #tpu.memory_space<hbm>>
        tpu.enqueue_indirect_dma source(%dma_start3A_391 : memref<10000x48xf32, #tpu.memory_space<hbm>>) target(%arg14 : memref<125x48xf32, #tpu.memory_space<vmem>>) offsets(%dma_start3A_388 : memref<125xi32, #tpu.memory_space<vmem>>) semaphore(%arg24 : memref<!tpu.dma_semaphore, #tpu.memory_space<semaphore_mem>>)
      } else {
      }
      %add3A_186 = arith.constant 1 : i32
      %add3A_187 = arith.addi %mul3A_162, %add3A_186 : i32
      %dma_wait3A_188 = arith.constant 0 : i32
      %dma_wait3A_189 = tpu.memref_slice %arg6[%add3A_187, %dma_wait3A_188] : memref<80x125xi32, #tpu.memory_space<vmem>> -> memref<1x125xi32, #tpu.memory_space<vmem>>
      %dma_wait3A_190 = tpu.memref_squeeze %dma_wait3A_189 : memref<1x125xi32, #tpu.memory_space<vmem>> -> memref<125xi32, #tpu.memory_space<vmem>>
      %dma_wait3A_191 = arith.constant 0 : i32
      %dma_wait3A_192 = arith.constant 0 : i32
      %dma_wait3A_193 = tpu.memref_slice %arg2[%dma_wait3A_191, %dma_wait3A_192] : memref<10000x48xf32, #tpu.memory_space<hbm>> -> memref<10000x48xf32, #tpu.memory_space<hbm>>
      tpu.wait_indirect_dma semaphore(%arg19 : memref<!tpu.dma_semaphore, #tpu.memory_space<semaphore_mem>>) src(%dma_wait3A_193 : memref<10000x48xf32, #tpu.memory_space<hbm>>) dst(%arg9 : memref<125x48xf32, #tpu.memory_space<vmem>>)
      %dma_start3A_194 = arith.constant 0 : i32
      %dma_start3A_195 = tpu.memref_slice %arg7[%add3A_187, %dma_start3A_194] : memref<80x125xi32, #tpu.memory_space<vmem>> -> memref<1x125xi32, #tpu.memory_space<vmem>>
      %dma_start3A_196 = tpu.memref_squeeze %dma_start3A_195 : memref<1x125xi32, #tpu.memory_space<vmem>> -> memref<125xi32, #tpu.memory_space<vmem>>
      %dma_start3A_197 = arith.constant 0 : i32
      %dma_start3A_198 = arith.constant 0 : i32
      %dma_start3A_199 = tpu.memref_slice %arg17[%dma_start3A_197, %dma_start3A_198] : memref<10240x48xf32, #tpu.memory_space<vmem_shared>> -> memref<10240x48xf32, #tpu.memory_space<vmem_shared>>
      tpu.enqueue_indirect_dma source(%arg9 : memref<125x48xf32, #tpu.memory_space<vmem>>) target(%dma_start3A_199 : memref<10240x48xf32, #tpu.memory_space<vmem_shared>>) offsets(%dma_start3A_196 : memref<125xi32, #tpu.memory_space<vmem>>) semaphore(%arg27 : memref<!tpu.dma_semaphore, #tpu.memory_space<semaphore_mem>>) {add = true}
      %ge3A_200 = arith.constant 2 : i32
      %ge3A_201 = arith.cmpi sge, %add3A_187, %ge3A_200 : i32
      %convert_element_type3A_202 = arith.extui %ge3A_201 : i1 to i32
      %cond3A_203 = arith.constant 0 : i32
      %cond3A_204 = arith.cmpi ne, %convert_element_type3A_202, %cond3A_203 : i32
      scf.if %cond3A_204 {
        %dma_wait3A_382 = arith.constant 0 : i32
        %dma_wait3A_383 = tpu.memref_slice %arg7[%add3A_187, %dma_wait3A_382] : memref<80x125xi32, #tpu.memory_space<vmem>> -> memref<1x125xi32, #tpu.memory_space<vmem>>
        %dma_wait3A_384 = tpu.memref_squeeze %dma_wait3A_383 : memref<1x125xi32, #tpu.memory_space<vmem>> -> memref<125xi32, #tpu.memory_space<vmem>>
        %dma_wait3A_385 = arith.constant 0 : i32
        %dma_wait3A_386 = arith.constant 0 : i32
        %dma_wait3A_387 = tpu.memref_slice %arg17[%dma_wait3A_385, %dma_wait3A_386] : memref<10240x48xf32, #tpu.memory_space<vmem_shared>> -> memref<10240x48xf32, #tpu.memory_space<vmem_shared>>
        tpu.wait_indirect_dma semaphore(%arg33 : memref<!tpu.dma_semaphore, #tpu.memory_space<semaphore_mem>>) src(%arg15 : memref<125x48xf32, #tpu.memory_space<vmem>>) dst(%dma_wait3A_387 : memref<10240x48xf32, #tpu.memory_space<vmem_shared>>)
      } else {
      }
      %add3A_205 = arith.constant 8 : i32
      %add3A_206 = arith.addi %add3A_187, %add3A_205 : i32
      %sub3A_207 = arith.constant 2 : i32
      %sub3A_208 = arith.subi %add3A_206, %sub3A_207 : i32
      %lt3A_209 = arith.constant 80 : i32
      %lt3A_210 = arith.cmpi slt, %sub3A_208, %lt3A_209 : i32
      %convert_element_type3A_211 = arith.extui %lt3A_210 : i1 to i32
      %cond3A_212 = arith.constant 0 : i32
      %cond3A_213 = arith.cmpi ne, %convert_element_type3A_211, %cond3A_212 : i32
      scf.if %cond3A_213 {
        %add3A_382 = arith.constant 8 : i32
        %add3A_383 = arith.addi %add3A_187, %add3A_382 : i32
        %sub3A_384 = arith.constant 2 : i32
        %sub3A_385 = arith.subi %add3A_383, %sub3A_384 : i32
        %dma_start3A_386 = arith.constant 0 : i32
        %dma_start3A_387 = tpu.memref_slice %arg6[%sub3A_385, %dma_start3A_386] : memref<80x125xi32, #tpu.memory_space<vmem>> -> memref<1x125xi32, #tpu.memory_space<vmem>>
        %dma_start3A_388 = tpu.memref_squeeze %dma_start3A_387 : memref<1x125xi32, #tpu.memory_space<vmem>> -> memref<125xi32, #tpu.memory_space<vmem>>
        %dma_start3A_389 = arith.constant 0 : i32
        %dma_start3A_390 = arith.constant 0 : i32
        %dma_start3A_391 = tpu.memref_slice %arg2[%dma_start3A_389, %dma_start3A_390] : memref<10000x48xf32, #tpu.memory_space<hbm>> -> memref<10000x48xf32, #tpu.memory_space<hbm>>
        tpu.enqueue_indirect_dma source(%dma_start3A_391 : memref<10000x48xf32, #tpu.memory_space<hbm>>) target(%arg15 : memref<125x48xf32, #tpu.memory_space<vmem>>) offsets(%dma_start3A_388 : memref<125xi32, #tpu.memory_space<vmem>>) semaphore(%arg25 : memref<!tpu.dma_semaphore, #tpu.memory_space<semaphore_mem>>)
      } else {
      }
      %add3A_214 = arith.constant 2 : i32
      %add3A_215 = arith.addi %mul3A_162, %add3A_214 : i32
      %dma_wait3A_216 = arith.constant 0 : i32
      %dma_wait3A_217 = tpu.memref_slice %arg6[%add3A_215, %dma_wait3A_216] : memref<80x125xi32, #tpu.memory_space<vmem>> -> memref<1x125xi32, #tpu.memory_space<vmem>>
      %dma_wait3A_218 = tpu.memref_squeeze %dma_wait3A_217 : memref<1x125xi32, #tpu.memory_space<vmem>> -> memref<125xi32, #tpu.memory_space<vmem>>
      %dma_wait3A_219 = arith.constant 0 : i32
      %dma_wait3A_220 = arith.constant 0 : i32
      %dma_wait3A_221 = tpu.memref_slice %arg2[%dma_wait3A_219, %dma_wait3A_220] : memref<10000x48xf32, #tpu.memory_space<hbm>> -> memref<10000x48xf32, #tpu.memory_space<hbm>>
      tpu.wait_indirect_dma semaphore(%arg20 : memref<!tpu.dma_semaphore, #tpu.memory_space<semaphore_mem>>) src(%dma_wait3A_221 : memref<10000x48xf32, #tpu.memory_space<hbm>>) dst(%arg10 : memref<125x48xf32, #tpu.memory_space<vmem>>)
      %dma_start3A_222 = arith.constant 0 : i32
      %dma_start3A_223 = tpu.memref_slice %arg7[%add3A_215, %dma_start3A_222] : memref<80x125xi32, #tpu.memory_space<vmem>> -> memref<1x125xi32, #tpu.memory_space<vmem>>
      %dma_start3A_224 = tpu.memref_squeeze %dma_start3A_223 : memref<1x125xi32, #tpu.memory_space<vmem>> -> memref<125xi32, #tpu.memory_space<vmem>>
      %dma_start3A_225 = arith.constant 0 : i32
      %dma_start3A_226 = arith.constant 0 : i32
      %dma_start3A_227 = tpu.memref_slice %arg17[%dma_start3A_225, %dma_start3A_226] : memref<10240x48xf32, #tpu.memory_space<vmem_shared>> -> memref<10240x48xf32, #tpu.memory_space<vmem_shared>>
      tpu.enqueue_indirect_dma source(%arg10 : memref<125x48xf32, #tpu.memory_space<vmem>>) target(%dma_start3A_227 : memref<10240x48xf32, #tpu.memory_space<vmem_shared>>) offsets(%dma_start3A_224 : memref<125xi32, #tpu.memory_space<vmem>>) semaphore(%arg28 : memref<!tpu.dma_semaphore, #tpu.memory_space<semaphore_mem>>) {add = true}
      %ge3A_228 = arith.constant 2 : i32
      %ge3A_229 = arith.cmpi sge, %add3A_215, %ge3A_228 : i32
      %convert_element_type3A_230 = arith.extui %ge3A_229 : i1 to i32
      %cond3A_231 = arith.constant 0 : i32
      %cond3A_232 = arith.cmpi ne, %convert_element_type3A_230, %cond3A_231 : i32
      scf.if %cond3A_232 {
        %dma_wait3A_382 = arith.constant 0 : i32
        %dma_wait3A_383 = tpu.memref_slice %arg7[%add3A_215, %dma_wait3A_382] : memref<80x125xi32, #tpu.memory_space<vmem>> -> memref<1x125xi32, #tpu.memory_space<vmem>>
        %dma_wait3A_384 = tpu.memref_squeeze %dma_wait3A_383 : memref<1x125xi32, #tpu.memory_space<vmem>> -> memref<125xi32, #tpu.memory_space<vmem>>
        %dma_wait3A_385 = arith.constant 0 : i32
        %dma_wait3A_386 = arith.constant 0 : i32
        %dma_wait3A_387 = tpu.memref_slice %arg17[%dma_wait3A_385, %dma_wait3A_386] : memref<10240x48xf32, #tpu.memory_space<vmem_shared>> -> memref<10240x48xf32, #tpu.memory_space<vmem_shared>>
        tpu.wait_indirect_dma semaphore(%arg26 : memref<!tpu.dma_semaphore, #tpu.memory_space<semaphore_mem>>) src(%arg8 : memref<125x48xf32, #tpu.memory_space<vmem>>) dst(%dma_wait3A_387 : memref<10240x48xf32, #tpu.memory_space<vmem_shared>>)
      } else {
      }
      %add3A_233 = arith.constant 8 : i32
      %add3A_234 = arith.addi %add3A_215, %add3A_233 : i32
      %sub3A_235 = arith.constant 2 : i32
      %sub3A_236 = arith.subi %add3A_234, %sub3A_235 : i32
      %lt3A_237 = arith.constant 80 : i32
      %lt3A_238 = arith.cmpi slt, %sub3A_236, %lt3A_237 : i32
      %convert_element_type3A_239 = arith.extui %lt3A_238 : i1 to i32
      %cond3A_240 = arith.constant 0 : i32
      %cond3A_241 = arith.cmpi ne, %convert_element_type3A_239, %cond3A_240 : i32
      scf.if %cond3A_241 {
        %add3A_382 = arith.constant 8 : i32
        %add3A_383 = arith.addi %add3A_215, %add3A_382 : i32
        %sub3A_384 = arith.constant 2 : i32
        %sub3A_385 = arith.subi %add3A_383, %sub3A_384 : i32
        %dma_start3A_386 = arith.constant 0 : i32
        %dma_start3A_387 = tpu.memref_slice %arg6[%sub3A_385, %dma_start3A_386] : memref<80x125xi32, #tpu.memory_space<vmem>> -> memref<1x125xi32, #tpu.memory_space<vmem>>
        %dma_start3A_388 = tpu.memref_squeeze %dma_start3A_387 : memref<1x125xi32, #tpu.memory_space<vmem>> -> memref<125xi32, #tpu.memory_space<vmem>>
        %dma_start3A_389 = arith.constant 0 : i32
        %dma_start3A_390 = arith.constant 0 : i32
        %dma_start3A_391 = tpu.memref_slice %arg2[%dma_start3A_389, %dma_start3A_390] : memref<10000x48xf32, #tpu.memory_space<hbm>> -> memref<10000x48xf32, #tpu.memory_space<hbm>>
        tpu.enqueue_indirect_dma source(%dma_start3A_391 : memref<10000x48xf32, #tpu.memory_space<hbm>>) target(%arg8 : memref<125x48xf32, #tpu.memory_space<vmem>>) offsets(%dma_start3A_388 : memref<125xi32, #tpu.memory_space<vmem>>) semaphore(%arg18 : memref<!tpu.dma_semaphore, #tpu.memory_space<semaphore_mem>>)
      } else {
      }
      %add3A_242 = arith.constant 3 : i32
      %add3A_243 = arith.addi %mul3A_162, %add3A_242 : i32
      %dma_wait3A_244 = arith.constant 0 : i32
      %dma_wait3A_245 = tpu.memref_slice %arg6[%add3A_243, %dma_wait3A_244] : memref<80x125xi32, #tpu.memory_space<vmem>> -> memref<1x125xi32, #tpu.memory_space<vmem>>
      %dma_wait3A_246 = tpu.memref_squeeze %dma_wait3A_245 : memref<1x125xi32, #tpu.memory_space<vmem>> -> memref<125xi32, #tpu.memory_space<vmem>>
      %dma_wait3A_247 = arith.constant 0 : i32
      %dma_wait3A_248 = arith.constant 0 : i32
      %dma_wait3A_249 = tpu.memref_slice %arg2[%dma_wait3A_247, %dma_wait3A_248] : memref<10000x48xf32, #tpu.memory_space<hbm>> -> memref<10000x48xf32, #tpu.memory_space<hbm>>
      tpu.wait_indirect_dma semaphore(%arg21 : memref<!tpu.dma_semaphore, #tpu.memory_space<semaphore_mem>>) src(%dma_wait3A_249 : memref<10000x48xf32, #tpu.memory_space<hbm>>) dst(%arg11 : memref<125x48xf32, #tpu.memory_space<vmem>>)
      %dma_start3A_250 = arith.constant 0 : i32
      %dma_start3A_251 = tpu.memref_slice %arg7[%add3A_243, %dma_start3A_250] : memref<80x125xi32, #tpu.memory_space<vmem>> -> memref<1x125xi32, #tpu.memory_space<vmem>>
      %dma_start3A_252 = tpu.memref_squeeze %dma_start3A_251 : memref<1x125xi32, #tpu.memory_space<vmem>> -> memref<125xi32, #tpu.memory_space<vmem>>
      %dma_start3A_253 = arith.constant 0 : i32
      %dma_start3A_254 = arith.constant 0 : i32
      %dma_start3A_255 = tpu.memref_slice %arg17[%dma_start3A_253, %dma_start3A_254] : memref<10240x48xf32, #tpu.memory_space<vmem_shared>> -> memref<10240x48xf32, #tpu.memory_space<vmem_shared>>
      tpu.enqueue_indirect_dma source(%arg11 : memref<125x48xf32, #tpu.memory_space<vmem>>) target(%dma_start3A_255 : memref<10240x48xf32, #tpu.memory_space<vmem_shared>>) offsets(%dma_start3A_252 : memref<125xi32, #tpu.memory_space<vmem>>) semaphore(%arg29 : memref<!tpu.dma_semaphore, #tpu.memory_space<semaphore_mem>>) {add = true}
      %ge3A_256 = arith.constant 2 : i32
      %ge3A_257 = arith.cmpi sge, %add3A_243, %ge3A_256 : i32
      %convert_element_type3A_258 = arith.extui %ge3A_257 : i1 to i32
      %cond3A_259 = arith.constant 0 : i32
      %cond3A_260 = arith.cmpi ne, %convert_element_type3A_258, %cond3A_259 : i32
      scf.if %cond3A_260 {
        %dma_wait3A_382 = arith.constant 0 : i32
        %dma_wait3A_383 = tpu.memref_slice %arg7[%add3A_243, %dma_wait3A_382] : memref<80x125xi32, #tpu.memory_space<vmem>> -> memref<1x125xi32, #tpu.memory_space<vmem>>
        %dma_wait3A_384 = tpu.memref_squeeze %dma_wait3A_383 : memref<1x125xi32, #tpu.memory_space<vmem>> -> memref<125xi32, #tpu.memory_space<vmem>>
        %dma_wait3A_385 = arith.constant 0 : i32
        %dma_wait3A_386 = arith.constant 0 : i32
        %dma_wait3A_387 = tpu.memref_slice %arg17[%dma_wait3A_385, %dma_wait3A_386] : memref<10240x48xf32, #tpu.memory_space<vmem_shared>> -> memref<10240x48xf32, #tpu.memory_space<vmem_shared>>
        tpu.wait_indirect_dma semaphore(%arg27 : memref<!tpu.dma_semaphore, #tpu.memory_space<semaphore_mem>>) src(%arg9 : memref<125x48xf32, #tpu.memory_space<vmem>>) dst(%dma_wait3A_387 : memref<10240x48xf32, #tpu.memory_space<vmem_shared>>)
      } else {
      }
      %add3A_261 = arith.constant 8 : i32
      %add3A_262 = arith.addi %add3A_243, %add3A_261 : i32
      %sub3A_263 = arith.constant 2 : i32
      %sub3A_264 = arith.subi %add3A_262, %sub3A_263 : i32
      %lt3A_265 = arith.constant 80 : i32
      %lt3A_266 = arith.cmpi slt, %sub3A_264, %lt3A_265 : i32
      %convert_element_type3A_267 = arith.extui %lt3A_266 : i1 to i32
      %cond3A_268 = arith.constant 0 : i32
      %cond3A_269 = arith.cmpi ne, %convert_element_type3A_267, %cond3A_268 : i32
      scf.if %cond3A_269 {
        %add3A_382 = arith.constant 8 : i32
        %add3A_383 = arith.addi %add3A_243, %add3A_382 : i32
        %sub3A_384 = arith.constant 2 : i32
        %sub3A_385 = arith.subi %add3A_383, %sub3A_384 : i32
        %dma_start3A_386 = arith.constant 0 : i32
        %dma_start3A_387 = tpu.memref_slice %arg6[%sub3A_385, %dma_start3A_386] : memref<80x125xi32, #tpu.memory_space<vmem>> -> memref<1x125xi32, #tpu.memory_space<vmem>>
        %dma_start3A_388 = tpu.memref_squeeze %dma_start3A_387 : memref<1x125xi32, #tpu.memory_space<vmem>> -> memref<125xi32, #tpu.memory_space<vmem>>
        %dma_start3A_389 = arith.constant 0 : i32
        %dma_start3A_390 = arith.constant 0 : i32
        %dma_start3A_391 = tpu.memref_slice %arg2[%dma_start3A_389, %dma_start3A_390] : memref<10000x48xf32, #tpu.memory_space<hbm>> -> memref<10000x48xf32, #tpu.memory_space<hbm>>
        tpu.enqueue_indirect_dma source(%dma_start3A_391 : memref<10000x48xf32, #tpu.memory_space<hbm>>) target(%arg9 : memref<125x48xf32, #tpu.memory_space<vmem>>) offsets(%dma_start3A_388 : memref<125xi32, #tpu.memory_space<vmem>>) semaphore(%arg19 : memref<!tpu.dma_semaphore, #tpu.memory_space<semaphore_mem>>)
      } else {
      }
      %add3A_270 = arith.constant 4 : i32
      %add3A_271 = arith.addi %mul3A_162, %add3A_270 : i32
      %dma_wait3A_272 = arith.constant 0 : i32
      %dma_wait3A_273 = tpu.memref_slice %arg6[%add3A_271, %dma_wait3A_272] : memref<80x125xi32, #tpu.memory_space<vmem>> -> memref<1x125xi32, #tpu.memory_space<vmem>>
      %dma_wait3A_274 = tpu.memref_squeeze %dma_wait3A_273 : memref<1x125xi32, #tpu.memory_space<vmem>> -> memref<125xi32, #tpu.memory_space<vmem>>
      %dma_wait3A_275 = arith.constant 0 : i32
      %dma_wait3A_276 = arith.constant 0 : i32
      %dma_wait3A_277 = tpu.memref_slice %arg2[%dma_wait3A_275, %dma_wait3A_276] : memref<10000x48xf32, #tpu.memory_space<hbm>> -> memref<10000x48xf32, #tpu.memory_space<hbm>>
      tpu.wait_indirect_dma semaphore(%arg22 : memref<!tpu.dma_semaphore, #tpu.memory_space<semaphore_mem>>) src(%dma_wait3A_277 : memref<10000x48xf32, #tpu.memory_space<hbm>>) dst(%arg12 : memref<125x48xf32, #tpu.memory_space<vmem>>)
      %dma_start3A_278 = arith.constant 0 : i32
      %dma_start3A_279 = tpu.memref_slice %arg7[%add3A_271, %dma_start3A_278] : memref<80x125xi32, #tpu.memory_space<vmem>> -> memref<1x125xi32, #tpu.memory_space<vmem>>
      %dma_start3A_280 = tpu.memref_squeeze %dma_start3A_279 : memref<1x125xi32, #tpu.memory_space<vmem>> -> memref<125xi32, #tpu.memory_space<vmem>>
      %dma_start3A_281 = arith.constant 0 : i32
      %dma_start3A_282 = arith.constant 0 : i32
      %dma_start3A_283 = tpu.memref_slice %arg17[%dma_start3A_281, %dma_start3A_282] : memref<10240x48xf32, #tpu.memory_space<vmem_shared>> -> memref<10240x48xf32, #tpu.memory_space<vmem_shared>>
      tpu.enqueue_indirect_dma source(%arg12 : memref<125x48xf32, #tpu.memory_space<vmem>>) target(%dma_start3A_283 : memref<10240x48xf32, #tpu.memory_space<vmem_shared>>) offsets(%dma_start3A_280 : memref<125xi32, #tpu.memory_space<vmem>>) semaphore(%arg30 : memref<!tpu.dma_semaphore, #tpu.memory_space<semaphore_mem>>) {add = true}
      %ge3A_284 = arith.constant 2 : i32
      %ge3A_285 = arith.cmpi sge, %add3A_271, %ge3A_284 : i32
      %convert_element_type3A_286 = arith.extui %ge3A_285 : i1 to i32
      %cond3A_287 = arith.constant 0 : i32
      %cond3A_288 = arith.cmpi ne, %convert_element_type3A_286, %cond3A_287 : i32
      scf.if %cond3A_288 {
        %dma_wait3A_382 = arith.constant 0 : i32
        %dma_wait3A_383 = tpu.memref_slice %arg7[%add3A_271, %dma_wait3A_382] : memref<80x125xi32, #tpu.memory_space<vmem>> -> memref<1x125xi32, #tpu.memory_space<vmem>>
        %dma_wait3A_384 = tpu.memref_squeeze %dma_wait3A_383 : memref<1x125xi32, #tpu.memory_space<vmem>> -> memref<125xi32, #tpu.memory_space<vmem>>
        %dma_wait3A_385 = arith.constant 0 : i32
        %dma_wait3A_386 = arith.constant 0 : i32
        %dma_wait3A_387 = tpu.memref_slice %arg17[%dma_wait3A_385, %dma_wait3A_386] : memref<10240x48xf32, #tpu.memory_space<vmem_shared>> -> memref<10240x48xf32, #tpu.memory_space<vmem_shared>>
        tpu.wait_indirect_dma semaphore(%arg28 : memref<!tpu.dma_semaphore, #tpu.memory_space<semaphore_mem>>) src(%arg10 : memref<125x48xf32, #tpu.memory_space<vmem>>) dst(%dma_wait3A_387 : memref<10240x48xf32, #tpu.memory_space<vmem_shared>>)
      } else {
      }
      %add3A_289 = arith.constant 8 : i32
      %add3A_290 = arith.addi %add3A_271, %add3A_289 : i32
      %sub3A_291 = arith.constant 2 : i32
      %sub3A_292 = arith.subi %add3A_290, %sub3A_291 : i32
      %lt3A_293 = arith.constant 80 : i32
      %lt3A_294 = arith.cmpi slt, %sub3A_292, %lt3A_293 : i32
      %convert_element_type3A_295 = arith.extui %lt3A_294 : i1 to i32
      %cond3A_296 = arith.constant 0 : i32
      %cond3A_297 = arith.cmpi ne, %convert_element_type3A_295, %cond3A_296 : i32
      scf.if %cond3A_297 {
        %add3A_382 = arith.constant 8 : i32
        %add3A_383 = arith.addi %add3A_271, %add3A_382 : i32
        %sub3A_384 = arith.constant 2 : i32
        %sub3A_385 = arith.subi %add3A_383, %sub3A_384 : i32
        %dma_start3A_386 = arith.constant 0 : i32
        %dma_start3A_387 = tpu.memref_slice %arg6[%sub3A_385, %dma_start3A_386] : memref<80x125xi32, #tpu.memory_space<vmem>> -> memref<1x125xi32, #tpu.memory_space<vmem>>
        %dma_start3A_388 = tpu.memref_squeeze %dma_start3A_387 : memref<1x125xi32, #tpu.memory_space<vmem>> -> memref<125xi32, #tpu.memory_space<vmem>>
        %dma_start3A_389 = arith.constant 0 : i32
        %dma_start3A_390 = arith.constant 0 : i32
        %dma_start3A_391 = tpu.memref_slice %arg2[%dma_start3A_389, %dma_start3A_390] : memref<10000x48xf32, #tpu.memory_space<hbm>> -> memref<10000x48xf32, #tpu.memory_space<hbm>>
        tpu.enqueue_indirect_dma source(%dma_start3A_391 : memref<10000x48xf32, #tpu.memory_space<hbm>>) target(%arg10 : memref<125x48xf32, #tpu.memory_space<vmem>>) offsets(%dma_start3A_388 : memref<125xi32, #tpu.memory_space<vmem>>) semaphore(%arg20 : memref<!tpu.dma_semaphore, #tpu.memory_space<semaphore_mem>>)
      } else {
      }
      %add3A_298 = arith.constant 5 : i32
      %add3A_299 = arith.addi %mul3A_162, %add3A_298 : i32
      %dma_wait3A_300 = arith.constant 0 : i32
      %dma_wait3A_301 = tpu.memref_slice %arg6[%add3A_299, %dma_wait3A_300] : memref<80x125xi32, #tpu.memory_space<vmem>> -> memref<1x125xi32, #tpu.memory_space<vmem>>
      %dma_wait3A_302 = tpu.memref_squeeze %dma_wait3A_301 : memref<1x125xi32, #tpu.memory_space<vmem>> -> memref<125xi32, #tpu.memory_space<vmem>>
      %dma_wait3A_303 = arith.constant 0 : i32
      %dma_wait3A_304 = arith.constant 0 : i32
      %dma_wait3A_305 = tpu.memref_slice %arg2[%dma_wait3A_303, %dma_wait3A_304] : memref<10000x48xf32, #tpu.memory_space<hbm>> -> memref<10000x48xf32, #tpu.memory_space<hbm>>
      tpu.wait_indirect_dma semaphore(%arg23 : memref<!tpu.dma_semaphore, #tpu.memory_space<semaphore_mem>>) src(%dma_wait3A_305 : memref<10000x48xf32, #tpu.memory_space<hbm>>) dst(%arg13 : memref<125x48xf32, #tpu.memory_space<vmem>>)
      %dma_start3A_306 = arith.constant 0 : i32
      %dma_start3A_307 = tpu.memref_slice %arg7[%add3A_299, %dma_start3A_306] : memref<80x125xi32, #tpu.memory_space<vmem>> -> memref<1x125xi32, #tpu.memory_space<vmem>>
      %dma_start3A_308 = tpu.memref_squeeze %dma_start3A_307 : memref<1x125xi32, #tpu.memory_space<vmem>> -> memref<125xi32, #tpu.memory_space<vmem>>
      %dma_start3A_309 = arith.constant 0 : i32
      %dma_start3A_310 = arith.constant 0 : i32
      %dma_start3A_311 = tpu.memref_slice %arg17[%dma_start3A_309, %dma_start3A_310] : memref<10240x48xf32, #tpu.memory_space<vmem_shared>> -> memref<10240x48xf32, #tpu.memory_space<vmem_shared>>
      tpu.enqueue_indirect_dma source(%arg13 : memref<125x48xf32, #tpu.memory_space<vmem>>) target(%dma_start3A_311 : memref<10240x48xf32, #tpu.memory_space<vmem_shared>>) offsets(%dma_start3A_308 : memref<125xi32, #tpu.memory_space<vmem>>) semaphore(%arg31 : memref<!tpu.dma_semaphore, #tpu.memory_space<semaphore_mem>>) {add = true}
      %ge3A_312 = arith.constant 2 : i32
      %ge3A_313 = arith.cmpi sge, %add3A_299, %ge3A_312 : i32
      %convert_element_type3A_314 = arith.extui %ge3A_313 : i1 to i32
      %cond3A_315 = arith.constant 0 : i32
      %cond3A_316 = arith.cmpi ne, %convert_element_type3A_314, %cond3A_315 : i32
      scf.if %cond3A_316 {
        %dma_wait3A_382 = arith.constant 0 : i32
        %dma_wait3A_383 = tpu.memref_slice %arg7[%add3A_299, %dma_wait3A_382] : memref<80x125xi32, #tpu.memory_space<vmem>> -> memref<1x125xi32, #tpu.memory_space<vmem>>
        %dma_wait3A_384 = tpu.memref_squeeze %dma_wait3A_383 : memref<1x125xi32, #tpu.memory_space<vmem>> -> memref<125xi32, #tpu.memory_space<vmem>>
        %dma_wait3A_385 = arith.constant 0 : i32
        %dma_wait3A_386 = arith.constant 0 : i32
        %dma_wait3A_387 = tpu.memref_slice %arg17[%dma_wait3A_385, %dma_wait3A_386] : memref<10240x48xf32, #tpu.memory_space<vmem_shared>> -> memref<10240x48xf32, #tpu.memory_space<vmem_shared>>
        tpu.wait_indirect_dma semaphore(%arg29 : memref<!tpu.dma_semaphore, #tpu.memory_space<semaphore_mem>>) src(%arg11 : memref<125x48xf32, #tpu.memory_space<vmem>>) dst(%dma_wait3A_387 : memref<10240x48xf32, #tpu.memory_space<vmem_shared>>)
      } else {
      }
      %add3A_317 = arith.constant 8 : i32
      %add3A_318 = arith.addi %add3A_299, %add3A_317 : i32
      %sub3A_319 = arith.constant 2 : i32
      %sub3A_320 = arith.subi %add3A_318, %sub3A_319 : i32
      %lt3A_321 = arith.constant 80 : i32
      %lt3A_322 = arith.cmpi slt, %sub3A_320, %lt3A_321 : i32
      %convert_element_type3A_323 = arith.extui %lt3A_322 : i1 to i32
      %cond3A_324 = arith.constant 0 : i32
      %cond3A_325 = arith.cmpi ne, %convert_element_type3A_323, %cond3A_324 : i32
      scf.if %cond3A_325 {
        %add3A_382 = arith.constant 8 : i32
        %add3A_383 = arith.addi %add3A_299, %add3A_382 : i32
        %sub3A_384 = arith.constant 2 : i32
        %sub3A_385 = arith.subi %add3A_383, %sub3A_384 : i32
        %dma_start3A_386 = arith.constant 0 : i32
        %dma_start3A_387 = tpu.memref_slice %arg6[%sub3A_385, %dma_start3A_386] : memref<80x125xi32, #tpu.memory_space<vmem>> -> memref<1x125xi32, #tpu.memory_space<vmem>>
        %dma_start3A_388 = tpu.memref_squeeze %dma_start3A_387 : memref<1x125xi32, #tpu.memory_space<vmem>> -> memref<125xi32, #tpu.memory_space<vmem>>
        %dma_start3A_389 = arith.constant 0 : i32
        %dma_start3A_390 = arith.constant 0 : i32
        %dma_start3A_391 = tpu.memref_slice %arg2[%dma_start3A_389, %dma_start3A_390] : memref<10000x48xf32, #tpu.memory_space<hbm>> -> memref<10000x48xf32, #tpu.memory_space<hbm>>
        tpu.enqueue_indirect_dma source(%dma_start3A_391 : memref<10000x48xf32, #tpu.memory_space<hbm>>) target(%arg11 : memref<125x48xf32, #tpu.memory_space<vmem>>) offsets(%dma_start3A_388 : memref<125xi32, #tpu.memory_space<vmem>>) semaphore(%arg21 : memref<!tpu.dma_semaphore, #tpu.memory_space<semaphore_mem>>)
      } else {
      }
      %add3A_326 = arith.constant 6 : i32
      %add3A_327 = arith.addi %mul3A_162, %add3A_326 : i32
      %dma_wait3A_328 = arith.constant 0 : i32
      %dma_wait3A_329 = tpu.memref_slice %arg6[%add3A_327, %dma_wait3A_328] : memref<80x125xi32, #tpu.memory_space<vmem>> -> memref<1x125xi32, #tpu.memory_space<vmem>>
      %dma_wait3A_330 = tpu.memref_squeeze %dma_wait3A_329 : memref<1x125xi32, #tpu.memory_space<vmem>> -> memref<125xi32, #tpu.memory_space<vmem>>
      %dma_wait3A_331 = arith.constant 0 : i32
      %dma_wait3A_332 = arith.constant 0 : i32
      %dma_wait3A_333 = tpu.memref_slice %arg2[%dma_wait3A_331, %dma_wait3A_332] : memref<10000x48xf32, #tpu.memory_space<hbm>> -> memref<10000x48xf32, #tpu.memory_space<hbm>>
      tpu.wait_indirect_dma semaphore(%arg24 : memref<!tpu.dma_semaphore, #tpu.memory_space<semaphore_mem>>) src(%dma_wait3A_333 : memref<10000x48xf32, #tpu.memory_space<hbm>>) dst(%arg14 : memref<125x48xf32, #tpu.memory_space<vmem>>)
      %dma_start3A_334 = arith.constant 0 : i32
      %dma_start3A_335 = tpu.memref_slice %arg7[%add3A_327, %dma_start3A_334] : memref<80x125xi32, #tpu.memory_space<vmem>> -> memref<1x125xi32, #tpu.memory_space<vmem>>
      %dma_start3A_336 = tpu.memref_squeeze %dma_start3A_335 : memref<1x125xi32, #tpu.memory_space<vmem>> -> memref<125xi32, #tpu.memory_space<vmem>>
      %dma_start3A_337 = arith.constant 0 : i32
      %dma_start3A_338 = arith.constant 0 : i32
      %dma_start3A_339 = tpu.memref_slice %arg17[%dma_start3A_337, %dma_start3A_338] : memref<10240x48xf32, #tpu.memory_space<vmem_shared>> -> memref<10240x48xf32, #tpu.memory_space<vmem_shared>>
      tpu.enqueue_indirect_dma source(%arg14 : memref<125x48xf32, #tpu.memory_space<vmem>>) target(%dma_start3A_339 : memref<10240x48xf32, #tpu.memory_space<vmem_shared>>) offsets(%dma_start3A_336 : memref<125xi32, #tpu.memory_space<vmem>>) semaphore(%arg32 : memref<!tpu.dma_semaphore, #tpu.memory_space<semaphore_mem>>) {add = true}
      %ge3A_340 = arith.constant 2 : i32
      %ge3A_341 = arith.cmpi sge, %add3A_327, %ge3A_340 : i32
      %convert_element_type3A_342 = arith.extui %ge3A_341 : i1 to i32
      %cond3A_343 = arith.constant 0 : i32
      %cond3A_344 = arith.cmpi ne, %convert_element_type3A_342, %cond3A_343 : i32
      scf.if %cond3A_344 {
        %dma_wait3A_382 = arith.constant 0 : i32
        %dma_wait3A_383 = tpu.memref_slice %arg7[%add3A_327, %dma_wait3A_382] : memref<80x125xi32, #tpu.memory_space<vmem>> -> memref<1x125xi32, #tpu.memory_space<vmem>>
        %dma_wait3A_384 = tpu.memref_squeeze %dma_wait3A_383 : memref<1x125xi32, #tpu.memory_space<vmem>> -> memref<125xi32, #tpu.memory_space<vmem>>
        %dma_wait3A_385 = arith.constant 0 : i32
        %dma_wait3A_386 = arith.constant 0 : i32
        %dma_wait3A_387 = tpu.memref_slice %arg17[%dma_wait3A_385, %dma_wait3A_386] : memref<10240x48xf32, #tpu.memory_space<vmem_shared>> -> memref<10240x48xf32, #tpu.memory_space<vmem_shared>>
        tpu.wait_indirect_dma semaphore(%arg30 : memref<!tpu.dma_semaphore, #tpu.memory_space<semaphore_mem>>) src(%arg12 : memref<125x48xf32, #tpu.memory_space<vmem>>) dst(%dma_wait3A_387 : memref<10240x48xf32, #tpu.memory_space<vmem_shared>>)
      } else {
      }
      %add3A_345 = arith.constant 8 : i32
      %add3A_346 = arith.addi %add3A_327, %add3A_345 : i32
      %sub3A_347 = arith.constant 2 : i32
      %sub3A_348 = arith.subi %add3A_346, %sub3A_347 : i32
      %lt3A_349 = arith.constant 80 : i32
      %lt3A_350 = arith.cmpi slt, %sub3A_348, %lt3A_349 : i32
      %convert_element_type3A_351 = arith.extui %lt3A_350 : i1 to i32
      %cond3A_352 = arith.constant 0 : i32
      %cond3A_353 = arith.cmpi ne, %convert_element_type3A_351, %cond3A_352 : i32
      scf.if %cond3A_353 {
        %add3A_382 = arith.constant 8 : i32
        %add3A_383 = arith.addi %add3A_327, %add3A_382 : i32
        %sub3A_384 = arith.constant 2 : i32
        %sub3A_385 = arith.subi %add3A_383, %sub3A_384 : i32
        %dma_start3A_386 = arith.constant 0 : i32
        %dma_start3A_387 = tpu.memref_slice %arg6[%sub3A_385, %dma_start3A_386] : memref<80x125xi32, #tpu.memory_space<vmem>> -> memref<1x125xi32, #tpu.memory_space<vmem>>
        %dma_start3A_388 = tpu.memref_squeeze %dma_start3A_387 : memref<1x125xi32, #tpu.memory_space<vmem>> -> memref<125xi32, #tpu.memory_space<vmem>>
        %dma_start3A_389 = arith.constant 0 : i32
        %dma_start3A_390 = arith.constant 0 : i32
        %dma_start3A_391 = tpu.memref_slice %arg2[%dma_start3A_389, %dma_start3A_390] : memref<10000x48xf32, #tpu.memory_space<hbm>> -> memref<10000x48xf32, #tpu.memory_space<hbm>>
        tpu.enqueue_indirect_dma source(%dma_start3A_391 : memref<10000x48xf32, #tpu.memory_space<hbm>>) target(%arg12 : memref<125x48xf32, #tpu.memory_space<vmem>>) offsets(%dma_start3A_388 : memref<125xi32, #tpu.memory_space<vmem>>) semaphore(%arg22 : memref<!tpu.dma_semaphore, #tpu.memory_space<semaphore_mem>>)
      } else {
      }
      %add3A_354 = arith.constant 7 : i32
      %add3A_355 = arith.addi %mul3A_162, %add3A_354 : i32
      %dma_wait3A_356 = arith.constant 0 : i32
      %dma_wait3A_357 = tpu.memref_slice %arg6[%add3A_355, %dma_wait3A_356] : memref<80x125xi32, #tpu.memory_space<vmem>> -> memref<1x125xi32, #tpu.memory_space<vmem>>
      %dma_wait3A_358 = tpu.memref_squeeze %dma_wait3A_357 : memref<1x125xi32, #tpu.memory_space<vmem>> -> memref<125xi32, #tpu.memory_space<vmem>>
      %dma_wait3A_359 = arith.constant 0 : i32
      %dma_wait3A_360 = arith.constant 0 : i32
      %dma_wait3A_361 = tpu.memref_slice %arg2[%dma_wait3A_359, %dma_wait3A_360] : memref<10000x48xf32, #tpu.memory_space<hbm>> -> memref<10000x48xf32, #tpu.memory_space<hbm>>
      tpu.wait_indirect_dma semaphore(%arg25 : memref<!tpu.dma_semaphore, #tpu.memory_space<semaphore_mem>>) src(%dma_wait3A_361 : memref<10000x48xf32, #tpu.memory_space<hbm>>) dst(%arg15 : memref<125x48xf32, #tpu.memory_space<vmem>>)
      %dma_start3A_362 = arith.constant 0 : i32
      %dma_start3A_363 = tpu.memref_slice %arg7[%add3A_355, %dma_start3A_362] : memref<80x125xi32, #tpu.memory_space<vmem>> -> memref<1x125xi32, #tpu.memory_space<vmem>>
      %dma_start3A_364 = tpu.memref_squeeze %dma_start3A_363 : memref<1x125xi32, #tpu.memory_space<vmem>> -> memref<125xi32, #tpu.memory_space<vmem>>
      %dma_start3A_365 = arith.constant 0 : i32
      %dma_start3A_366 = arith.constant 0 : i32
      %dma_start3A_367 = tpu.memref_slice %arg17[%dma_start3A_365, %dma_start3A_366] : memref<10240x48xf32, #tpu.memory_space<vmem_shared>> -> memref<10240x48xf32, #tpu.memory_space<vmem_shared>>
      tpu.enqueue_indirect_dma source(%arg15 : memref<125x48xf32, #tpu.memory_space<vmem>>) target(%dma_start3A_367 : memref<10240x48xf32, #tpu.memory_space<vmem_shared>>) offsets(%dma_start3A_364 : memref<125xi32, #tpu.memory_space<vmem>>) semaphore(%arg33 : memref<!tpu.dma_semaphore, #tpu.memory_space<semaphore_mem>>) {add = true}
      %ge3A_368 = arith.constant 2 : i32
      %ge3A_369 = arith.cmpi sge, %add3A_355, %ge3A_368 : i32
      %convert_element_type3A_370 = arith.extui %ge3A_369 : i1 to i32
      %cond3A_371 = arith.constant 0 : i32
      %cond3A_372 = arith.cmpi ne, %convert_element_type3A_370, %cond3A_371 : i32
      scf.if %cond3A_372 {
        %dma_wait3A_382 = arith.constant 0 : i32
        %dma_wait3A_383 = tpu.memref_slice %arg7[%add3A_355, %dma_wait3A_382] : memref<80x125xi32, #tpu.memory_space<vmem>> -> memref<1x125xi32, #tpu.memory_space<vmem>>
        %dma_wait3A_384 = tpu.memref_squeeze %dma_wait3A_383 : memref<1x125xi32, #tpu.memory_space<vmem>> -> memref<125xi32, #tpu.memory_space<vmem>>
        %dma_wait3A_385 = arith.constant 0 : i32
        %dma_wait3A_386 = arith.constant 0 : i32
        %dma_wait3A_387 = tpu.memref_slice %arg17[%dma_wait3A_385, %dma_wait3A_386] : memref<10240x48xf32, #tpu.memory_space<vmem_shared>> -> memref<10240x48xf32, #tpu.memory_space<vmem_shared>>
        tpu.wait_indirect_dma semaphore(%arg31 : memref<!tpu.dma_semaphore, #tpu.memory_space<semaphore_mem>>) src(%arg13 : memref<125x48xf32, #tpu.memory_space<vmem>>) dst(%dma_wait3A_387 : memref<10240x48xf32, #tpu.memory_space<vmem_shared>>)
      } else {
      }
      %add3A_373 = arith.constant 8 : i32
      %add3A_374 = arith.addi %add3A_355, %add3A_373 : i32
      %sub3A_375 = arith.constant 2 : i32
      %sub3A_376 = arith.subi %add3A_374, %sub3A_375 : i32
      %lt3A_377 = arith.constant 80 : i32
      %lt3A_378 = arith.cmpi slt, %sub3A_376, %lt3A_377 : i32
      %convert_element_type3A_379 = arith.extui %lt3A_378 : i1 to i32
      %cond3A_380 = arith.constant 0 : i32
      %cond3A_381 = arith.cmpi ne, %convert_element_type3A_379, %cond3A_380 : i32
      scf.if %cond3A_381 {
        %add3A_382 = arith.constant 8 : i32
        %add3A_383 = arith.addi %add3A_355, %add3A_382 : i32
        %sub3A_384 = arith.constant 2 : i32
        %sub3A_385 = arith.subi %add3A_383, %sub3A_384 : i32
        %dma_start3A_386 = arith.constant 0 : i32
        %dma_start3A_387 = tpu.memref_slice %arg6[%sub3A_385, %dma_start3A_386] : memref<80x125xi32, #tpu.memory_space<vmem>> -> memref<1x125xi32, #tpu.memory_space<vmem>>
        %dma_start3A_388 = tpu.memref_squeeze %dma_start3A_387 : memref<1x125xi32, #tpu.memory_space<vmem>> -> memref<125xi32, #tpu.memory_space<vmem>>
        %dma_start3A_389 = arith.constant 0 : i32
        %dma_start3A_390 = arith.constant 0 : i32
        %dma_start3A_391 = tpu.memref_slice %arg2[%dma_start3A_389, %dma_start3A_390] : memref<10000x48xf32, #tpu.memory_space<hbm>> -> memref<10000x48xf32, #tpu.memory_space<hbm>>
        tpu.enqueue_indirect_dma source(%dma_start3A_391 : memref<10000x48xf32, #tpu.memory_space<hbm>>) target(%arg13 : memref<125x48xf32, #tpu.memory_space<vmem>>) offsets(%dma_start3A_388 : memref<125xi32, #tpu.memory_space<vmem>>) semaphore(%arg23 : memref<!tpu.dma_semaphore, #tpu.memory_space<semaphore_mem>>)
      } else {
      }
    }
    %scan3A_140 = arith.constant 10 : i32
    %dma_wait3A_141 = arith.constant 78 : i32
    %dma_wait3A_142 = arith.constant 0 : i32
    %dma_wait3A_143 = tpu.memref_slice %arg7[%dma_wait3A_141, %dma_wait3A_142] : memref<80x125xi32, #tpu.memory_space<vmem>> -> memref<1x125xi32, #tpu.memory_space<vmem>>
    %dma_wait3A_144 = tpu.memref_squeeze %dma_wait3A_143 : memref<1x125xi32, #tpu.memory_space<vmem>> -> memref<125xi32, #tpu.memory_space<vmem>>
    %dma_wait3A_145 = arith.constant 0 : i32
    %dma_wait3A_146 = arith.constant 0 : i32
    %dma_wait3A_147 = tpu.memref_slice %arg17[%dma_wait3A_145, %dma_wait3A_146] : memref<10240x48xf32, #tpu.memory_space<vmem_shared>> -> memref<10240x48xf32, #tpu.memory_space<vmem_shared>>
    tpu.wait_indirect_dma semaphore(%arg32 : memref<!tpu.dma_semaphore, #tpu.memory_space<semaphore_mem>>) src(%arg14 : memref<125x48xf32, #tpu.memory_space<vmem>>) dst(%dma_wait3A_147 : memref<10240x48xf32, #tpu.memory_space<vmem_shared>>)
    %dma_wait3A_148 = arith.constant 79 : i32
    %dma_wait3A_149 = arith.constant 0 : i32
    %dma_wait3A_150 = tpu.memref_slice %arg7[%dma_wait3A_148, %dma_wait3A_149] : memref<80x125xi32, #tpu.memory_space<vmem>> -> memref<1x125xi32, #tpu.memory_space<vmem>>
    %dma_wait3A_151 = tpu.memref_squeeze %dma_wait3A_150 : memref<1x125xi32, #tpu.memory_space<vmem>> -> memref<125xi32, #tpu.memory_space<vmem>>
    %dma_wait3A_152 = arith.constant 0 : i32
    %dma_wait3A_153 = arith.constant 0 : i32
    %dma_wait3A_154 = tpu.memref_slice %arg17[%dma_wait3A_152, %dma_wait3A_153] : memref<10240x48xf32, #tpu.memory_space<vmem_shared>> -> memref<10240x48xf32, #tpu.memory_space<vmem_shared>>
    tpu.wait_indirect_dma semaphore(%arg33 : memref<!tpu.dma_semaphore, #tpu.memory_space<semaphore_mem>>) src(%arg15 : memref<125x48xf32, #tpu.memory_space<vmem>>) dst(%dma_wait3A_154 : memref<10240x48xf32, #tpu.memory_space<vmem_shared>>)
    %barrier3A_155 = arith.constant 0 : index
    tpu.barrier barrier_id(%barrier3A_155)
    %mul3A_156 = arith.constant 640 : i32
    %mul3A_157 = arith.muli %arg1, %mul3A_156 : i32
    %mul3A_158 = arith.constant 640 : i32
    %mul3A_159 = arith.muli %arg1, %mul3A_158 : i32
    "tpu.region"() ({
      %run_scoped3A = tpu.sem_alloc : memref<!tpu.dma_semaphore, #tpu.memory_space<semaphore_mem>>
      %dma_start3A_160 = arith.constant 0 : i32
      %dma_start3A_161 = tpu.memref_slice %arg5[%arg0, %mul3A_159, %dma_start3A_160] : memref<2x10240x48xf32, #tpu.memory_space<hbm>> -> memref<1x640x48xf32, #tpu.memory_space<hbm>>
      %dma_start3A_162 = tpu.memref_squeeze %dma_start3A_161 : memref<1x640x48xf32, #tpu.memory_space<hbm>> -> memref<640x48xf32, #tpu.memory_space<hbm>>
      %dma_start3A_163 = arith.constant 0 : i32
      %dma_start3A_164 = tpu.memref_slice %arg17[%mul3A_157, %dma_start3A_163] : memref<10240x48xf32, #tpu.memory_space<vmem_shared>> -> memref<640x48xf32, #tpu.memory_space<vmem_shared>>
      tpu.enqueue_dma source(%dma_start3A_164 : memref<640x48xf32, #tpu.memory_space<vmem_shared>>) target(%dma_start3A_162 : memref<640x48xf32, #tpu.memory_space<hbm>>) target_semaphore(%run_scoped3A : memref<!tpu.dma_semaphore, #tpu.memory_space<semaphore_mem>>)
      %dma_wait3A_165 = arith.constant 0 : i32
      %dma_wait3A_166 = tpu.memref_slice %arg5[%arg0, %mul3A_159, %dma_wait3A_165] : memref<2x10240x48xf32, #tpu.memory_space<hbm>> -> memref<1x640x48xf32, #tpu.memory_space<hbm>>
      %dma_wait3A_167 = tpu.memref_squeeze %dma_wait3A_166 : memref<1x640x48xf32, #tpu.memory_space<hbm>> -> memref<640x48xf32, #tpu.memory_space<hbm>>
      %dma_wait3A_168 = arith.constant 0 : i32
      %dma_wait3A_169 = tpu.memref_slice %arg17[%mul3A_157, %dma_wait3A_168] : memref<10240x48xf32, #tpu.memory_space<vmem_shared>> -> memref<640x48xf32, #tpu.memory_space<vmem_shared>>
      tpu.wait_dma2 semaphore(%run_scoped3A : memref<!tpu.dma_semaphore, #tpu.memory_space<semaphore_mem>>) src(%dma_wait3A_169 : memref<640x48xf32, #tpu.memory_space<vmem_shared>>) dst(%dma_wait3A_167 : memref<640x48xf32, #tpu.memory_space<hbm>>)
      tpu.yield
    }) : () -> ()
    return
  }
}

#map = affine_map<(d0, d1) -> (0, 0)>
#map1 = affine_map<(d0, d1) -> (0, 0, 0)>
module attributes {stable_mosaic.version = 14 : i64} {
  func.func @k(%arg0: i32, %arg1: i32, %arg2: memref<10000x48xf32, #tpu.memory_space<hbm>>, %arg3: memref<2560x125xi32, #tpu.memory_space<hbm>>, %arg4: memref<2560x125xi32, #tpu.memory_space<hbm>>, %arg5: memref<2x10240x48xf32, #tpu.memory_space<hbm>>, %arg6: memref<80x125xi32, #tpu.memory_space<vmem>>, %arg7: memref<80x125xi32, #tpu.memory_space<vmem>>, %arg8: memref<125x48xf32, #tpu.memory_space<vmem>>, %arg9: memref<125x48xf32, #tpu.memory_space<vmem>>, %arg10: memref<125x48xf32, #tpu.memory_space<vmem>>, %arg11: memref<125x48xf32, #tpu.memory_space<vmem>>, %arg12: memref<125x48xf32, #tpu.memory_space<vmem>>, %arg13: memref<125x48xf32, #tpu.memory_space<vmem>>, %arg14: memref<125x48xf32, #tpu.memory_space<vmem>>, %arg15: memref<125x48xf32, #tpu.memory_space<vmem>>, %arg16: memref<160x48xf32, #tpu.memory_space<vmem>>, %arg17: memref<10240x48xf32, #tpu.memory_space<vmem_shared>>, %arg18: memref<!tpu.dma_semaphore, #tpu.memory_space<semaphore_mem>>, %arg19: memref<!tpu.dma_semaphore, #tpu.memory_space<semaphore_mem>>, %arg20: memref<!tpu.dma_semaphore, #tpu.memory_space<semaphore_mem>>, %arg21: memref<!tpu.dma_semaphore, #tpu.memory_space<semaphore_mem>>, %arg22: memref<!tpu.dma_semaphore, #tpu.memory_space<semaphore_mem>>, %arg23: memref<!tpu.dma_semaphore, #tpu.memory_space<semaphore_mem>>, %arg24: memref<!tpu.dma_semaphore, #tpu.memory_space<semaphore_mem>>, %arg25: memref<!tpu.dma_semaphore, #tpu.memory_space<semaphore_mem>>, %arg26: memref<!tpu.dma_semaphore, #tpu.memory_space<semaphore_mem>>, %arg27: memref<!tpu.dma_semaphore, #tpu.memory_space<semaphore_mem>>, %arg28: memref<!tpu.dma_semaphore, #tpu.memory_space<semaphore_mem>>, %arg29: memref<!tpu.dma_semaphore, #tpu.memory_space<semaphore_mem>>, %arg30: memref<!tpu.dma_semaphore, #tpu.memory_space<semaphore_mem>>, %arg31: memref<!tpu.dma_semaphore, #tpu.memory_space<semaphore_mem>>, %arg32: memref<!tpu.dma_semaphore, #tpu.memory_space<semaphore_mem>>, %arg33: memref<!tpu.dma_semaphore, #tpu.memory_space<semaphore_mem>>) attributes {dimension_semantics = [#tpu.dimension_semantics<core_parallel>, #tpu.dimension_semantics<subcore_parallel>], iteration_bounds = array<i64: 2, 16>, scalar_prefetch = 0 : i64, scratch_operands = 28 : i64, tpu.core_type = #tpu.core_type<sc_vector_subcore>, window_params = [{transform_indices = #map}, {transform_indices = #map}, {transform_indices = #map}, {transform_indices = #map1}]} {
    %mul3A = arith.constant 16 : i32
    %mul3A_0 = arith.muli %arg0, %mul3A : i32
    %add3A = arith.addi %mul3A_0, %arg1 : i32
    %broadcast_in_dim3A = arith.constant 0.000000e+00 : f32
    %broadcast_in_dim3A_1 = vector.broadcast %broadcast_in_dim3A : f32 to vector<16xf32>
    %mul3A_2 = arith.constant 80 : i32
    %mul3A_3 = arith.muli %add3A, %mul3A_2 : i32
    %dma_start3A = arith.constant 0 : i32
    %dma_start3A_4 = tpu.memref_slice %arg3[%mul3A_3, %dma_start3A] : memref<2560x125xi32, #tpu.memory_space<hbm>> -> memref<80x125xi32, #tpu.memory_space<hbm>>
    %dma_start3A_5 = arith.constant 0 : i32
    %dma_start3A_6 = tpu.memref_slice %arg3[%mul3A_3, %dma_start3A_5] : memref<2560x125xi32, #tpu.memory_space<hbm>> -> memref<80x125xi32, #tpu.memory_space<hbm>>
    tpu.enqueue_dma source(%dma_start3A_6 : memref<80x125xi32, #tpu.memory_space<hbm>>) target(%arg6 : memref<80x125xi32, #tpu.memory_space<vmem>>) target_semaphore(%arg18 : memref<!tpu.dma_semaphore, #tpu.memory_space<semaphore_mem>>)
    %mul3A_7 = arith.constant 80 : i32
    %mul3A_8 = arith.muli %add3A, %mul3A_7 : i32
    %dma_start3A_9 = arith.constant 0 : i32
    %dma_start3A_10 = tpu.memref_slice %arg4[%mul3A_8, %dma_start3A_9] : memref<2560x125xi32, #tpu.memory_space<hbm>> -> memref<80x125xi32, #tpu.memory_space<hbm>>
    %dma_start3A_11 = arith.constant 0 : i32
    %dma_start3A_12 = tpu.memref_slice %arg4[%mul3A_8, %dma_start3A_11] : memref<2560x125xi32, #tpu.memory_space<hbm>> -> memref<80x125xi32, #tpu.memory_space<hbm>>
    tpu.enqueue_dma source(%dma_start3A_12 : memref<80x125xi32, #tpu.memory_space<hbm>>) target(%arg7 : memref<80x125xi32, #tpu.memory_space<vmem>>) target_semaphore(%arg19 : memref<!tpu.dma_semaphore, #tpu.memory_space<semaphore_mem>>)
    %scan3A = arith.constant 0 : i32
    %scan3A_13 = arith.constant 0 : i32
    %scan3A_14 = arith.constant 160 : i32
    %scan3A_15 = arith.addi %scan3A_13, %scan3A_14 : i32
    %scan3A_16 = arith.constant 1 : i32
    scf.for %scan3A_160 = %scan3A_13 to %scan3A_15 step %scan3A_16  : i32 {
      %swap3A = arith.index_cast %scan3A_160 : i32 to index
      %swap3A_161 = arith.constant 0 : index
      %swap3A_162 = tpu.vector_load %arg16[%swap3A, %swap3A_161] {strides = array<i32>} : memref<160x48xf32, #tpu.memory_space<vmem>>, vector<1x16xf32>,
      %swap3A_163 = vector.shape_cast %swap3A_162 : vector<1x16xf32> to vector<16xf32>
      %swap3A_164 = vector.shape_cast %broadcast_in_dim3A_1 : vector<16xf32> to vector<1x16xf32>
      tpu.vector_store %arg16[%swap3A, %swap3A_161], %swap3A_164 {strides = array<i32>} : memref<160x48xf32, #tpu.memory_space<vmem>>, vector<1x16xf32>,
      %swap3A_165 = arith.index_cast %scan3A_160 : i32 to index
      %swap3A_166 = arith.constant 16 : index
      %swap3A_167 = tpu.vector_load %arg16[%swap3A_165, %swap3A_166] {strides = array<i32>} : memref<160x48xf32, #tpu.memory_space<vmem>>, vector<1x16xf32>,
      %swap3A_168 = vector.shape_cast %swap3A_167 : vector<1x16xf32> to vector<16xf32>
      %swap3A_169 = vector.shape_cast %broadcast_in_dim3A_1 : vector<16xf32> to vector<1x16xf32>
      tpu.vector_store %arg16[%swap3A_165, %swap3A_166], %swap3A_169 {strides = array<i32>} : memref<160x48xf32, #tpu.memory_space<vmem>>, vector<1x16xf32>,
      %swap3A_170 = arith.index_cast %scan3A_160 : i32 to index
      %swap3A_171 = arith.constant 32 : index
      %swap3A_172 = tpu.vector_load %arg16[%swap3A_170, %swap3A_171] {strides = array<i32>} : memref<160x48xf32, #tpu.memory_space<vmem>>, vector<1x16xf32>,
      %swap3A_173 = vector.shape_cast %swap3A_172 : vector<1x16xf32> to vector<16xf32>
      %swap3A_174 = vector.shape_cast %broadcast_in_dim3A_1 : vector<16xf32> to vector<1x16xf32>
      tpu.vector_store %arg16[%swap3A_170, %swap3A_171], %swap3A_174 {strides = array<i32>} : memref<160x48xf32, #tpu.memory_space<vmem>>, vector<1x16xf32>,
    }
    %scan3A_17 = arith.constant 160 : i32
    %mul3A_18 = arith.constant 640 : i32
    %mul3A_19 = arith.muli %arg1, %mul3A_18 : i32
    %add3A_20 = arith.constant 0 : i32
    %add3A_21 = arith.addi %mul3A_19, %add3A_20 : i32
    %dma_start3A_22 = arith.constant 0 : i32
    %dma_start3A_23 = tpu.memref_slice %arg17[%add3A_21, %dma_start3A_22] : memref<10240x48xf32, #tpu.memory_space<vmem_shared>> -> memref<160x48xf32, #tpu.memory_space<vmem_shared>>
    %dma_start3A_24 = arith.constant 0 : i32
    %dma_start3A_25 = tpu.memref_slice %arg17[%add3A_21, %dma_start3A_24] : memref<10240x48xf32, #tpu.memory_space<vmem_shared>> -> memref<160x48xf32, #tpu.memory_space<vmem_shared>>
    tpu.enqueue_dma source(%arg16 : memref<160x48xf32, #tpu.memory_space<vmem>>) target(%dma_start3A_25 : memref<160x48xf32, #tpu.memory_space<vmem_shared>>) target_semaphore(%arg26 : memref<!tpu.dma_semaphore, #tpu.memory_space<semaphore_mem>>)
    %mul3A_26 = arith.constant 640 : i32
    %mul3A_27 = arith.muli %arg1, %mul3A_26 : i32
    %add3A_28 = arith.constant 160 : i32
    %add3A_29 = arith.addi %mul3A_27, %add3A_28 : i32
    %dma_start3A_30 = arith.constant 0 : i32
    %dma_start3A_31 = tpu.memref_slice %arg17[%add3A_29, %dma_start3A_30] : memref<10240x48xf32, #tpu.memory_space<vmem_shared>> -> memref<160x48xf32, #tpu.memory_space<vmem_shared>>
    %dma_start3A_32 = arith.constant 0 : i32
    %dma_start3A_33 = tpu.memref_slice %arg17[%add3A_29, %dma_start3A_32] : memref<10240x48xf32, #tpu.memory_space<vmem_shared>> -> memref<160x48xf32, #tpu.memory_space<vmem_shared>>
    tpu.enqueue_dma source(%arg16 : memref<160x48xf32, #tpu.memory_space<vmem>>) target(%dma_start3A_33 : memref<160x48xf32, #tpu.memory_space<vmem_shared>>) target_semaphore(%arg27 : memref<!tpu.dma_semaphore, #tpu.memory_space<semaphore_mem>>)
    %mul3A_34 = arith.constant 640 : i32
    %mul3A_35 = arith.muli %arg1, %mul3A_34 : i32
    %add3A_36 = arith.constant 320 : i32
    %add3A_37 = arith.addi %mul3A_35, %add3A_36 : i32
    %dma_start3A_38 = arith.constant 0 : i32
    %dma_start3A_39 = tpu.memref_slice %arg17[%add3A_37, %dma_start3A_38] : memref<10240x48xf32, #tpu.memory_space<vmem_shared>> -> memref<160x48xf32, #tpu.memory_space<vmem_shared>>
    %dma_start3A_40 = arith.constant 0 : i32
    %dma_start3A_41 = tpu.memref_slice %arg17[%add3A_37, %dma_start3A_40] : memref<10240x48xf32, #tpu.memory_space<vmem_shared>> -> memref<160x48xf32, #tpu.memory_space<vmem_shared>>
    tpu.enqueue_dma source(%arg16 : memref<160x48xf32, #tpu.memory_space<vmem>>) target(%dma_start3A_41 : memref<160x48xf32, #tpu.memory_space<vmem_shared>>) target_semaphore(%arg26 : memref<!tpu.dma_semaphore, #tpu.memory_space<semaphore_mem>>)
    %mul3A_42 = arith.constant 640 : i32
    %mul3A_43 = arith.muli %arg1, %mul3A_42 : i32
    %add3A_44 = arith.constant 480 : i32
    %add3A_45 = arith.addi %mul3A_43, %add3A_44 : i32
    %dma_start3A_46 = arith.constant 0 : i32
    %dma_start3A_47 = tpu.memref_slice %arg17[%add3A_45, %dma_start3A_46] : memref<10240x48xf32, #tpu.memory_space<vmem_shared>> -> memref<160x48xf32, #tpu.memory_space<vmem_shared>>
    %dma_start3A_48 = arith.constant 0 : i32
    %dma_start3A_49 = tpu.memref_slice %arg17[%add3A_45, %dma_start3A_48] : memref<10240x48xf32, #tpu.memory_space<vmem_shared>> -> memref<160x48xf32, #tpu.memory_space<vmem_shared>>
    tpu.enqueue_dma source(%arg16 : memref<160x48xf32, #tpu.memory_space<vmem>>) target(%dma_start3A_49 : memref<160x48xf32, #tpu.memory_space<vmem_shared>>) target_semaphore(%arg27 : memref<!tpu.dma_semaphore, #tpu.memory_space<semaphore_mem>>)
    %mul3A_50 = arith.constant 80 : i32
    %mul3A_51 = arith.muli %add3A, %mul3A_50 : i32
    %dma_wait3A = arith.constant 0 : i32
    %dma_wait3A_52 = tpu.memref_slice %arg3[%mul3A_51, %dma_wait3A] : memref<2560x125xi32, #tpu.memory_space<hbm>> -> memref<80x125xi32, #tpu.memory_space<hbm>>
    %dma_wait3A_53 = arith.constant 0 : i32
    %dma_wait3A_54 = tpu.memref_slice %arg3[%mul3A_51, %dma_wait3A_53] : memref<2560x125xi32, #tpu.memory_space<hbm>> -> memref<80x125xi32, #tpu.memory_space<hbm>>
    tpu.wait_dma2 semaphore(%arg18 : memref<!tpu.dma_semaphore, #tpu.memory_space<semaphore_mem>>) src(%dma_wait3A_54 : memref<80x125xi32, #tpu.memory_space<hbm>>) dst(%arg6 : memref<80x125xi32, #tpu.memory_space<vmem>>)
    %mul3A_55 = arith.constant 80 : i32
    %mul3A_56 = arith.muli %add3A, %mul3A_55 : i32
    %dma_wait3A_57 = arith.constant 0 : i32
    %dma_wait3A_58 = tpu.memref_slice %arg4[%mul3A_56, %dma_wait3A_57] : memref<2560x125xi32, #tpu.memory_space<hbm>> -> memref<80x125xi32, #tpu.memory_space<hbm>>
    %dma_wait3A_59 = arith.constant 0 : i32
    %dma_wait3A_60 = tpu.memref_slice %arg4[%mul3A_56, %dma_wait3A_59] : memref<2560x125xi32, #tpu.memory_space<hbm>> -> memref<80x125xi32, #tpu.memory_space<hbm>>
    tpu.wait_dma2 semaphore(%arg19 : memref<!tpu.dma_semaphore, #tpu.memory_space<semaphore_mem>>) src(%dma_wait3A_60 : memref<80x125xi32, #tpu.memory_space<hbm>>) dst(%arg7 : memref<80x125xi32, #tpu.memory_space<vmem>>)
    %mul3A_61 = arith.constant 640 : i32
    %mul3A_62 = arith.muli %arg1, %mul3A_61 : i32
    %add3A_63 = arith.constant 0 : i32
    %add3A_64 = arith.addi %mul3A_62, %add3A_63 : i32
    %dma_wait3A_65 = arith.constant 0 : i32
    %dma_wait3A_66 = tpu.memref_slice %arg17[%add3A_64, %dma_wait3A_65] : memref<10240x48xf32, #tpu.memory_space<vmem_shared>> -> memref<160x48xf32, #tpu.memory_space<vmem_shared>>
    %dma_wait3A_67 = arith.constant 0 : i32
    %dma_wait3A_68 = tpu.memref_slice %arg17[%add3A_64, %dma_wait3A_67] : memref<10240x48xf32, #tpu.memory_space<vmem_shared>> -> memref<160x48xf32, #tpu.memory_space<vmem_shared>>
    tpu.wait_dma2 semaphore(%arg26 : memref<!tpu.dma_semaphore, #tpu.memory_space<semaphore_mem>>) src(%arg16 : memref<160x48xf32, #tpu.memory_space<vmem>>) dst(%dma_wait3A_68 : memref<160x48xf32, #tpu.memory_space<vmem_shared>>)
    %mul3A_69 = arith.constant 640 : i32
    %mul3A_70 = arith.muli %arg1, %mul3A_69 : i32
    %add3A_71 = arith.constant 160 : i32
    %add3A_72 = arith.addi %mul3A_70, %add3A_71 : i32
    %dma_wait3A_73 = arith.constant 0 : i32
    %dma_wait3A_74 = tpu.memref_slice %arg17[%add3A_72, %dma_wait3A_73] : memref<10240x48xf32, #tpu.memory_space<vmem_shared>> -> memref<160x48xf32, #tpu.memory_space<vmem_shared>>
    %dma_wait3A_75 = arith.constant 0 : i32
    %dma_wait3A_76 = tpu.memref_slice %arg17[%add3A_72, %dma_wait3A_75] : memref<10240x48xf32, #tpu.memory_space<vmem_shared>> -> memref<160x48xf32, #tpu.memory_space<vmem_shared>>
    tpu.wait_dma2 semaphore(%arg27 : memref<!tpu.dma_semaphore, #tpu.memory_space<semaphore_mem>>) src(%arg16 : memref<160x48xf32, #tpu.memory_space<vmem>>) dst(%dma_wait3A_76 : memref<160x48xf32, #tpu.memory_space<vmem_shared>>)
    %mul3A_77 = arith.constant 640 : i32
    %mul3A_78 = arith.muli %arg1, %mul3A_77 : i32
    %add3A_79 = arith.constant 320 : i32
    %add3A_80 = arith.addi %mul3A_78, %add3A_79 : i32
    %dma_wait3A_81 = arith.constant 0 : i32
    %dma_wait3A_82 = tpu.memref_slice %arg17[%add3A_80, %dma_wait3A_81] : memref<10240x48xf32, #tpu.memory_space<vmem_shared>> -> memref<160x48xf32, #tpu.memory_space<vmem_shared>>
    %dma_wait3A_83 = arith.constant 0 : i32
    %dma_wait3A_84 = tpu.memref_slice %arg17[%add3A_80, %dma_wait3A_83] : memref<10240x48xf32, #tpu.memory_space<vmem_shared>> -> memref<160x48xf32, #tpu.memory_space<vmem_shared>>
    tpu.wait_dma2 semaphore(%arg26 : memref<!tpu.dma_semaphore, #tpu.memory_space<semaphore_mem>>) src(%arg16 : memref<160x48xf32, #tpu.memory_space<vmem>>) dst(%dma_wait3A_84 : memref<160x48xf32, #tpu.memory_space<vmem_shared>>)
    %mul3A_85 = arith.constant 640 : i32
    %mul3A_86 = arith.muli %arg1, %mul3A_85 : i32
    %add3A_87 = arith.constant 480 : i32
    %add3A_88 = arith.addi %mul3A_86, %add3A_87 : i32
    %dma_wait3A_89 = arith.constant 0 : i32
    %dma_wait3A_90 = tpu.memref_slice %arg17[%add3A_88, %dma_wait3A_89] : memref<10240x48xf32, #tpu.memory_space<vmem_shared>> -> memref<160x48xf32, #tpu.memory_space<vmem_shared>>
    %dma_wait3A_91 = arith.constant 0 : i32
    %dma_wait3A_92 = tpu.memref_slice %arg17[%add3A_88, %dma_wait3A_91] : memref<10240x48xf32, #tpu.memory_space<vmem_shared>> -> memref<160x48xf32, #tpu.memory_space<vmem_shared>>
    tpu.wait_dma2 semaphore(%arg27 : memref<!tpu.dma_semaphore, #tpu.memory_space<semaphore_mem>>) src(%arg16 : memref<160x48xf32, #tpu.memory_space<vmem>>) dst(%dma_wait3A_92 : memref<160x48xf32, #tpu.memory_space<vmem_shared>>)
    %barrier3A = arith.constant 0 : index
    tpu.barrier barrier_id(%barrier3A)
    %dma_start3A_93 = arith.constant 0 : i32
    %dma_start3A_94 = arith.constant 0 : i32
    %dma_start3A_95 = tpu.memref_slice %arg6[%dma_start3A_93, %dma_start3A_94] : memref<80x125xi32, #tpu.memory_space<vmem>> -> memref<1x125xi32, #tpu.memory_space<vmem>>
    %dma_start3A_96 = tpu.memref_squeeze %dma_start3A_95 : memref<1x125xi32, #tpu.memory_space<vmem>> -> memref<125xi32, #tpu.memory_space<vmem>>
    %dma_start3A_97 = arith.constant 0 : i32
    %dma_start3A_98 = arith.constant 0 : i32
    %dma_start3A_99 = tpu.memref_slice %arg2[%dma_start3A_97, %dma_start3A_98] : memref<10000x48xf32, #tpu.memory_space<hbm>> -> memref<10000x48xf32, #tpu.memory_space<hbm>>
    tpu.enqueue_indirect_dma source(%dma_start3A_99 : memref<10000x48xf32, #tpu.memory_space<hbm>>) target(%arg8 : memref<125x48xf32, #tpu.memory_space<vmem>>) offsets(%dma_start3A_96 : memref<125xi32, #tpu.memory_space<vmem>>) semaphore(%arg18 : memref<!tpu.dma_semaphore, #tpu.memory_space<semaphore_mem>>)
    %dma_start3A_100 = arith.constant 1 : i32
    %dma_start3A_101 = arith.constant 0 : i32
    %dma_start3A_102 = tpu.memref_slice %arg6[%dma_start3A_100, %dma_start3A_101] : memref<80x125xi32, #tpu.memory_space<vmem>> -> memref<1x125xi32, #tpu.memory_space<vmem>>
    %dma_start3A_103 = tpu.memref_squeeze %dma_start3A_102 : memref<1x125xi32, #tpu.memory_space<vmem>> -> memref<125xi32, #tpu.memory_space<vmem>>
    %dma_start3A_104 = arith.constant 0 : i32
    %dma_start3A_105 = arith.constant 0 : i32
    %dma_start3A_106 = tpu.memref_slice %arg2[%dma_start3A_104, %dma_start3A_105] : memref<10000x48xf32, #tpu.memory_space<hbm>> -> memref<10000x48xf32, #tpu.memory_space<hbm>>
    tpu.enqueue_indirect_dma source(%dma_start3A_106 : memref<10000x48xf32, #tpu.memory_space<hbm>>) target(%arg9 : memref<125x48xf32, #tpu.memory_space<vmem>>) offsets(%dma_start3A_103 : memref<125xi32, #tpu.memory_space<vmem>>) semaphore(%arg19 : memref<!tpu.dma_semaphore, #tpu.memory_space<semaphore_mem>>)
    %dma_start3A_107 = arith.constant 2 : i32
    %dma_start3A_108 = arith.constant 0 : i32
    %dma_start3A_109 = tpu.memref_slice %arg6[%dma_start3A_107, %dma_start3A_108] : memref<80x125xi32, #tpu.memory_space<vmem>> -> memref<1x125xi32, #tpu.memory_space<vmem>>
    %dma_start3A_110 = tpu.memref_squeeze %dma_start3A_109 : memref<1x125xi32, #tpu.memory_space<vmem>> -> memref<125xi32, #tpu.memory_space<vmem>>
    %dma_start3A_111 = arith.constant 0 : i32
    %dma_start3A_112 = arith.constant 0 : i32
    %dma_start3A_113 = tpu.memref_slice %arg2[%dma_start3A_111, %dma_start3A_112] : memref<10000x48xf32, #tpu.memory_space<hbm>> -> memref<10000x48xf32, #tpu.memory_space<hbm>>
    tpu.enqueue_indirect_dma source(%dma_start3A_113 : memref<10000x48xf32, #tpu.memory_space<hbm>>) target(%arg10 : memref<125x48xf32, #tpu.memory_space<vmem>>) offsets(%dma_start3A_110 : memref<125xi32, #tpu.memory_space<vmem>>) semaphore(%arg20 : memref<!tpu.dma_semaphore, #tpu.memory_space<semaphore_mem>>)
    %dma_start3A_114 = arith.constant 3 : i32
    %dma_start3A_115 = arith.constant 0 : i32
    %dma_start3A_116 = tpu.memref_slice %arg6[%dma_start3A_114, %dma_start3A_115] : memref<80x125xi32, #tpu.memory_space<vmem>> -> memref<1x125xi32, #tpu.memory_space<vmem>>
    %dma_start3A_117 = tpu.memref_squeeze %dma_start3A_116 : memref<1x125xi32, #tpu.memory_space<vmem>> -> memref<125xi32, #tpu.memory_space<vmem>>
    %dma_start3A_118 = arith.constant 0 : i32
    %dma_start3A_119 = arith.constant 0 : i32
    %dma_start3A_120 = tpu.memref_slice %arg2[%dma_start3A_118, %dma_start3A_119] : memref<10000x48xf32, #tpu.memory_space<hbm>> -> memref<10000x48xf32, #tpu.memory_space<hbm>>
    tpu.enqueue_indirect_dma source(%dma_start3A_120 : memref<10000x48xf32, #tpu.memory_space<hbm>>) target(%arg11 : memref<125x48xf32, #tpu.memory_space<vmem>>) offsets(%dma_start3A_117 : memref<125xi32, #tpu.memory_space<vmem>>) semaphore(%arg21 : memref<!tpu.dma_semaphore, #tpu.memory_space<semaphore_mem>>)
    %dma_start3A_121 = arith.constant 4 : i32
    %dma_start3A_122 = arith.constant 0 : i32
    %dma_start3A_123 = tpu.memref_slice %arg6[%dma_start3A_121, %dma_start3A_122] : memref<80x125xi32, #tpu.memory_space<vmem>> -> memref<1x125xi32, #tpu.memory_space<vmem>>
    %dma_start3A_124 = tpu.memref_squeeze %dma_start3A_123 : memref<1x125xi32, #tpu.memory_space<vmem>> -> memref<125xi32, #tpu.memory_space<vmem>>
    %dma_start3A_125 = arith.constant 0 : i32
    %dma_start3A_126 = arith.constant 0 : i32
    %dma_start3A_127 = tpu.memref_slice %arg2[%dma_start3A_125, %dma_start3A_126] : memref<10000x48xf32, #tpu.memory_space<hbm>> -> memref<10000x48xf32, #tpu.memory_space<hbm>>
    tpu.enqueue_indirect_dma source(%dma_start3A_127 : memref<10000x48xf32, #tpu.memory_space<hbm>>) target(%arg12 : memref<125x48xf32, #tpu.memory_space<vmem>>) offsets(%dma_start3A_124 : memref<125xi32, #tpu.memory_space<vmem>>) semaphore(%arg22 : memref<!tpu.dma_semaphore, #tpu.memory_space<semaphore_mem>>)
    %dma_start3A_128 = arith.constant 5 : i32
    %dma_start3A_129 = arith.constant 0 : i32
    %dma_start3A_130 = tpu.memref_slice %arg6[%dma_start3A_128, %dma_start3A_129] : memref<80x125xi32, #tpu.memory_space<vmem>> -> memref<1x125xi32, #tpu.memory_space<vmem>>
    %dma_start3A_131 = tpu.memref_squeeze %dma_start3A_130 : memref<1x125xi32, #tpu.memory_space<vmem>> -> memref<125xi32, #tpu.memory_space<vmem>>
    %dma_start3A_132 = arith.constant 0 : i32
    %dma_start3A_133 = arith.constant 0 : i32
    %dma_start3A_134 = tpu.memref_slice %arg2[%dma_start3A_132, %dma_start3A_133] : memref<10000x48xf32, #tpu.memory_space<hbm>> -> memref<10000x48xf32, #tpu.memory_space<hbm>>
    tpu.enqueue_indirect_dma source(%dma_start3A_134 : memref<10000x48xf32, #tpu.memory_space<hbm>>) target(%arg13 : memref<125x48xf32, #tpu.memory_space<vmem>>) offsets(%dma_start3A_131 : memref<125xi32, #tpu.memory_space<vmem>>) semaphore(%arg23 : memref<!tpu.dma_semaphore, #tpu.memory_space<semaphore_mem>>)
    %scan3A_135 = arith.constant 0 : i32
    %scan3A_136 = arith.constant 0 : i32
    %scan3A_137 = arith.constant 10 : i32
    %scan3A_138 = arith.addi %scan3A_136, %scan3A_137 : i32
    %scan3A_139 = arith.constant 1 : i32
    scf.for %scan3A_160 = %scan3A_136 to %scan3A_138 step %scan3A_139  : i32 {
      %mul3A_161 = arith.constant 8 : i32
      %mul3A_162 = arith.muli %scan3A_160, %mul3A_161 : i32
      %add3A_163 = arith.constant 0 : i32
      %add3A_164 = arith.addi %mul3A_162, %add3A_163 : i32
      %dma_wait3A_165 = arith.constant 0 : i32
      %dma_wait3A_166 = tpu.memref_slice %arg6[%add3A_164, %dma_wait3A_165] : memref<80x125xi32, #tpu.memory_space<vmem>> -> memref<1x125xi32, #tpu.memory_space<vmem>>
      %dma_wait3A_167 = tpu.memref_squeeze %dma_wait3A_166 : memref<1x125xi32, #tpu.memory_space<vmem>> -> memref<125xi32, #tpu.memory_space<vmem>>
      %dma_wait3A_168 = arith.constant 0 : i32
      %dma_wait3A_169 = arith.constant 0 : i32
      %dma_wait3A_170 = tpu.memref_slice %arg2[%dma_wait3A_168, %dma_wait3A_169] : memref<10000x48xf32, #tpu.memory_space<hbm>> -> memref<10000x48xf32, #tpu.memory_space<hbm>>
      tpu.wait_indirect_dma semaphore(%arg18 : memref<!tpu.dma_semaphore, #tpu.memory_space<semaphore_mem>>) src(%dma_wait3A_170 : memref<10000x48xf32, #tpu.memory_space<hbm>>) dst(%arg8 : memref<125x48xf32, #tpu.memory_space<vmem>>)
      %dma_start3A_171 = arith.constant 0 : i32
      %dma_start3A_172 = tpu.memref_slice %arg7[%add3A_164, %dma_start3A_171] : memref<80x125xi32, #tpu.memory_space<vmem>> -> memref<1x125xi32, #tpu.memory_space<vmem>>
      %dma_start3A_173 = tpu.memref_squeeze %dma_start3A_172 : memref<1x125xi32, #tpu.memory_space<vmem>> -> memref<125xi32, #tpu.memory_space<vmem>>
      %dma_start3A_174 = arith.constant 0 : i32
      %dma_start3A_175 = arith.constant 0 : i32
      %dma_start3A_176 = tpu.memref_slice %arg17[%dma_start3A_174, %dma_start3A_175] : memref<10240x48xf32, #tpu.memory_space<vmem_shared>> -> memref<10240x48xf32, #tpu.memory_space<vmem_shared>>
      tpu.enqueue_indirect_dma source(%arg8 : memref<125x48xf32, #tpu.memory_space<vmem>>) target(%dma_start3A_176 : memref<10240x48xf32, #tpu.memory_space<vmem_shared>>) offsets(%dma_start3A_173 : memref<125xi32, #tpu.memory_space<vmem>>) semaphore(%arg26 : memref<!tpu.dma_semaphore, #tpu.memory_space<semaphore_mem>>) {add = true}
      %ge3A = arith.constant 2 : i32
      %ge3A_177 = arith.cmpi sge, %add3A_164, %ge3A : i32
      %convert_element_type3A = arith.extui %ge3A_177 : i1 to i32
      %cond3A = arith.constant 0 : i32
      %cond3A_178 = arith.cmpi ne, %convert_element_type3A, %cond3A : i32
      scf.if %cond3A_178 {
        %dma_wait3A_382 = arith.constant 0 : i32
        %dma_wait3A_383 = tpu.memref_slice %arg7[%add3A_164, %dma_wait3A_382] : memref<80x125xi32, #tpu.memory_space<vmem>> -> memref<1x125xi32, #tpu.memory_space<vmem>>
        %dma_wait3A_384 = tpu.memref_squeeze %dma_wait3A_383 : memref<1x125xi32, #tpu.memory_space<vmem>> -> memref<125xi32, #tpu.memory_space<vmem>>
        %dma_wait3A_385 = arith.constant 0 : i32
        %dma_wait3A_386 = arith.constant 0 : i32
        %dma_wait3A_387 = tpu.memref_slice %arg17[%dma_wait3A_385, %dma_wait3A_386] : memref<10240x48xf32, #tpu.memory_space<vmem_shared>> -> memref<10240x48xf32, #tpu.memory_space<vmem_shared>>
        tpu.wait_indirect_dma semaphore(%arg32 : memref<!tpu.dma_semaphore, #tpu.memory_space<semaphore_mem>>) src(%arg14 : memref<125x48xf32, #tpu.memory_space<vmem>>) dst(%dma_wait3A_387 : memref<10240x48xf32, #tpu.memory_space<vmem_shared>>)
      } else {
      }
      %add3A_179 = arith.constant 8 : i32
      %add3A_180 = arith.addi %add3A_164, %add3A_179 : i32
      %sub3A = arith.constant 2 : i32
      %sub3A_181 = arith.subi %add3A_180, %sub3A : i32
      %lt3A = arith.constant 80 : i32
      %lt3A_182 = arith.cmpi slt, %sub3A_181, %lt3A : i32
      %convert_element_type3A_183 = arith.extui %lt3A_182 : i1 to i32
      %cond3A_184 = arith.constant 0 : i32
      %cond3A_185 = arith.cmpi ne, %convert_element_type3A_183, %cond3A_184 : i32
      scf.if %cond3A_185 {
        %add3A_382 = arith.constant 8 : i32
        %add3A_383 = arith.addi %add3A_164, %add3A_382 : i32
        %sub3A_384 = arith.constant 2 : i32
        %sub3A_385 = arith.subi %add3A_383, %sub3A_384 : i32
        %dma_start3A_386 = arith.constant 0 : i32
        %dma_start3A_387 = tpu.memref_slice %arg6[%sub3A_385, %dma_start3A_386] : memref<80x125xi32, #tpu.memory_space<vmem>> -> memref<1x125xi32, #tpu.memory_space<vmem>>
        %dma_start3A_388 = tpu.memref_squeeze %dma_start3A_387 : memref<1x125xi32, #tpu.memory_space<vmem>> -> memref<125xi32, #tpu.memory_space<vmem>>
        %dma_start3A_389 = arith.constant 0 : i32
        %dma_start3A_390 = arith.constant 0 : i32
        %dma_start3A_391 = tpu.memref_slice %arg2[%dma_start3A_389, %dma_start3A_390] : memref<10000x48xf32, #tpu.memory_space<hbm>> -> memref<10000x48xf32, #tpu.memory_space<hbm>>
        tpu.enqueue_indirect_dma source(%dma_start3A_391 : memref<10000x48xf32, #tpu.memory_space<hbm>>) target(%arg14 : memref<125x48xf32, #tpu.memory_space<vmem>>) offsets(%dma_start3A_388 : memref<125xi32, #tpu.memory_space<vmem>>) semaphore(%arg24 : memref<!tpu.dma_semaphore, #tpu.memory_space<semaphore_mem>>)
      } else {
      }
      %add3A_186 = arith.constant 1 : i32
      %add3A_187 = arith.addi %mul3A_162, %add3A_186 : i32
      %dma_wait3A_188 = arith.constant 0 : i32
      %dma_wait3A_189 = tpu.memref_slice %arg6[%add3A_187, %dma_wait3A_188] : memref<80x125xi32, #tpu.memory_space<vmem>> -> memref<1x125xi32, #tpu.memory_space<vmem>>
      %dma_wait3A_190 = tpu.memref_squeeze %dma_wait3A_189 : memref<1x125xi32, #tpu.memory_space<vmem>> -> memref<125xi32, #tpu.memory_space<vmem>>
      %dma_wait3A_191 = arith.constant 0 : i32
      %dma_wait3A_192 = arith.constant 0 : i32
      %dma_wait3A_193 = tpu.memref_slice %arg2[%dma_wait3A_191, %dma_wait3A_192] : memref<10000x48xf32, #tpu.memory_space<hbm>> -> memref<10000x48xf32, #tpu.memory_space<hbm>>
      tpu.wait_indirect_dma semaphore(%arg19 : memref<!tpu.dma_semaphore, #tpu.memory_space<semaphore_mem>>) src(%dma_wait3A_193 : memref<10000x48xf32, #tpu.memory_space<hbm>>) dst(%arg9 : memref<125x48xf32, #tpu.memory_space<vmem>>)
      %dma_start3A_194 = arith.constant 0 : i32
      %dma_start3A_195 = tpu.memref_slice %arg7[%add3A_187, %dma_start3A_194] : memref<80x125xi32, #tpu.memory_space<vmem>> -> memref<1x125xi32, #tpu.memory_space<vmem>>
      %dma_start3A_196 = tpu.memref_squeeze %dma_start3A_195 : memref<1x125xi32, #tpu.memory_space<vmem>> -> memref<125xi32, #tpu.memory_space<vmem>>
      %dma_start3A_197 = arith.constant 0 : i32
      %dma_start3A_198 = arith.constant 0 : i32
      %dma_start3A_199 = tpu.memref_slice %arg17[%dma_start3A_197, %dma_start3A_198] : memref<10240x48xf32, #tpu.memory_space<vmem_shared>> -> memref<10240x48xf32, #tpu.memory_space<vmem_shared>>
      tpu.enqueue_indirect_dma source(%arg9 : memref<125x48xf32, #tpu.memory_space<vmem>>) target(%dma_start3A_199 : memref<10240x48xf32, #tpu.memory_space<vmem_shared>>) offsets(%dma_start3A_196 : memref<125xi32, #tpu.memory_space<vmem>>) semaphore(%arg27 : memref<!tpu.dma_semaphore, #tpu.memory_space<semaphore_mem>>) {add = true}
      %ge3A_200 = arith.constant 2 : i32
      %ge3A_201 = arith.cmpi sge, %add3A_187, %ge3A_200 : i32
      %convert_element_type3A_202 = arith.extui %ge3A_201 : i1 to i32
      %cond3A_203 = arith.constant 0 : i32
      %cond3A_204 = arith.cmpi ne, %convert_element_type3A_202, %cond3A_203 : i32
      scf.if %cond3A_204 {
        %dma_wait3A_382 = arith.constant 0 : i32
        %dma_wait3A_383 = tpu.memref_slice %arg7[%add3A_187, %dma_wait3A_382] : memref<80x125xi32, #tpu.memory_space<vmem>> -> memref<1x125xi32, #tpu.memory_space<vmem>>
        %dma_wait3A_384 = tpu.memref_squeeze %dma_wait3A_383 : memref<1x125xi32, #tpu.memory_space<vmem>> -> memref<125xi32, #tpu.memory_space<vmem>>
        %dma_wait3A_385 = arith.constant 0 : i32
        %dma_wait3A_386 = arith.constant 0 : i32
        %dma_wait3A_387 = tpu.memref_slice %arg17[%dma_wait3A_385, %dma_wait3A_386] : memref<10240x48xf32, #tpu.memory_space<vmem_shared>> -> memref<10240x48xf32, #tpu.memory_space<vmem_shared>>
        tpu.wait_indirect_dma semaphore(%arg33 : memref<!tpu.dma_semaphore, #tpu.memory_space<semaphore_mem>>) src(%arg15 : memref<125x48xf32, #tpu.memory_space<vmem>>) dst(%dma_wait3A_387 : memref<10240x48xf32, #tpu.memory_space<vmem_shared>>)
      } else {
      }
      %add3A_205 = arith.constant 8 : i32
      %add3A_206 = arith.addi %add3A_187, %add3A_205 : i32
      %sub3A_207 = arith.constant 2 : i32
      %sub3A_208 = arith.subi %add3A_206, %sub3A_207 : i32
      %lt3A_209 = arith.constant 80 : i32
      %lt3A_210 = arith.cmpi slt, %sub3A_208, %lt3A_209 : i32
      %convert_element_type3A_211 = arith.extui %lt3A_210 : i1 to i32
      %cond3A_212 = arith.constant 0 : i32
      %cond3A_213 = arith.cmpi ne, %convert_element_type3A_211, %cond3A_212 : i32
      scf.if %cond3A_213 {
        %add3A_382 = arith.constant 8 : i32
        %add3A_383 = arith.addi %add3A_187, %add3A_382 : i32
        %sub3A_384 = arith.constant 2 : i32
        %sub3A_385 = arith.subi %add3A_383, %sub3A_384 : i32
        %dma_start3A_386 = arith.constant 0 : i32
        %dma_start3A_387 = tpu.memref_slice %arg6[%sub3A_385, %dma_start3A_386] : memref<80x125xi32, #tpu.memory_space<vmem>> -> memref<1x125xi32, #tpu.memory_space<vmem>>
        %dma_start3A_388 = tpu.memref_squeeze %dma_start3A_387 : memref<1x125xi32, #tpu.memory_space<vmem>> -> memref<125xi32, #tpu.memory_space<vmem>>
        %dma_start3A_389 = arith.constant 0 : i32
        %dma_start3A_390 = arith.constant 0 : i32
        %dma_start3A_391 = tpu.memref_slice %arg2[%dma_start3A_389, %dma_start3A_390] : memref<10000x48xf32, #tpu.memory_space<hbm>> -> memref<10000x48xf32, #tpu.memory_space<hbm>>
        tpu.enqueue_indirect_dma source(%dma_start3A_391 : memref<10000x48xf32, #tpu.memory_space<hbm>>) target(%arg15 : memref<125x48xf32, #tpu.memory_space<vmem>>) offsets(%dma_start3A_388 : memref<125xi32, #tpu.memory_space<vmem>>) semaphore(%arg25 : memref<!tpu.dma_semaphore, #tpu.memory_space<semaphore_mem>>)
      } else {
      }
      %add3A_214 = arith.constant 2 : i32
      %add3A_215 = arith.addi %mul3A_162, %add3A_214 : i32
      %dma_wait3A_216 = arith.constant 0 : i32
      %dma_wait3A_217 = tpu.memref_slice %arg6[%add3A_215, %dma_wait3A_216] : memref<80x125xi32, #tpu.memory_space<vmem>> -> memref<1x125xi32, #tpu.memory_space<vmem>>
      %dma_wait3A_218 = tpu.memref_squeeze %dma_wait3A_217 : memref<1x125xi32, #tpu.memory_space<vmem>> -> memref<125xi32, #tpu.memory_space<vmem>>
      %dma_wait3A_219 = arith.constant 0 : i32
      %dma_wait3A_220 = arith.constant 0 : i32
      %dma_wait3A_221 = tpu.memref_slice %arg2[%dma_wait3A_219, %dma_wait3A_220] : memref<10000x48xf32, #tpu.memory_space<hbm>> -> memref<10000x48xf32, #tpu.memory_space<hbm>>
      tpu.wait_indirect_dma semaphore(%arg20 : memref<!tpu.dma_semaphore, #tpu.memory_space<semaphore_mem>>) src(%dma_wait3A_221 : memref<10000x48xf32, #tpu.memory_space<hbm>>) dst(%arg10 : memref<125x48xf32, #tpu.memory_space<vmem>>)
      %dma_start3A_222 = arith.constant 0 : i32
      %dma_start3A_223 = tpu.memref_slice %arg7[%add3A_215, %dma_start3A_222] : memref<80x125xi32, #tpu.memory_space<vmem>> -> memref<1x125xi32, #tpu.memory_space<vmem>>
      %dma_start3A_224 = tpu.memref_squeeze %dma_start3A_223 : memref<1x125xi32, #tpu.memory_space<vmem>> -> memref<125xi32, #tpu.memory_space<vmem>>
      %dma_start3A_225 = arith.constant 0 : i32
      %dma_start3A_226 = arith.constant 0 : i32
      %dma_start3A_227 = tpu.memref_slice %arg17[%dma_start3A_225, %dma_start3A_226] : memref<10240x48xf32, #tpu.memory_space<vmem_shared>> -> memref<10240x48xf32, #tpu.memory_space<vmem_shared>>
      tpu.enqueue_indirect_dma source(%arg10 : memref<125x48xf32, #tpu.memory_space<vmem>>) target(%dma_start3A_227 : memref<10240x48xf32, #tpu.memory_space<vmem_shared>>) offsets(%dma_start3A_224 : memref<125xi32, #tpu.memory_space<vmem>>) semaphore(%arg28 : memref<!tpu.dma_semaphore, #tpu.memory_space<semaphore_mem>>) {add = true}
      %ge3A_228 = arith.constant 2 : i32
      %ge3A_229 = arith.cmpi sge, %add3A_215, %ge3A_228 : i32
      %convert_element_type3A_230 = arith.extui %ge3A_229 : i1 to i32
      %cond3A_231 = arith.constant 0 : i32
      %cond3A_232 = arith.cmpi ne, %convert_element_type3A_230, %cond3A_231 : i32
      scf.if %cond3A_232 {
        %dma_wait3A_382 = arith.constant 0 : i32
        %dma_wait3A_383 = tpu.memref_slice %arg7[%add3A_215, %dma_wait3A_382] : memref<80x125xi32, #tpu.memory_space<vmem>> -> memref<1x125xi32, #tpu.memory_space<vmem>>
        %dma_wait3A_384 = tpu.memref_squeeze %dma_wait3A_383 : memref<1x125xi32, #tpu.memory_space<vmem>> -> memref<125xi32, #tpu.memory_space<vmem>>
        %dma_wait3A_385 = arith.constant 0 : i32
        %dma_wait3A_386 = arith.constant 0 : i32
        %dma_wait3A_387 = tpu.memref_slice %arg17[%dma_wait3A_385, %dma_wait3A_386] : memref<10240x48xf32, #tpu.memory_space<vmem_shared>> -> memref<10240x48xf32, #tpu.memory_space<vmem_shared>>
        tpu.wait_indirect_dma semaphore(%arg26 : memref<!tpu.dma_semaphore, #tpu.memory_space<semaphore_mem>>) src(%arg8 : memref<125x48xf32, #tpu.memory_space<vmem>>) dst(%dma_wait3A_387 : memref<10240x48xf32, #tpu.memory_space<vmem_shared>>)
      } else {
      }
      %add3A_233 = arith.constant 8 : i32
      %add3A_234 = arith.addi %add3A_215, %add3A_233 : i32
      %sub3A_235 = arith.constant 2 : i32
      %sub3A_236 = arith.subi %add3A_234, %sub3A_235 : i32
      %lt3A_237 = arith.constant 80 : i32
      %lt3A_238 = arith.cmpi slt, %sub3A_236, %lt3A_237 : i32
      %convert_element_type3A_239 = arith.extui %lt3A_238 : i1 to i32
      %cond3A_240 = arith.constant 0 : i32
      %cond3A_241 = arith.cmpi ne, %convert_element_type3A_239, %cond3A_240 : i32
      scf.if %cond3A_241 {
        %add3A_382 = arith.constant 8 : i32
        %add3A_383 = arith.addi %add3A_215, %add3A_382 : i32
        %sub3A_384 = arith.constant 2 : i32
        %sub3A_385 = arith.subi %add3A_383, %sub3A_384 : i32
        %dma_start3A_386 = arith.constant 0 : i32
        %dma_start3A_387 = tpu.memref_slice %arg6[%sub3A_385, %dma_start3A_386] : memref<80x125xi32, #tpu.memory_space<vmem>> -> memref<1x125xi32, #tpu.memory_space<vmem>>
        %dma_start3A_388 = tpu.memref_squeeze %dma_start3A_387 : memref<1x125xi32, #tpu.memory_space<vmem>> -> memref<125xi32, #tpu.memory_space<vmem>>
        %dma_start3A_389 = arith.constant 0 : i32
        %dma_start3A_390 = arith.constant 0 : i32
        %dma_start3A_391 = tpu.memref_slice %arg2[%dma_start3A_389, %dma_start3A_390] : memref<10000x48xf32, #tpu.memory_space<hbm>> -> memref<10000x48xf32, #tpu.memory_space<hbm>>
        tpu.enqueue_indirect_dma source(%dma_start3A_391 : memref<10000x48xf32, #tpu.memory_space<hbm>>) target(%arg8 : memref<125x48xf32, #tpu.memory_space<vmem>>) offsets(%dma_start3A_388 : memref<125xi32, #tpu.memory_space<vmem>>) semaphore(%arg18 : memref<!tpu.dma_semaphore, #tpu.memory_space<semaphore_mem>>)
      } else {
      }
      %add3A_242 = arith.constant 3 : i32
      %add3A_243 = arith.addi %mul3A_162, %add3A_242 : i32
      %dma_wait3A_244 = arith.constant 0 : i32
      %dma_wait3A_245 = tpu.memref_slice %arg6[%add3A_243, %dma_wait3A_244] : memref<80x125xi32, #tpu.memory_space<vmem>> -> memref<1x125xi32, #tpu.memory_space<vmem>>
      %dma_wait3A_246 = tpu.memref_squeeze %dma_wait3A_245 : memref<1x125xi32, #tpu.memory_space<vmem>> -> memref<125xi32, #tpu.memory_space<vmem>>
      %dma_wait3A_247 = arith.constant 0 : i32
      %dma_wait3A_248 = arith.constant 0 : i32
      %dma_wait3A_249 = tpu.memref_slice %arg2[%dma_wait3A_247, %dma_wait3A_248] : memref<10000x48xf32, #tpu.memory_space<hbm>> -> memref<10000x48xf32, #tpu.memory_space<hbm>>
      tpu.wait_indirect_dma semaphore(%arg21 : memref<!tpu.dma_semaphore, #tpu.memory_space<semaphore_mem>>) src(%dma_wait3A_249 : memref<10000x48xf32, #tpu.memory_space<hbm>>) dst(%arg11 : memref<125x48xf32, #tpu.memory_space<vmem>>)
      %dma_start3A_250 = arith.constant 0 : i32
      %dma_start3A_251 = tpu.memref_slice %arg7[%add3A_243, %dma_start3A_250] : memref<80x125xi32, #tpu.memory_space<vmem>> -> memref<1x125xi32, #tpu.memory_space<vmem>>
      %dma_start3A_252 = tpu.memref_squeeze %dma_start3A_251 : memref<1x125xi32, #tpu.memory_space<vmem>> -> memref<125xi32, #tpu.memory_space<vmem>>
      %dma_start3A_253 = arith.constant 0 : i32
      %dma_start3A_254 = arith.constant 0 : i32
      %dma_start3A_255 = tpu.memref_slice %arg17[%dma_start3A_253, %dma_start3A_254] : memref<10240x48xf32, #tpu.memory_space<vmem_shared>> -> memref<10240x48xf32, #tpu.memory_space<vmem_shared>>
      tpu.enqueue_indirect_dma source(%arg11 : memref<125x48xf32, #tpu.memory_space<vmem>>) target(%dma_start3A_255 : memref<10240x48xf32, #tpu.memory_space<vmem_shared>>) offsets(%dma_start3A_252 : memref<125xi32, #tpu.memory_space<vmem>>) semaphore(%arg29 : memref<!tpu.dma_semaphore, #tpu.memory_space<semaphore_mem>>) {add = true}
      %ge3A_256 = arith.constant 2 : i32
      %ge3A_257 = arith.cmpi sge, %add3A_243, %ge3A_256 : i32
      %convert_element_type3A_258 = arith.extui %ge3A_257 : i1 to i32
      %cond3A_259 = arith.constant 0 : i32
      %cond3A_260 = arith.cmpi ne, %convert_element_type3A_258, %cond3A_259 : i32
      scf.if %cond3A_260 {
        %dma_wait3A_382 = arith.constant 0 : i32
        %dma_wait3A_383 = tpu.memref_slice %arg7[%add3A_243, %dma_wait3A_382] : memref<80x125xi32, #tpu.memory_space<vmem>> -> memref<1x125xi32, #tpu.memory_space<vmem>>
        %dma_wait3A_384 = tpu.memref_squeeze %dma_wait3A_383 : memref<1x125xi32, #tpu.memory_space<vmem>> -> memref<125xi32, #tpu.memory_space<vmem>>
        %dma_wait3A_385 = arith.constant 0 : i32
        %dma_wait3A_386 = arith.constant 0 : i32
        %dma_wait3A_387 = tpu.memref_slice %arg17[%dma_wait3A_385, %dma_wait3A_386] : memref<10240x48xf32, #tpu.memory_space<vmem_shared>> -> memref<10240x48xf32, #tpu.memory_space<vmem_shared>>
        tpu.wait_indirect_dma semaphore(%arg27 : memref<!tpu.dma_semaphore, #tpu.memory_space<semaphore_mem>>) src(%arg9 : memref<125x48xf32, #tpu.memory_space<vmem>>) dst(%dma_wait3A_387 : memref<10240x48xf32, #tpu.memory_space<vmem_shared>>)
      } else {
      }
      %add3A_261 = arith.constant 8 : i32
      %add3A_262 = arith.addi %add3A_243, %add3A_261 : i32
      %sub3A_263 = arith.constant 2 : i32
      %sub3A_264 = arith.subi %add3A_262, %sub3A_263 : i32
      %lt3A_265 = arith.constant 80 : i32
      %lt3A_266 = arith.cmpi slt, %sub3A_264, %lt3A_265 : i32
      %convert_element_type3A_267 = arith.extui %lt3A_266 : i1 to i32
      %cond3A_268 = arith.constant 0 : i32
      %cond3A_269 = arith.cmpi ne, %convert_element_type3A_267, %cond3A_268 : i32
      scf.if %cond3A_269 {
        %add3A_382 = arith.constant 8 : i32
        %add3A_383 = arith.addi %add3A_243, %add3A_382 : i32
        %sub3A_384 = arith.constant 2 : i32
        %sub3A_385 = arith.subi %add3A_383, %sub3A_384 : i32
        %dma_start3A_386 = arith.constant 0 : i32
        %dma_start3A_387 = tpu.memref_slice %arg6[%sub3A_385, %dma_start3A_386] : memref<80x125xi32, #tpu.memory_space<vmem>> -> memref<1x125xi32, #tpu.memory_space<vmem>>
        %dma_start3A_388 = tpu.memref_squeeze %dma_start3A_387 : memref<1x125xi32, #tpu.memory_space<vmem>> -> memref<125xi32, #tpu.memory_space<vmem>>
        %dma_start3A_389 = arith.constant 0 : i32
        %dma_start3A_390 = arith.constant 0 : i32
        %dma_start3A_391 = tpu.memref_slice %arg2[%dma_start3A_389, %dma_start3A_390] : memref<10000x48xf32, #tpu.memory_space<hbm>> -> memref<10000x48xf32, #tpu.memory_space<hbm>>
        tpu.enqueue_indirect_dma source(%dma_start3A_391 : memref<10000x48xf32, #tpu.memory_space<hbm>>) target(%arg9 : memref<125x48xf32, #tpu.memory_space<vmem>>) offsets(%dma_start3A_388 : memref<125xi32, #tpu.memory_space<vmem>>) semaphore(%arg19 : memref<!tpu.dma_semaphore, #tpu.memory_space<semaphore_mem>>)
      } else {
      }
      %add3A_270 = arith.constant 4 : i32
      %add3A_271 = arith.addi %mul3A_162, %add3A_270 : i32
      %dma_wait3A_272 = arith.constant 0 : i32
      %dma_wait3A_273 = tpu.memref_slice %arg6[%add3A_271, %dma_wait3A_272] : memref<80x125xi32, #tpu.memory_space<vmem>> -> memref<1x125xi32, #tpu.memory_space<vmem>>
      %dma_wait3A_274 = tpu.memref_squeeze %dma_wait3A_273 : memref<1x125xi32, #tpu.memory_space<vmem>> -> memref<125xi32, #tpu.memory_space<vmem>>
      %dma_wait3A_275 = arith.constant 0 : i32
      %dma_wait3A_276 = arith.constant 0 : i32
      %dma_wait3A_277 = tpu.memref_slice %arg2[%dma_wait3A_275, %dma_wait3A_276] : memref<10000x48xf32, #tpu.memory_space<hbm>> -> memref<10000x48xf32, #tpu.memory_space<hbm>>
      tpu.wait_indirect_dma semaphore(%arg22 : memref<!tpu.dma_semaphore, #tpu.memory_space<semaphore_mem>>) src(%dma_wait3A_277 : memref<10000x48xf32, #tpu.memory_space<hbm>>) dst(%arg12 : memref<125x48xf32, #tpu.memory_space<vmem>>)
      %dma_start3A_278 = arith.constant 0 : i32
      %dma_start3A_279 = tpu.memref_slice %arg7[%add3A_271, %dma_start3A_278] : memref<80x125xi32, #tpu.memory_space<vmem>> -> memref<1x125xi32, #tpu.memory_space<vmem>>
      %dma_start3A_280 = tpu.memref_squeeze %dma_start3A_279 : memref<1x125xi32, #tpu.memory_space<vmem>> -> memref<125xi32, #tpu.memory_space<vmem>>
      %dma_start3A_281 = arith.constant 0 : i32
      %dma_start3A_282 = arith.constant 0 : i32
      %dma_start3A_283 = tpu.memref_slice %arg17[%dma_start3A_281, %dma_start3A_282] : memref<10240x48xf32, #tpu.memory_space<vmem_shared>> -> memref<10240x48xf32, #tpu.memory_space<vmem_shared>>
      tpu.enqueue_indirect_dma source(%arg12 : memref<125x48xf32, #tpu.memory_space<vmem>>) target(%dma_start3A_283 : memref<10240x48xf32, #tpu.memory_space<vmem_shared>>) offsets(%dma_start3A_280 : memref<125xi32, #tpu.memory_space<vmem>>) semaphore(%arg30 : memref<!tpu.dma_semaphore, #tpu.memory_space<semaphore_mem>>) {add = true}
      %ge3A_284 = arith.constant 2 : i32
      %ge3A_285 = arith.cmpi sge, %add3A_271, %ge3A_284 : i32
      %convert_element_type3A_286 = arith.extui %ge3A_285 : i1 to i32
      %cond3A_287 = arith.constant 0 : i32
      %cond3A_288 = arith.cmpi ne, %convert_element_type3A_286, %cond3A_287 : i32
      scf.if %cond3A_288 {
        %dma_wait3A_382 = arith.constant 0 : i32
        %dma_wait3A_383 = tpu.memref_slice %arg7[%add3A_271, %dma_wait3A_382] : memref<80x125xi32, #tpu.memory_space<vmem>> -> memref<1x125xi32, #tpu.memory_space<vmem>>
        %dma_wait3A_384 = tpu.memref_squeeze %dma_wait3A_383 : memref<1x125xi32, #tpu.memory_space<vmem>> -> memref<125xi32, #tpu.memory_space<vmem>>
        %dma_wait3A_385 = arith.constant 0 : i32
        %dma_wait3A_386 = arith.constant 0 : i32
        %dma_wait3A_387 = tpu.memref_slice %arg17[%dma_wait3A_385, %dma_wait3A_386] : memref<10240x48xf32, #tpu.memory_space<vmem_shared>> -> memref<10240x48xf32, #tpu.memory_space<vmem_shared>>
        tpu.wait_indirect_dma semaphore(%arg28 : memref<!tpu.dma_semaphore, #tpu.memory_space<semaphore_mem>>) src(%arg10 : memref<125x48xf32, #tpu.memory_space<vmem>>) dst(%dma_wait3A_387 : memref<10240x48xf32, #tpu.memory_space<vmem_shared>>)
      } else {
      }
      %add3A_289 = arith.constant 8 : i32
      %add3A_290 = arith.addi %add3A_271, %add3A_289 : i32
      %sub3A_291 = arith.constant 2 : i32
      %sub3A_292 = arith.subi %add3A_290, %sub3A_291 : i32
      %lt3A_293 = arith.constant 80 : i32
      %lt3A_294 = arith.cmpi slt, %sub3A_292, %lt3A_293 : i32
      %convert_element_type3A_295 = arith.extui %lt3A_294 : i1 to i32
      %cond3A_296 = arith.constant 0 : i32
      %cond3A_297 = arith.cmpi ne, %convert_element_type3A_295, %cond3A_296 : i32
      scf.if %cond3A_297 {
        %add3A_382 = arith.constant 8 : i32
        %add3A_383 = arith.addi %add3A_271, %add3A_382 : i32
        %sub3A_384 = arith.constant 2 : i32
        %sub3A_385 = arith.subi %add3A_383, %sub3A_384 : i32
        %dma_start3A_386 = arith.constant 0 : i32
        %dma_start3A_387 = tpu.memref_slice %arg6[%sub3A_385, %dma_start3A_386] : memref<80x125xi32, #tpu.memory_space<vmem>> -> memref<1x125xi32, #tpu.memory_space<vmem>>
        %dma_start3A_388 = tpu.memref_squeeze %dma_start3A_387 : memref<1x125xi32, #tpu.memory_space<vmem>> -> memref<125xi32, #tpu.memory_space<vmem>>
        %dma_start3A_389 = arith.constant 0 : i32
        %dma_start3A_390 = arith.constant 0 : i32
        %dma_start3A_391 = tpu.memref_slice %arg2[%dma_start3A_389, %dma_start3A_390] : memref<10000x48xf32, #tpu.memory_space<hbm>> -> memref<10000x48xf32, #tpu.memory_space<hbm>>
        tpu.enqueue_indirect_dma source(%dma_start3A_391 : memref<10000x48xf32, #tpu.memory_space<hbm>>) target(%arg10 : memref<125x48xf32, #tpu.memory_space<vmem>>) offsets(%dma_start3A_388 : memref<125xi32, #tpu.memory_space<vmem>>) semaphore(%arg20 : memref<!tpu.dma_semaphore, #tpu.memory_space<semaphore_mem>>)
      } else {
      }
      %add3A_298 = arith.constant 5 : i32
      %add3A_299 = arith.addi %mul3A_162, %add3A_298 : i32
      %dma_wait3A_300 = arith.constant 0 : i32
      %dma_wait3A_301 = tpu.memref_slice %arg6[%add3A_299, %dma_wait3A_300] : memref<80x125xi32, #tpu.memory_space<vmem>> -> memref<1x125xi32, #tpu.memory_space<vmem>>
      %dma_wait3A_302 = tpu.memref_squeeze %dma_wait3A_301 : memref<1x125xi32, #tpu.memory_space<vmem>> -> memref<125xi32, #tpu.memory_space<vmem>>
      %dma_wait3A_303 = arith.constant 0 : i32
      %dma_wait3A_304 = arith.constant 0 : i32
      %dma_wait3A_305 = tpu.memref_slice %arg2[%dma_wait3A_303, %dma_wait3A_304] : memref<10000x48xf32, #tpu.memory_space<hbm>> -> memref<10000x48xf32, #tpu.memory_space<hbm>>
      tpu.wait_indirect_dma semaphore(%arg23 : memref<!tpu.dma_semaphore, #tpu.memory_space<semaphore_mem>>) src(%dma_wait3A_305 : memref<10000x48xf32, #tpu.memory_space<hbm>>) dst(%arg13 : memref<125x48xf32, #tpu.memory_space<vmem>>)
      %dma_start3A_306 = arith.constant 0 : i32
      %dma_start3A_307 = tpu.memref_slice %arg7[%add3A_299, %dma_start3A_306] : memref<80x125xi32, #tpu.memory_space<vmem>> -> memref<1x125xi32, #tpu.memory_space<vmem>>
      %dma_start3A_308 = tpu.memref_squeeze %dma_start3A_307 : memref<1x125xi32, #tpu.memory_space<vmem>> -> memref<125xi32, #tpu.memory_space<vmem>>
      %dma_start3A_309 = arith.constant 0 : i32
      %dma_start3A_310 = arith.constant 0 : i32
      %dma_start3A_311 = tpu.memref_slice %arg17[%dma_start3A_309, %dma_start3A_310] : memref<10240x48xf32, #tpu.memory_space<vmem_shared>> -> memref<10240x48xf32, #tpu.memory_space<vmem_shared>>
      tpu.enqueue_indirect_dma source(%arg13 : memref<125x48xf32, #tpu.memory_space<vmem>>) target(%dma_start3A_311 : memref<10240x48xf32, #tpu.memory_space<vmem_shared>>) offsets(%dma_start3A_308 : memref<125xi32, #tpu.memory_space<vmem>>) semaphore(%arg31 : memref<!tpu.dma_semaphore, #tpu.memory_space<semaphore_mem>>) {add = true}
      %ge3A_312 = arith.constant 2 : i32
      %ge3A_313 = arith.cmpi sge, %add3A_299, %ge3A_312 : i32
      %convert_element_type3A_314 = arith.extui %ge3A_313 : i1 to i32
      %cond3A_315 = arith.constant 0 : i32
      %cond3A_316 = arith.cmpi ne, %convert_element_type3A_314, %cond3A_315 : i32
      scf.if %cond3A_316 {
        %dma_wait3A_382 = arith.constant 0 : i32
        %dma_wait3A_383 = tpu.memref_slice %arg7[%add3A_299, %dma_wait3A_382] : memref<80x125xi32, #tpu.memory_space<vmem>> -> memref<1x125xi32, #tpu.memory_space<vmem>>
        %dma_wait3A_384 = tpu.memref_squeeze %dma_wait3A_383 : memref<1x125xi32, #tpu.memory_space<vmem>> -> memref<125xi32, #tpu.memory_space<vmem>>
        %dma_wait3A_385 = arith.constant 0 : i32
        %dma_wait3A_386 = arith.constant 0 : i32
        %dma_wait3A_387 = tpu.memref_slice %arg17[%dma_wait3A_385, %dma_wait3A_386] : memref<10240x48xf32, #tpu.memory_space<vmem_shared>> -> memref<10240x48xf32, #tpu.memory_space<vmem_shared>>
        tpu.wait_indirect_dma semaphore(%arg29 : memref<!tpu.dma_semaphore, #tpu.memory_space<semaphore_mem>>) src(%arg11 : memref<125x48xf32, #tpu.memory_space<vmem>>) dst(%dma_wait3A_387 : memref<10240x48xf32, #tpu.memory_space<vmem_shared>>)
      } else {
      }
      %add3A_317 = arith.constant 8 : i32
      %add3A_318 = arith.addi %add3A_299, %add3A_317 : i32
      %sub3A_319 = arith.constant 2 : i32
      %sub3A_320 = arith.subi %add3A_318, %sub3A_319 : i32
      %lt3A_321 = arith.constant 80 : i32
      %lt3A_322 = arith.cmpi slt, %sub3A_320, %lt3A_321 : i32
      %convert_element_type3A_323 = arith.extui %lt3A_322 : i1 to i32
      %cond3A_324 = arith.constant 0 : i32
      %cond3A_325 = arith.cmpi ne, %convert_element_type3A_323, %cond3A_324 : i32
      scf.if %cond3A_325 {
        %add3A_382 = arith.constant 8 : i32
        %add3A_383 = arith.addi %add3A_299, %add3A_382 : i32
        %sub3A_384 = arith.constant 2 : i32
        %sub3A_385 = arith.subi %add3A_383, %sub3A_384 : i32
        %dma_start3A_386 = arith.constant 0 : i32
        %dma_start3A_387 = tpu.memref_slice %arg6[%sub3A_385, %dma_start3A_386] : memref<80x125xi32, #tpu.memory_space<vmem>> -> memref<1x125xi32, #tpu.memory_space<vmem>>
        %dma_start3A_388 = tpu.memref_squeeze %dma_start3A_387 : memref<1x125xi32, #tpu.memory_space<vmem>> -> memref<125xi32, #tpu.memory_space<vmem>>
        %dma_start3A_389 = arith.constant 0 : i32
        %dma_start3A_390 = arith.constant 0 : i32
        %dma_start3A_391 = tpu.memref_slice %arg2[%dma_start3A_389, %dma_start3A_390] : memref<10000x48xf32, #tpu.memory_space<hbm>> -> memref<10000x48xf32, #tpu.memory_space<hbm>>
        tpu.enqueue_indirect_dma source(%dma_start3A_391 : memref<10000x48xf32, #tpu.memory_space<hbm>>) target(%arg11 : memref<125x48xf32, #tpu.memory_space<vmem>>) offsets(%dma_start3A_388 : memref<125xi32, #tpu.memory_space<vmem>>) semaphore(%arg21 : memref<!tpu.dma_semaphore, #tpu.memory_space<semaphore_mem>>)
      } else {
      }
      %add3A_326 = arith.constant 6 : i32
      %add3A_327 = arith.addi %mul3A_162, %add3A_326 : i32
      %dma_wait3A_328 = arith.constant 0 : i32
      %dma_wait3A_329 = tpu.memref_slice %arg6[%add3A_327, %dma_wait3A_328] : memref<80x125xi32, #tpu.memory_space<vmem>> -> memref<1x125xi32, #tpu.memory_space<vmem>>
      %dma_wait3A_330 = tpu.memref_squeeze %dma_wait3A_329 : memref<1x125xi32, #tpu.memory_space<vmem>> -> memref<125xi32, #tpu.memory_space<vmem>>
      %dma_wait3A_331 = arith.constant 0 : i32
      %dma_wait3A_332 = arith.constant 0 : i32
      %dma_wait3A_333 = tpu.memref_slice %arg2[%dma_wait3A_331, %dma_wait3A_332] : memref<10000x48xf32, #tpu.memory_space<hbm>> -> memref<10000x48xf32, #tpu.memory_space<hbm>>
      tpu.wait_indirect_dma semaphore(%arg24 : memref<!tpu.dma_semaphore, #tpu.memory_space<semaphore_mem>>) src(%dma_wait3A_333 : memref<10000x48xf32, #tpu.memory_space<hbm>>) dst(%arg14 : memref<125x48xf32, #tpu.memory_space<vmem>>)
      %dma_start3A_334 = arith.constant 0 : i32
      %dma_start3A_335 = tpu.memref_slice %arg7[%add3A_327, %dma_start3A_334] : memref<80x125xi32, #tpu.memory_space<vmem>> -> memref<1x125xi32, #tpu.memory_space<vmem>>
      %dma_start3A_336 = tpu.memref_squeeze %dma_start3A_335 : memref<1x125xi32, #tpu.memory_space<vmem>> -> memref<125xi32, #tpu.memory_space<vmem>>
      %dma_start3A_337 = arith.constant 0 : i32
      %dma_start3A_338 = arith.constant 0 : i32
      %dma_start3A_339 = tpu.memref_slice %arg17[%dma_start3A_337, %dma_start3A_338] : memref<10240x48xf32, #tpu.memory_space<vmem_shared>> -> memref<10240x48xf32, #tpu.memory_space<vmem_shared>>
      tpu.enqueue_indirect_dma source(%arg14 : memref<125x48xf32, #tpu.memory_space<vmem>>) target(%dma_start3A_339 : memref<10240x48xf32, #tpu.memory_space<vmem_shared>>) offsets(%dma_start3A_336 : memref<125xi32, #tpu.memory_space<vmem>>) semaphore(%arg32 : memref<!tpu.dma_semaphore, #tpu.memory_space<semaphore_mem>>) {add = true}
      %ge3A_340 = arith.constant 2 : i32
      %ge3A_341 = arith.cmpi sge, %add3A_327, %ge3A_340 : i32
      %convert_element_type3A_342 = arith.extui %ge3A_341 : i1 to i32
      %cond3A_343 = arith.constant 0 : i32
      %cond3A_344 = arith.cmpi ne, %convert_element_type3A_342, %cond3A_343 : i32
      scf.if %cond3A_344 {
        %dma_wait3A_382 = arith.constant 0 : i32
        %dma_wait3A_383 = tpu.memref_slice %arg7[%add3A_327, %dma_wait3A_382] : memref<80x125xi32, #tpu.memory_space<vmem>> -> memref<1x125xi32, #tpu.memory_space<vmem>>
        %dma_wait3A_384 = tpu.memref_squeeze %dma_wait3A_383 : memref<1x125xi32, #tpu.memory_space<vmem>> -> memref<125xi32, #tpu.memory_space<vmem>>
        %dma_wait3A_385 = arith.constant 0 : i32
        %dma_wait3A_386 = arith.constant 0 : i32
        %dma_wait3A_387 = tpu.memref_slice %arg17[%dma_wait3A_385, %dma_wait3A_386] : memref<10240x48xf32, #tpu.memory_space<vmem_shared>> -> memref<10240x48xf32, #tpu.memory_space<vmem_shared>>
        tpu.wait_indirect_dma semaphore(%arg30 : memref<!tpu.dma_semaphore, #tpu.memory_space<semaphore_mem>>) src(%arg12 : memref<125x48xf32, #tpu.memory_space<vmem>>) dst(%dma_wait3A_387 : memref<10240x48xf32, #tpu.memory_space<vmem_shared>>)
      } else {
      }
      %add3A_345 = arith.constant 8 : i32
      %add3A_346 = arith.addi %add3A_327, %add3A_345 : i32
      %sub3A_347 = arith.constant 2 : i32
      %sub3A_348 = arith.subi %add3A_346, %sub3A_347 : i32
      %lt3A_349 = arith.constant 80 : i32
      %lt3A_350 = arith.cmpi slt, %sub3A_348, %lt3A_349 : i32
      %convert_element_type3A_351 = arith.extui %lt3A_350 : i1 to i32
      %cond3A_352 = arith.constant 0 : i32
      %cond3A_353 = arith.cmpi ne, %convert_element_type3A_351, %cond3A_352 : i32
      scf.if %cond3A_353 {
        %add3A_382 = arith.constant 8 : i32
        %add3A_383 = arith.addi %add3A_327, %add3A_382 : i32
        %sub3A_384 = arith.constant 2 : i32
        %sub3A_385 = arith.subi %add3A_383, %sub3A_384 : i32
        %dma_start3A_386 = arith.constant 0 : i32
        %dma_start3A_387 = tpu.memref_slice %arg6[%sub3A_385, %dma_start3A_386] : memref<80x125xi32, #tpu.memory_space<vmem>> -> memref<1x125xi32, #tpu.memory_space<vmem>>
        %dma_start3A_388 = tpu.memref_squeeze %dma_start3A_387 : memref<1x125xi32, #tpu.memory_space<vmem>> -> memref<125xi32, #tpu.memory_space<vmem>>
        %dma_start3A_389 = arith.constant 0 : i32
        %dma_start3A_390 = arith.constant 0 : i32
        %dma_start3A_391 = tpu.memref_slice %arg2[%dma_start3A_389, %dma_start3A_390] : memref<10000x48xf32, #tpu.memory_space<hbm>> -> memref<10000x48xf32, #tpu.memory_space<hbm>>
        tpu.enqueue_indirect_dma source(%dma_start3A_391 : memref<10000x48xf32, #tpu.memory_space<hbm>>) target(%arg12 : memref<125x48xf32, #tpu.memory_space<vmem>>) offsets(%dma_start3A_388 : memref<125xi32, #tpu.memory_space<vmem>>) semaphore(%arg22 : memref<!tpu.dma_semaphore, #tpu.memory_space<semaphore_mem>>)
      } else {
      }
      %add3A_354 = arith.constant 7 : i32
      %add3A_355 = arith.addi %mul3A_162, %add3A_354 : i32
      %dma_wait3A_356 = arith.constant 0 : i32
      %dma_wait3A_357 = tpu.memref_slice %arg6[%add3A_355, %dma_wait3A_356] : memref<80x125xi32, #tpu.memory_space<vmem>> -> memref<1x125xi32, #tpu.memory_space<vmem>>
      %dma_wait3A_358 = tpu.memref_squeeze %dma_wait3A_357 : memref<1x125xi32, #tpu.memory_space<vmem>> -> memref<125xi32, #tpu.memory_space<vmem>>
      %dma_wait3A_359 = arith.constant 0 : i32
      %dma_wait3A_360 = arith.constant 0 : i32
      %dma_wait3A_361 = tpu.memref_slice %arg2[%dma_wait3A_359, %dma_wait3A_360] : memref<10000x48xf32, #tpu.memory_space<hbm>> -> memref<10000x48xf32, #tpu.memory_space<hbm>>
      tpu.wait_indirect_dma semaphore(%arg25 : memref<!tpu.dma_semaphore, #tpu.memory_space<semaphore_mem>>) src(%dma_wait3A_361 : memref<10000x48xf32, #tpu.memory_space<hbm>>) dst(%arg15 : memref<125x48xf32, #tpu.memory_space<vmem>>)
      %dma_start3A_362 = arith.constant 0 : i32
      %dma_start3A_363 = tpu.memref_slice %arg7[%add3A_355, %dma_start3A_362] : memref<80x125xi32, #tpu.memory_space<vmem>> -> memref<1x125xi32, #tpu.memory_space<vmem>>
      %dma_start3A_364 = tpu.memref_squeeze %dma_start3A_363 : memref<1x125xi32, #tpu.memory_space<vmem>> -> memref<125xi32, #tpu.memory_space<vmem>>
      %dma_start3A_365 = arith.constant 0 : i32
      %dma_start3A_366 = arith.constant 0 : i32
      %dma_start3A_367 = tpu.memref_slice %arg17[%dma_start3A_365, %dma_start3A_366] : memref<10240x48xf32, #tpu.memory_space<vmem_shared>> -> memref<10240x48xf32, #tpu.memory_space<vmem_shared>>
      tpu.enqueue_indirect_dma source(%arg15 : memref<125x48xf32, #tpu.memory_space<vmem>>) target(%dma_start3A_367 : memref<10240x48xf32, #tpu.memory_space<vmem_shared>>) offsets(%dma_start3A_364 : memref<125xi32, #tpu.memory_space<vmem>>) semaphore(%arg33 : memref<!tpu.dma_semaphore, #tpu.memory_space<semaphore_mem>>) {add = true}
      %ge3A_368 = arith.constant 2 : i32
      %ge3A_369 = arith.cmpi sge, %add3A_355, %ge3A_368 : i32
      %convert_element_type3A_370 = arith.extui %ge3A_369 : i1 to i32
      %cond3A_371 = arith.constant 0 : i32
      %cond3A_372 = arith.cmpi ne, %convert_element_type3A_370, %cond3A_371 : i32
      scf.if %cond3A_372 {
        %dma_wait3A_382 = arith.constant 0 : i32
        %dma_wait3A_383 = tpu.memref_slice %arg7[%add3A_355, %dma_wait3A_382] : memref<80x125xi32, #tpu.memory_space<vmem>> -> memref<1x125xi32, #tpu.memory_space<vmem>>
        %dma_wait3A_384 = tpu.memref_squeeze %dma_wait3A_383 : memref<1x125xi32, #tpu.memory_space<vmem>> -> memref<125xi32, #tpu.memory_space<vmem>>
        %dma_wait3A_385 = arith.constant 0 : i32
        %dma_wait3A_386 = arith.constant 0 : i32
        %dma_wait3A_387 = tpu.memref_slice %arg17[%dma_wait3A_385, %dma_wait3A_386] : memref<10240x48xf32, #tpu.memory_space<vmem_shared>> -> memref<10240x48xf32, #tpu.memory_space<vmem_shared>>
        tpu.wait_indirect_dma semaphore(%arg31 : memref<!tpu.dma_semaphore, #tpu.memory_space<semaphore_mem>>) src(%arg13 : memref<125x48xf32, #tpu.memory_space<vmem>>) dst(%dma_wait3A_387 : memref<10240x48xf32, #tpu.memory_space<vmem_shared>>)
      } else {
      }
      %add3A_373 = arith.constant 8 : i32
      %add3A_374 = arith.addi %add3A_355, %add3A_373 : i32
      %sub3A_375 = arith.constant 2 : i32
      %sub3A_376 = arith.subi %add3A_374, %sub3A_375 : i32
      %lt3A_377 = arith.constant 80 : i32
      %lt3A_378 = arith.cmpi slt, %sub3A_376, %lt3A_377 : i32
      %convert_element_type3A_379 = arith.extui %lt3A_378 : i1 to i32
      %cond3A_380 = arith.constant 0 : i32
      %cond3A_381 = arith.cmpi ne, %convert_element_type3A_379, %cond3A_380 : i32
      scf.if %cond3A_381 {
        %add3A_382 = arith.constant 8 : i32
        %add3A_383 = arith.addi %add3A_355, %add3A_382 : i32
        %sub3A_384 = arith.constant 2 : i32
        %sub3A_385 = arith.subi %add3A_383, %sub3A_384 : i32
        %dma_start3A_386 = arith.constant 0 : i32
        %dma_start3A_387 = tpu.memref_slice %arg6[%sub3A_385, %dma_start3A_386] : memref<80x125xi32, #tpu.memory_space<vmem>> -> memref<1x125xi32, #tpu.memory_space<vmem>>
        %dma_start3A_388 = tpu.memref_squeeze %dma_start3A_387 : memref<1x125xi32, #tpu.memory_space<vmem>> -> memref<125xi32, #tpu.memory_space<vmem>>
        %dma_start3A_389 = arith.constant 0 : i32
        %dma_start3A_390 = arith.constant 0 : i32
        %dma_start3A_391 = tpu.memref_slice %arg2[%dma_start3A_389, %dma_start3A_390] : memref<10000x48xf32, #tpu.memory_space<hbm>> -> memref<10000x48xf32, #tpu.memory_space<hbm>>
        tpu.enqueue_indirect_dma source(%dma_start3A_391 : memref<10000x48xf32, #tpu.memory_space<hbm>>) target(%arg13 : memref<125x48xf32, #tpu.memory_space<vmem>>) offsets(%dma_start3A_388 : memref<125xi32, #tpu.memory_space<vmem>>) semaphore(%arg23 : memref<!tpu.dma_semaphore, #tpu.memory_space<semaphore_mem>>)
      } else {
      }
    }
    %scan3A_140 = arith.constant 10 : i32
    %dma_wait3A_141 = arith.constant 78 : i32
    %dma_wait3A_142 = arith.constant 0 : i32
    %dma_wait3A_143 = tpu.memref_slice %arg7[%dma_wait3A_141, %dma_wait3A_142] : memref<80x125xi32, #tpu.memory_space<vmem>> -> memref<1x125xi32, #tpu.memory_space<vmem>>
    %dma_wait3A_144 = tpu.memref_squeeze %dma_wait3A_143 : memref<1x125xi32, #tpu.memory_space<vmem>> -> memref<125xi32, #tpu.memory_space<vmem>>
    %dma_wait3A_145 = arith.constant 0 : i32
    %dma_wait3A_146 = arith.constant 0 : i32
    %dma_wait3A_147 = tpu.memref_slice %arg17[%dma_wait3A_145, %dma_wait3A_146] : memref<10240x48xf32, #tpu.memory_space<vmem_shared>> -> memref<10240x48xf32, #tpu.memory_space<vmem_shared>>
    tpu.wait_indirect_dma semaphore(%arg32 : memref<!tpu.dma_semaphore, #tpu.memory_space<semaphore_mem>>) src(%arg14 : memref<125x48xf32, #tpu.memory_space<vmem>>) dst(%dma_wait3A_147 : memref<10240x48xf32, #tpu.memory_space<vmem_shared>>)
    %dma_wait3A_148 = arith.constant 79 : i32
    %dma_wait3A_149 = arith.constant 0 : i32
    %dma_wait3A_150 = tpu.memref_slice %arg7[%dma_wait3A_148, %dma_wait3A_149] : memref<80x125xi32, #tpu.memory_space<vmem>> -> memref<1x125xi32, #tpu.memory_space<vmem>>
    %dma_wait3A_151 = tpu.memref_squeeze %dma_wait3A_150 : memref<1x125xi32, #tpu.memory_space<vmem>> -> memref<125xi32, #tpu.memory_space<vmem>>
    %dma_wait3A_152 = arith.constant 0 : i32
    %dma_wait3A_153 = arith.constant 0 : i32
    %dma_wait3A_154 = tpu.memref_slice %arg17[%dma_wait3A_152, %dma_wait3A_153] : memref<10240x48xf32, #tpu.memory_space<vmem_shared>> -> memref<10240x48xf32, #tpu.memory_space<vmem_shared>>
    tpu.wait_indirect_dma semaphore(%arg33 : memref<!tpu.dma_semaphore, #tpu.memory_space<semaphore_mem>>) src(%arg15 : memref<125x48xf32, #tpu.memory_space<vmem>>) dst(%dma_wait3A_154 : memref<10240x48xf32, #tpu.memory_space<vmem_shared>>)
    %barrier3A_155 = arith.constant 0 : index
    tpu.barrier barrier_id(%barrier3A_155)
    %mul3A_156 = arith.constant 640 : i32
    %mul3A_157 = arith.muli %arg1, %mul3A_156 : i32
    %mul3A_158 = arith.constant 640 : i32
    %mul3A_159 = arith.muli %arg1, %mul3A_158 : i32
    "tpu.region"() ({
      %run_scoped3A = tpu.sem_alloc : memref<!tpu.dma_semaphore, #tpu.memory_space<semaphore_mem>>
      %dma_start3A_160 = arith.constant 0 : i32
      %dma_start3A_161 = tpu.memref_slice %arg5[%arg0, %mul3A_159, %dma_start3A_160] : memref<2x10240x48xf32, #tpu.memory_space<hbm>> -> memref<1x640x48xf32, #tpu.memory_space<hbm>>
      %dma_start3A_162 = tpu.memref_squeeze %dma_start3A_161 : memref<1x640x48xf32, #tpu.memory_space<hbm>> -> memref<640x48xf32, #tpu.memory_space<hbm>>
      %dma_start3A_163 = arith.constant 0 : i32
      %dma_start3A_164 = tpu.memref_slice %arg17[%mul3A_157, %dma_start3A_163] : memref<10240x48xf32, #tpu.memory_space<vmem_shared>> -> memref<640x48xf32, #tpu.memory_space<vmem_shared>>
      tpu.enqueue_dma source(%dma_start3A_164 : memref<640x48xf32, #tpu.memory_space<vmem_shared>>) target(%dma_start3A_162 : memref<640x48xf32, #tpu.memory_space<hbm>>) target_semaphore(%run_scoped3A : memref<!tpu.dma_semaphore, #tpu.memory_space<semaphore_mem>>)
      %dma_wait3A_165 = arith.constant 0 : i32
      %dma_wait3A_166 = tpu.memref_slice %arg5[%arg0, %mul3A_159, %dma_wait3A_165] : memref<2x10240x48xf32, #tpu.memory_space<hbm>> -> memref<1x640x48xf32, #tpu.memory_space<hbm>>
      %dma_wait3A_167 = tpu.memref_squeeze %dma_wait3A_166 : memref<1x640x48xf32, #tpu.memory_space<hbm>> -> memref<640x48xf32, #tpu.memory_space<hbm>>
      %dma_wait3A_168 = arith.constant 0 : i32
      %dma_wait3A_169 = tpu.memref_slice %arg17[%mul3A_157, %dma_wait3A_168] : memref<10240x48xf32, #tpu.memory_space<vmem_shared>> -> memref<640x48xf32, #tpu.memory_space<vmem_shared>>
      tpu.wait_dma2 semaphore(%run_scoped3A : memref<!tpu.dma_semaphore, #tpu.memory_space<semaphore_mem>>) src(%dma_wait3A_169 : memref<640x48xf32, #tpu.memory_space<vmem_shared>>) dst(%dma_wait3A_167 : memref<640x48xf32, #tpu.memory_space<hbm>>)
      tpu.yield
    }) : () -> ()
    return
  }
}

module attributes {stable_mosaic.version = 14 : i64} {
  func.func @_proj0_body(%arg0: memref<10000x128xf32, #tpu.memory_space<vmem>>, %arg1: memref<128x96xf32, #tpu.memory_space<vmem>>, %arg2: memref<1x96xf32, #tpu.memory_space<vmem>>, %arg3: memref<10000x64xf32, #tpu.memory_space<vmem>>) attributes {dimension_semantics = [], scalar_prefetch = 0 : i64, scratch_operands = 0 : i64, tpu.core_type = #tpu.core_type<tc>} {
    %get3A = arith.constant 0 : index
    %get3A_0 = arith.constant 0 : index
    %get3A_1 = vector.load %arg0[%get3A, %get3A_0] : memref<10000x128xf32, #tpu.memory_space<vmem>>, vector<10000x128xf32>
    %get3A_2 = arith.constant 0 : index
    %get3A_3 = arith.constant 0 : index
    %get3A_4 = vector.load %arg1[%get3A_2, %get3A_3] : memref<128x96xf32, #tpu.memory_space<vmem>>, vector<128x96xf32>
    %slice3A = vector.extract_strided_slice %get3A_4 {offsets = [0, 0], sizes = [128, 48], strides = [1, 1]} : vector<128x96xf32> to vector<128x48xf32>
    %slice3A_5 = vector.extract_strided_slice %get3A_4 {offsets = [0, 48], sizes = [128, 48], strides = [1, 1]} : vector<128x96xf32> to vector<128x48xf32>
    %add3A = arith.addf %slice3A, %slice3A_5 : vector<128x48xf32>
    %mul3A = arith.constant 5.000000e-01 : f32
    %mul3A_6 = vector.broadcast %mul3A : f32 to vector<128x48xf32>
    %mul3A_7 = arith.mulf %mul3A_6, %add3A : vector<128x48xf32>
    %dot_general3A = arith.constant dense<0.000000e+00> : vector<10000x48xf32>
    %dot_general3A_8 = tpu.matmul %get3A_1, %mul3A_7, %dot_general3A {dimension_numbers = #tpu.dot_dimension_numbers<[1], [0], [0], [1], [0, 0, 1, 1], [], []>, transpose_lhs_hint = false} : vector<10000x128xf32>, vector<128x48xf32>, vector<10000x48xf32> -> vector<10000x48xf32>
    %get3A_9 = arith.constant 0 : index
    %get3A_10 = arith.constant 0 : index
    %get3A_11 = vector.load %arg2[%get3A_9, %get3A_10] : memref<1x96xf32, #tpu.memory_space<vmem>>, vector<1x96xf32>
    %slice3A_12 = vector.extract_strided_slice %get3A_11 {offsets = [0, 0], sizes = [1, 48], strides = [1, 1]} : vector<1x96xf32> to vector<1x48xf32>
    %slice3A_13 = vector.extract_strided_slice %get3A_11 {offsets = [0, 48], sizes = [1, 48], strides = [1, 1]} : vector<1x96xf32> to vector<1x48xf32>
    %add3A_14 = arith.addf %slice3A_12, %slice3A_13 : vector<1x48xf32>
    %mul3A_15 = arith.constant 5.000000e-01 : f32
    %mul3A_16 = vector.broadcast %mul3A_15 : f32 to vector<1x48xf32>
    %mul3A_17 = arith.mulf %mul3A_16, %add3A_14 : vector<1x48xf32>
    %add3A_18 = vector.broadcast %mul3A_17 : vector<1x48xf32> to vector<10000x48xf32>
    %add3A_19 = arith.addf %dot_general3A_8, %add3A_18 : vector<10000x48xf32>
    %broadcast_in_dim3A = arith.constant 1.000000e+00 : f32
    %broadcast_in_dim3A_20 = vector.broadcast %broadcast_in_dim3A : f32 to vector<10000x1xf32>
    %broadcast_in_dim3A_21 = arith.constant 0.000000e+00 : f32
    %broadcast_in_dim3A_22 = vector.broadcast %broadcast_in_dim3A_21 : f32 to vector<10000x15xf32>
    %concatenate3A = tpu.concatenate %add3A_19, %broadcast_in_dim3A_20, %broadcast_in_dim3A_22 in 1 : vector<10000x48xf32>, vector<10000x1xf32>, vector<10000x15xf32> -> vector<10000x64xf32>
    %swap3A = arith.constant 0 : index
    %swap3A_23 = arith.constant 0 : index
    %swap3A_24 = vector.load %arg3[%swap3A, %swap3A_23] : memref<10000x64xf32, #tpu.memory_space<vmem>>, vector<10000x64xf32>
    tpu.vector_store %arg3[%swap3A, %swap3A_23], %concatenate3A {strides = array<i32>} : memref<10000x64xf32, #tpu.memory_space<vmem>>, vector<10000x64xf32>,
    return
  }
}

module attributes {stable_mosaic.version = 14 : i64} {
  func.func @_mid_body(%arg0: memref<2x10240x64xf32, #tpu.memory_space<vmem>>, %arg1: memref<10000x128xf32, #tpu.memory_space<vmem>>, %arg2: memref<128x48xf32, #tpu.memory_space<vmem>>, %arg3: memref<1x48xf32, #tpu.memory_space<vmem>>, %arg4: memref<48x96xf32, #tpu.memory_space<vmem>>, %arg5: memref<1x96xf32, #tpu.memory_space<vmem>>, %arg6: memref<10000x48xf32, #tpu.memory_space<vmem>>, %arg7: memref<10000x48xf32, #tpu.memory_space<vmem>>) attributes {dimension_semantics = [], scalar_prefetch = 0 : i64, scratch_operands = 0 : i64, tpu.core_type = #tpu.core_type<tc>} {
    %get3A = arith.constant 0 : index
    %get3A_0 = arith.constant 0 : index
    %get3A_1 = arith.constant 0 : index
    %get3A_2 = vector.load %arg0[%get3A, %get3A_0, %get3A_1] : memref<2x10240x64xf32, #tpu.memory_space<vmem>>, vector<1x10000x48xf32>
    %get3A_3 = vector.shape_cast %get3A_2 : vector<1x10000x48xf32> to vector<10000x48xf32>
    %get3A_4 = arith.constant 1 : index
    %get3A_5 = arith.constant 0 : index
    %get3A_6 = arith.constant 0 : index
    %get3A_7 = vector.load %arg0[%get3A_4, %get3A_5, %get3A_6] : memref<2x10240x64xf32, #tpu.memory_space<vmem>>, vector<1x10000x48xf32>
    %get3A_8 = vector.shape_cast %get3A_7 : vector<1x10000x48xf32> to vector<10000x48xf32>
    %add3A = arith.addf %get3A_3, %get3A_8 : vector<10000x48xf32>
    %get3A_9 = arith.constant 0 : index
    %get3A_10 = arith.constant 0 : index
    %get3A_11 = vector.load %arg1[%get3A_9, %get3A_10] : memref<10000x128xf32, #tpu.memory_space<vmem>>, vector<10000x128xf32>
    %get3A_12 = arith.constant 0 : index
    %get3A_13 = arith.constant 0 : index
    %get3A_14 = vector.load %arg2[%get3A_12, %get3A_13] : memref<128x48xf32, #tpu.memory_space<vmem>>, vector<128x48xf32>
    %dot_general3A = arith.constant dense<0.000000e+00> : vector<10000x48xf32>
    %dot_general3A_15 = tpu.matmul %get3A_11, %get3A_14, %dot_general3A {dimension_numbers = #tpu.dot_dimension_numbers<[1], [0], [0], [1], [0, 0, 1, 1], [], []>, transpose_lhs_hint = false} : vector<10000x128xf32>, vector<128x48xf32>, vector<10000x48xf32> -> vector<10000x48xf32>
    %add3A_16 = arith.addf %add3A, %dot_general3A_15 : vector<10000x48xf32>
    %get3A_17 = arith.constant 0 : index
    %get3A_18 = arith.constant 0 : index
    %get3A_19 = vector.load %arg3[%get3A_17, %get3A_18] : memref<1x48xf32, #tpu.memory_space<vmem>>, vector<1x48xf32>
    %add3A_20 = vector.broadcast %get3A_19 : vector<1x48xf32> to vector<10000x48xf32>
    %add3A_21 = arith.addf %add3A_16, %add3A_20 : vector<10000x48xf32>
    %swap3A = arith.constant 0 : index
    %swap3A_22 = arith.constant 0 : index
    %swap3A_23 = vector.load %arg6[%swap3A, %swap3A_22] : memref<10000x48xf32, #tpu.memory_space<vmem>>, vector<10000x48xf32>
    tpu.vector_store %arg6[%swap3A, %swap3A_22], %add3A_21 {strides = array<i32>} : memref<10000x48xf32, #tpu.memory_space<vmem>>, vector<10000x48xf32>,
    %get3A_24 = arith.constant 0 : index
    %get3A_25 = arith.constant 0 : index
    %get3A_26 = vector.load %arg4[%get3A_24, %get3A_25] : memref<48x96xf32, #tpu.memory_space<vmem>>, vector<48x96xf32>
    %slice3A = vector.extract_strided_slice %get3A_26 {offsets = [0, 0], sizes = [48, 48], strides = [1, 1]} : vector<48x96xf32> to vector<48x48xf32>
    %slice3A_27 = vector.extract_strided_slice %get3A_26 {offsets = [0, 48], sizes = [48, 48], strides = [1, 1]} : vector<48x96xf32> to vector<48x48xf32>
    %add3A_28 = arith.addf %slice3A, %slice3A_27 : vector<48x48xf32>
    %mul3A = arith.constant 5.000000e-01 : f32
    %mul3A_29 = vector.broadcast %mul3A : f32 to vector<48x48xf32>
    %mul3A_30 = arith.mulf %mul3A_29, %add3A_28 : vector<48x48xf32>
    %dot_general3A_31 = arith.constant dense<0.000000e+00> : vector<10000x48xf32>
    %dot_general3A_32 = tpu.matmul %add3A_21, %mul3A_30, %dot_general3A_31 {dimension_numbers = #tpu.dot_dimension_numbers<[1], [0], [0], [1], [0, 0, 1, 1], [], []>, transpose_lhs_hint = false} : vector<10000x48xf32>, vector<48x48xf32>, vector<10000x48xf32> -> vector<10000x48xf32>
    %get3A_33 = arith.constant 0 : index
    %get3A_34 = arith.constant 0 : index
    %get3A_35 = vector.load %arg5[%get3A_33, %get3A_34] : memref<1x96xf32, #tpu.memory_space<vmem>>, vector<1x96xf32>
    %slice3A_36 = vector.extract_strided_slice %get3A_35 {offsets = [0, 0], sizes = [1, 48], strides = [1, 1]} : vector<1x96xf32> to vector<1x48xf32>
    %slice3A_37 = vector.extract_strided_slice %get3A_35 {offsets = [0, 48], sizes = [1, 48], strides = [1, 1]} : vector<1x96xf32> to vector<1x48xf32>
    %add3A_38 = arith.addf %slice3A_36, %slice3A_37 : vector<1x48xf32>
    %mul3A_39 = arith.constant 5.000000e-01 : f32
    %mul3A_40 = vector.broadcast %mul3A_39 : f32 to vector<1x48xf32>
    %mul3A_41 = arith.mulf %mul3A_40, %add3A_38 : vector<1x48xf32>
    %add3A_42 = vector.broadcast %mul3A_41 : vector<1x48xf32> to vector<10000x48xf32>
    %add3A_43 = arith.addf %dot_general3A_32, %add3A_42 : vector<10000x48xf32>
    %swap3A_44 = arith.constant 0 : index
    %swap3A_45 = arith.constant 0 : index
    %swap3A_46 = vector.load %arg7[%swap3A_44, %swap3A_45] : memref<10000x48xf32, #tpu.memory_space<vmem>>, vector<10000x48xf32>
    tpu.vector_store %arg7[%swap3A_44, %swap3A_45], %add3A_43 {strides = array<i32>} : memref<10000x48xf32, #tpu.memory_space<vmem>>, vector<10000x48xf32>,
    return
  }
}

module attributes {stable_mosaic.version = 14 : i64} {
  func.func @_add_body(%arg0: memref<2x10240x48xf32, #tpu.memory_space<vmem>>, %arg1: memref<10000x48xf32, #tpu.memory_space<vmem>>, %arg2: memref<10000x48xf32, #tpu.memory_space<vmem>>) attributes {dimension_semantics = [], scalar_prefetch = 0 : i64, scratch_operands = 0 : i64, tpu.core_type = #tpu.core_type<tc>} {
    %get3A = arith.constant 0 : index
    %get3A_0 = arith.constant 0 : index
    %get3A_1 = arith.constant 0 : index
    %get3A_2 = vector.load %arg0[%get3A, %get3A_0, %get3A_1] : memref<2x10240x48xf32, #tpu.memory_space<vmem>>, vector<1x10000x48xf32>
    %get3A_3 = vector.shape_cast %get3A_2 : vector<1x10000x48xf32> to vector<10000x48xf32>
    %get3A_4 = arith.constant 1 : index
    %get3A_5 = arith.constant 0 : index
    %get3A_6 = arith.constant 0 : index
    %get3A_7 = vector.load %arg0[%get3A_4, %get3A_5, %get3A_6] : memref<2x10240x48xf32, #tpu.memory_space<vmem>>, vector<1x10000x48xf32>
    %get3A_8 = vector.shape_cast %get3A_7 : vector<1x10000x48xf32> to vector<10000x48xf32>
    %add3A = arith.addf %get3A_3, %get3A_8 : vector<10000x48xf32>
    %get3A_9 = arith.constant 0 : index
    %get3A_10 = arith.constant 0 : index
    %get3A_11 = vector.load %arg1[%get3A_9, %get3A_10] : memref<10000x48xf32, #tpu.memory_space<vmem>>, vector<10000x48xf32>
    %add3A_12 = arith.addf %add3A, %get3A_11 : vector<10000x48xf32>
    %swap3A = arith.constant 0 : index
    %swap3A_13 = arith.constant 0 : index
    %swap3A_14 = vector.load %arg2[%swap3A, %swap3A_13] : memref<10000x48xf32, #tpu.memory_space<vmem>>, vector<10000x48xf32>
    tpu.vector_store %arg2[%swap3A, %swap3A_13], %add3A_12 {strides = array<i32>} : memref<10000x48xf32, #tpu.memory_space<vmem>>, vector<10000x48xf32>,
    return
  }
}

module attributes {stable_mosaic.version = 14 : i64} {
  func.func @_final_body(%arg0: memref<2x10240x48xf32, #tpu.memory_space<vmem>>, %arg1: memref<2x10240x64xf32, #tpu.memory_space<vmem>>, %arg2: memref<10000x48xf32, #tpu.memory_space<vmem>>, %arg3: memref<1x10000xi32, #tpu.memory_space<vmem>>, %arg4: memref<48x256xf32, #tpu.memory_space<vmem>>, %arg5: memref<1x256xf32, #tpu.memory_space<vmem>>, %arg6: memref<48x128xf32, #tpu.memory_space<vmem>>, %arg7: memref<1x128xf32, #tpu.memory_space<vmem>>, %arg8: memref<128x10xf32, #tpu.memory_space<vmem>>, %arg9: memref<1x10xf32, #tpu.memory_space<vmem>>, %arg10: memref<64x10xf32, #tpu.memory_space<vmem>>) attributes {dimension_semantics = [], scalar_prefetch = 0 : i64, scratch_operands = 0 : i64, tpu.core_type = #tpu.core_type<tc>} {
    %get3A = arith.constant 0 : index
    %get3A_0 = arith.constant 0 : index
    %get3A_1 = arith.constant 0 : index
    %get3A_2 = vector.load %arg0[%get3A, %get3A_0, %get3A_1] : memref<2x10240x48xf32, #tpu.memory_space<vmem>>, vector<1x10000x48xf32>
    %get3A_3 = vector.shape_cast %get3A_2 : vector<1x10000x48xf32> to vector<10000x48xf32>
    %get3A_4 = arith.constant 1 : index
    %get3A_5 = arith.constant 0 : index
    %get3A_6 = arith.constant 0 : index
    %get3A_7 = vector.load %arg0[%get3A_4, %get3A_5, %get3A_6] : memref<2x10240x48xf32, #tpu.memory_space<vmem>>, vector<1x10000x48xf32>
    %get3A_8 = vector.shape_cast %get3A_7 : vector<1x10000x48xf32> to vector<10000x48xf32>
    %add3A = arith.addf %get3A_3, %get3A_8 : vector<10000x48xf32>
    %get3A_9 = arith.constant 0 : index
    %get3A_10 = arith.constant 0 : index
    %get3A_11 = arith.constant 48 : index
    %get3A_12 = vector.load %arg1[%get3A_9, %get3A_10, %get3A_11] : memref<2x10240x64xf32, #tpu.memory_space<vmem>>, vector<1x10000x1xf32>
    %get3A_13 = vector.shape_cast %get3A_12 : vector<1x10000x1xf32> to vector<10000x1xf32>
    %get3A_14 = arith.constant 1 : index
    %get3A_15 = arith.constant 0 : index
    %get3A_16 = arith.constant 48 : index
    %get3A_17 = vector.load %arg1[%get3A_14, %get3A_15, %get3A_16] : memref<2x10240x64xf32, #tpu.memory_space<vmem>>, vector<1x10000x1xf32>
    %get3A_18 = vector.shape_cast %get3A_17 : vector<1x10000x1xf32> to vector<10000x1xf32>
    %add3A_19 = arith.addf %get3A_13, %get3A_18 : vector<10000x1xf32>
    %get3A_20 = arith.constant 0 : index
    %get3A_21 = arith.constant 0 : index
    %get3A_22 = vector.load %arg4[%get3A_20, %get3A_21] : memref<48x256xf32, #tpu.memory_space<vmem>>, vector<48x256xf32>
    %slice3A = vector.extract_strided_slice %get3A_22 {offsets = [0, 0], sizes = [48, 128], strides = [1, 1]} : vector<48x256xf32> to vector<48x128xf32>
    %slice3A_23 = vector.extract_strided_slice %get3A_22 {offsets = [0, 128], sizes = [48, 128], strides = [1, 1]} : vector<48x256xf32> to vector<48x128xf32>
    %add3A_24 = arith.addf %slice3A, %slice3A_23 : vector<48x128xf32>
    %mul3A = arith.constant 5.000000e-01 : f32
    %mul3A_25 = vector.broadcast %mul3A : f32 to vector<48x128xf32>
    %mul3A_26 = arith.mulf %mul3A_25, %add3A_24 : vector<48x128xf32>
    %dot_general3A = arith.constant dense<0.000000e+00> : vector<10000x128xf32>
    %dot_general3A_27 = tpu.matmul %add3A, %mul3A_26, %dot_general3A {dimension_numbers = #tpu.dot_dimension_numbers<[1], [0], [0], [1], [0, 0, 1, 1], [], []>, transpose_lhs_hint = false} : vector<10000x48xf32>, vector<48x128xf32>, vector<10000x128xf32> -> vector<10000x128xf32>
    %get3A_28 = arith.constant 0 : index
    %get3A_29 = arith.constant 0 : index
    %get3A_30 = vector.load %arg5[%get3A_28, %get3A_29] : memref<1x256xf32, #tpu.memory_space<vmem>>, vector<1x256xf32>
    %slice3A_31 = vector.extract_strided_slice %get3A_30 {offsets = [0, 0], sizes = [1, 128], strides = [1, 1]} : vector<1x256xf32> to vector<1x128xf32>
    %slice3A_32 = vector.extract_strided_slice %get3A_30 {offsets = [0, 128], sizes = [1, 128], strides = [1, 1]} : vector<1x256xf32> to vector<1x128xf32>
    %add3A_33 = arith.addf %slice3A_31, %slice3A_32 : vector<1x128xf32>
    %mul3A_34 = arith.constant 5.000000e-01 : f32
    %mul3A_35 = vector.broadcast %mul3A_34 : f32 to vector<1x128xf32>
    %mul3A_36 = arith.mulf %mul3A_35, %add3A_33 : vector<1x128xf32>
    %mul3A_37 = vector.broadcast %add3A_19 : vector<10000x1xf32> to vector<10000x128xf32>
    %mul3A_38 = vector.broadcast %mul3A_36 : vector<1x128xf32> to vector<10000x128xf32>
    %mul3A_39 = arith.mulf %mul3A_37, %mul3A_38 : vector<10000x128xf32>
    %add3A_40 = arith.addf %dot_general3A_27, %mul3A_39 : vector<10000x128xf32>
    %get3A_41 = arith.constant 0 : index
    %get3A_42 = arith.constant 0 : index
    %get3A_43 = vector.load %arg2[%get3A_41, %get3A_42] : memref<10000x48xf32, #tpu.memory_space<vmem>>, vector<10000x48xf32>
    %get3A_44 = arith.constant 0 : index
    %get3A_45 = arith.constant 0 : index
    %get3A_46 = vector.load %arg6[%get3A_44, %get3A_45] : memref<48x128xf32, #tpu.memory_space<vmem>>, vector<48x128xf32>
    %dot_general3A_47 = arith.constant dense<0.000000e+00> : vector<10000x128xf32>
    %dot_general3A_48 = tpu.matmul %get3A_43, %get3A_46, %dot_general3A_47 {dimension_numbers = #tpu.dot_dimension_numbers<[1], [0], [0], [1], [0, 0, 1, 1], [], []>, transpose_lhs_hint = false} : vector<10000x48xf32>, vector<48x128xf32>, vector<10000x128xf32> -> vector<10000x128xf32>
    %add3A_49 = arith.addf %add3A_40, %dot_general3A_48 : vector<10000x128xf32>
    %get3A_50 = arith.constant 0 : index
    %get3A_51 = arith.constant 0 : index
    %get3A_52 = vector.load %arg7[%get3A_50, %get3A_51] : memref<1x128xf32, #tpu.memory_space<vmem>>, vector<1x128xf32>
    %add3A_53 = vector.broadcast %get3A_52 : vector<1x128xf32> to vector<10000x128xf32>
    %add3A_54 = arith.addf %add3A_49, %add3A_53 : vector<10000x128xf32>
    %get3A_55 = arith.constant 0 : index
    %get3A_56 = arith.constant 0 : index
    %get3A_57 = vector.load %arg3[%get3A_55, %get3A_56] : memref<1x10000xi32, #tpu.memory_space<vmem>>, vector<1x10000xi32>
    %iota3A = tpu.iota {dimensions = array<i32: 0>} : vector<64x1xi32>
    %eq3A = vector.broadcast %get3A_57 : vector<1x10000xi32> to vector<64x10000xi32>
    %eq3A_58 = vector.broadcast %iota3A : vector<64x1xi32> to vector<64x10000xi32>
    %eq3A_59 = arith.cmpi eq, %eq3A, %eq3A_58 : vector<64x10000xi32>
    %convert_element_type3A = arith.extui %eq3A_59 : vector<64x10000xi1> to vector<64x10000xi32>
    %convert_element_type3A_60 = arith.sitofp %convert_element_type3A : vector<64x10000xi32> to vector<64x10000xf32>
    %dot_general3A_61 = arith.constant dense<0.000000e+00> : vector<64x128xf32>
    %dot_general3A_62 = tpu.matmul %convert_element_type3A_60, %add3A_54, %dot_general3A_61 {dimension_numbers = #tpu.dot_dimension_numbers<[1], [0], [0], [1], [0, 0, 1, 1], [], []>, transpose_lhs_hint = false} : vector<64x10000xf32>, vector<10000x128xf32>, vector<64x128xf32> -> vector<64x128xf32>
    %reduce_sum3A = arith.constant dense<0.000000e+00> : vector<64xf32>
    %reduce_sum3A_63 = vector.multi_reduction <add>, %convert_element_type3A_60, %reduce_sum3A [1] : vector<64x10000xf32> to vector<64xf32>
    %broadcast_in_dim3A = vector.shape_cast %reduce_sum3A_63 : vector<64xf32> to vector<64x1xf32>
    %max3A = arith.constant 1.000000e+00 : f32
    %max3A_64 = vector.broadcast %max3A : f32 to vector<64x1xf32>
    %max3A_65 = arith.maximumf %broadcast_in_dim3A, %max3A_64 : vector<64x1xf32>
    %div3A = vector.broadcast %max3A_65 : vector<64x1xf32> to vector<64x128xf32>
    %div3A_66 = arith.divf %dot_general3A_62, %div3A : vector<64x128xf32>
    %get3A_67 = arith.constant 0 : index
    %get3A_68 = arith.constant 0 : index
    %get3A_69 = vector.load %arg8[%get3A_67, %get3A_68] : memref<128x10xf32, #tpu.memory_space<vmem>>, vector<128x10xf32>
    %dot_general3A_70 = arith.constant dense<0.000000e+00> : vector<64x10xf32>
    %dot_general3A_71 = tpu.matmul %div3A_66, %get3A_69, %dot_general3A_70 {dimension_numbers = #tpu.dot_dimension_numbers<[1], [0], [0], [1], [0, 0, 1, 1], [], []>, transpose_lhs_hint = false} : vector<64x128xf32>, vector<128x10xf32>, vector<64x10xf32> -> vector<64x10xf32>
    %get3A_72 = arith.constant 0 : index
    %get3A_73 = arith.constant 0 : index
    %get3A_74 = vector.load %arg9[%get3A_72, %get3A_73] : memref<1x10xf32, #tpu.memory_space<vmem>>, vector<1x10xf32>
    %add3A_75 = vector.broadcast %get3A_74 : vector<1x10xf32> to vector<64x10xf32>
    %add3A_76 = arith.addf %dot_general3A_71, %add3A_75 : vector<64x10xf32>
    %reduce_max3A = arith.constant dense<0xFF800000> : vector<64xf32>
    %reduce_max3A_77 = vector.multi_reduction <maximumf>, %add3A_76, %reduce_max3A [1] : vector<64x10xf32> to vector<64xf32>
    %broadcast_in_dim3A_78 = vector.shape_cast %reduce_max3A_77 : vector<64xf32> to vector<64x1xf32>
    %sub3A = vector.broadcast %broadcast_in_dim3A_78 : vector<64x1xf32> to vector<64x10xf32>
    %sub3A_79 = arith.subf %add3A_76, %sub3A : vector<64x10xf32>
    %exp3A = math.exp %sub3A_79 : vector<64x10xf32>
    %reduce_sum3A_80 = arith.constant dense<0.000000e+00> : vector<64xf32>
    %reduce_sum3A_81 = vector.multi_reduction <add>, %exp3A, %reduce_sum3A_80 [1] : vector<64x10xf32> to vector<64xf32>
    %broadcast_in_dim3A_82 = vector.shape_cast %reduce_sum3A_81 : vector<64xf32> to vector<64x1xf32>
    %log3A = math.log %broadcast_in_dim3A_82 : vector<64x1xf32>
    %sub3A_83 = vector.broadcast %log3A : vector<64x1xf32> to vector<64x10xf32>
    %sub3A_84 = arith.subf %sub3A_79, %sub3A_83 : vector<64x10xf32>
    %swap3A = arith.constant 0 : index
    %swap3A_85 = arith.constant 0 : index
    %swap3A_86 = vector.load %arg10[%swap3A, %swap3A_85] : memref<64x10xf32, #tpu.memory_space<vmem>>, vector<64x10xf32>
    tpu.vector_store %arg10[%swap3A, %swap3A_85], %sub3A_84 {strides = array<i32>} : memref<64x10xf32, #tpu.memory_space<vmem>>, vector<64x10xf32>,
    return
  }
}

</mosaic_0001>

<sc_bundles>
// kernel: kernel.12.cloned.1.call-start
scs
__scs_entry_jumppad:
0x0: {  	(pc) =	sbr.rel $0x88, $3  }
0x1: {  	(tag) =	ssettag $0x0;
	lr =	simm.s32 $0x1  }
0x2: {  	[smem:$0x3F92] =	sst lr;
	_ =	strace $0xD0000000  }
0x3: {  	_ = 	snop  }
0x4: {  	_ = 	snop  }
0x5: {  	_ = 	snop  }
0x6: {  	_ = 	snop  }
0x7: {  	_ = 	snop  }
__scs_overlays_trampoline_lowered:
0x8: {  	[smem:$0x3FA1] =	sst s0  }
0x9: {  	[smem:$0x3FA2] =	sst s1  }
0xa: {  	[smem:$0x3FA3] =	sst s2  }
0xb: {  	[smem:$0x3FA4] =	sst s3  }
0xc: {  	[smem:$0x3FA5] =	sst s4  }
0xd: {  	[smem:$0x3FA6] =	sst s5  }
0xe: {  	[smem:$0x3FA7] =	sst s6  }
0xf: {  	[smem:$0x3FA8] =	sst s7  }
0x10: {  	[smem:$0x3FA9] =	sst s8  }
0x11: {  	[smem:$0x3FAA] =	sst s9;
	s0 =	simm.s32 @!p0 $0x0  }
0x12: {  	s1 =	sld [smem:$0x3F90];
	s0 =	simm.s32 @p0 $0x1  }
0x13: {  	[smem:$0x3FAB] =	sst s0;
	s0 =	simm.s32 @!p1 $0x0  }
0x14: {  	s2 =	sld [smem:$0x3F8F];
	s0 =	simm.s32 @p1 $0x1  }
0x15: {  	[smem:$0x3FAC] =	sst s0;
	s0 =	simm.s32 @!p2 $0x0  }
0x16: {  	s3 =	sld [smem:$0x3FDB];
	s0 =	simm.s32 @p2 $0x1  }
0x17: {  	s4 =	simm.s32 $0x1BF5;
	[smem:$0x3FAE] =	sst s0  }
0x18: {  	s0 =	sld [smem:$0x3F91];
	_ =	swait.ge [sflag:s4], $0x0  }
0x19: {  	s7 =	sld [smem:$0x3F92]  }
0x1a: {  	s8 =	sadd.s32 $0xFFFFE003, lr  }
0x1b: {  	s9 =	sadd.s32 $0xFFFFFEF7, lr;
	s5 =	simm.s32 $0xFFFFFFFF;
	p2 =	slt.u32 s8, $0xFFFFF086  }
0x1c: {  	p1 =	slt.u32 s9, $0xF7A;
	s5 =	simm.s32 @!p2 $0x0  }
0x1d: {  	s5 =	simm.s32 @p1 $0x1;
	p0 =	seq.s32 s7, s2  }
0x1e: {  	s7 =	smul.u32 @!p0 $0xF7A, s2;
	p2 =	seq.s32 @!p0 s5, $0x0  }
0x1f: {  	s9 =	smul.u32 $0xF7A, s1;
	s8 =	simm.s32 @!p0 $0x1BF5;
	p2 =	por !p2, p0  }
0x20: {  	[sflag:s8] =	ssyncset.s32 @!p0 $0xFFFFF086;
	s6 =	sadd.s32 @!p0 s3, s7;
	s7 =	simm.s32 @!p0 $0x108  }
0x21: {  	s3 =	sadd.s32 s3, s9;
	s6 =	sadd.s32 @!p0 $0x88, s6;
	s7 =	simm.s32 @p2 $0x1082  }
0x22: {  	[simem:s7], [sflag:s8] =	dma.local @!p0 [hbm:s6], $0xF7A  }
0x23: {  	s9 =	sor.u32 $0xD0000000, s2;
	s6 =	simm.s32 $0x108;
	_ =	swait.ge @!p0 [sflag:s8], $0x0  }
0x24: {  	s3 =	sadd.s32 $0x88, s3;
	s6 =	simm.s32 @!p1 $0x1082;
	[sflag:s4] =	ssyncset.s32 $0xFFFFF086  }
0x25: {  	[simem:s6], [sflag:s4] =	dma.local [hbm:s3], $0xF7A  }
0x26: {  	[smem:$0x3F92] =	sst s1;
	(tag) =	ssettag s2;
	_ =	strace s9  }
0x27: {  	s1 =	sld [smem:$0x3FA2]  }
0x28: {  	s2 =	sld [smem:$0x3FA3]  }
0x29: {  	s4 =	sld [smem:$0x3FA5]  }
0x2a: {  	p0 =	seq.s32 s5, $0x0;
	s5 =	sld [smem:$0x3FA6]  }
0x2b: {  	s6 =	sld [smem:$0x3FA7]  }
0x2c: {  	s7 =	sld [smem:$0x3FA8]  }
0x2d: {  	s3 =	simm.s32 $0x108;
	s8 =	sld [smem:$0x3FA9]  }
0x2e: {  	s3 =	simm.s32 @!p0 $0x1082;
	s9 =	sld [smem:$0x3FAA]  }
0x2f: {  	lr =	sadd.s32 s0, s3;
	s0 =	sld [smem:$0x3FA1]  }
0x30: {  	s3 =	sld [smem:$0x3FA4]  }
0x31: {  	[smem:$0x3FAD] =	sst s10  }
0x32: {  	s10 =	sld [smem:$0x3FAB];
	_ =	sdelay $0x3  }
0x33: {  	p0 =	seq.s32 s10, $0x1;
	s10 =	sld [smem:$0x3FAD];
	_ =	sdelay $0x3  }
0x34: {  	[smem:$0x3FAD] =	sst s10  }
0x35: {  	s10 =	sld [smem:$0x3FAC];
	_ =	sdelay $0x3  }
0x36: {  	p1 =	seq.s32 s10, $0x1;
	s10 =	sld [smem:$0x3FAD];
	_ =	sdelay $0x3  }
0x37: {  	[smem:$0x3FAD] =	sst s10  }
0x38: {  	s10 =	sld [smem:$0x3FAE]  }
0x39: {  	_ = 	snop;
	(pc) =	sbr.ind lr, $3  }
0x3a: {  	_ = 	snop  }
0x3b: {  	_ = 	snop  }
0x3c: {  	p2 =	seq.s32 s10, $0x1;
	s10 =	sld [smem:$0x3FAD]  }
0x3d: {  	_ =	shalt  }
0x3e: {  	_ =	shalt  }
0x3f: {  	_ =	shalt  }
0x40: {  	_ =	shalt  }
0x41: {  	_ =	shalt  }
0x42: {  	_ =	shalt  }
0x43: {  	_ =	shalt  }
0x44: {  	_ =	shalt  }
0x45: {  	_ =	shalt  }
0x46: {  	_ =	shalt  }
0x47: {  	_ =	shalt  }
0x48: {  	_ =	shalt  }
0x49: {  	_ =	shalt  }
0x4a: {  	_ =	shalt  }
0x4b: {  	_ =	shalt  }
0x4c: {  	_ =	shalt  }
0x4d: {  	_ =	shalt  }
0x4e: {  	_ =	shalt  }
0x4f: {  	_ =	shalt  }
0x50: {  	_ =	shalt  }
0x51: {  	_ =	shalt  }
0x52: {  	_ =	shalt  }
0x53: {  	_ =	shalt  }
0x54: {  	_ =	shalt  }
0x55: {  	_ =	shalt  }
0x56: {  	_ =	shalt  }
0x57: {  	_ =	shalt  }
0x58: {  	_ =	shalt  }
0x59: {  	_ =	shalt  }
0x5a: {  	_ =	shalt  }
0x5b: {  	_ =	shalt  }
0x5c: {  	_ =	shalt  }
0x5d: {  	_ =	shalt  }
0x5e: {  	_ =	shalt  }
0x5f: {  	_ =	shalt  }
0x60: {  	_ =	shalt  }
0x61: {  	_ =	shalt  }
0x62: {  	_ =	shalt  }
0x63: {  	_ =	shalt  }
0x64: {  	_ =	shalt  }
0x65: {  	_ =	shalt  }
0x66: {  	_ =	shalt  }
0x67: {  	_ =	shalt  }
0x68: {  	_ =	shalt  }
0x69: {  	_ =	shalt  }
0x6a: {  	_ =	shalt  }
0x6b: {  	_ =	shalt  }
0x6c: {  	_ =	shalt  }
0x6d: {  	_ =	shalt  }
0x6e: {  	_ =	shalt  }
0x6f: {  	_ =	shalt  }
0x70: {  	_ =	shalt  }
0x71: {  	_ =	shalt  }
0x72: {  	_ =	shalt  }
0x73: {  	_ =	shalt  }
0x74: {  	_ =	shalt  }
0x75: {  	_ =	shalt  }
0x76: {  	_ =	shalt  }
0x77: {  	_ =	shalt  }
0x78: {  	_ =	shalt  }
0x79: {  	_ =	shalt  }
0x7a: {  	_ =	shalt  }
0x7b: {  	_ =	shalt  }
0x7c: {  	_ =	shalt  }
0x7d: {  	_ =	shalt  }
0x7e: {  	_ =	shalt  }
0x7f: {  	_ =	shalt  }
0x80: {  	_ =	shalt  }
0x81: {  	_ =	shalt  }
0x82: {  	_ =	shalt  }
0x83: {  	_ =	shalt  }
0x84: {  	_ =	shalt  }
0x85: {  	_ =	shalt  }
0x86: {  	_ =	shalt  }
0x87: {  	_ =	shalt  }
.Lfunc_end0:
.L_simem_size_0:
called_computation.1_lowered:
.L_overlay_start_0:
0x88: {  	s2 =	sld [smem:$0x3FD9]  }
0x89: {  	s3 =	sld [smem:$0x3FFE];
	_ =	sdelay $0x1  }
0x8a: {  	s1 =	srdreg.scid  }
0x8b: {  	s0 =	sand.u32 $0x1, s1  }
0x8c: {  	s16 =	sshll.u32 s0, $0xA;
	s2 =	sadd.s32 s3, s2  }
0x8d: {  	s2 =	sadd.s32 s2, s16  }
0x8e: {  	[smem:$0x3FB9] =	sst s2  }
0x8f: {  	_ = 	snop  }
0x90: {  	(tm) =	ssettm $0x1  }
0x91: {  	s17 =	sld [smem:$0x3FFB];
	_ =	sdelay $0x3  }
0x92: {  	_ =	strace s17  }
0x93: {  	s2 =	sld [smem:$0x3FFC];
	_ =	sdelay $0x3  }
0x94: {  	_ =	strace s2  }
0x95: {  	s2 =	sld [smem:$0x3FFD];
	_ =	sdelay $0x3  }
0x96: {  	_ =	strace s2  }
0x97: {  	_ =	strace $0x8FFFFFFF  }
0x98: {  	s18 =	sld [smem:$0x3FDB];
	_ =	sdelay $0x1  }
0x99: {  	s19 =	simm.s32 $_scs_section_size  }
0x9a: {  	s4 =	simm.s32 $_size__tile_overlayer_lowered;
	s5 =	simm.s32 $_tile_overlayer_lowered  }
0x9b: {  	s22 =	simm.s32 $0x1BFF;
	s21 =	sshll.u32 s5, $0x1;
	s2 =	sadd.s32 s19, s18  }
0x9c: {  	s6 =	simm.s32 $0x0;
	s20 =	sshll.u32 s4, $0x1;
	s4 =	sadd.s32 s21, s2  }
0x9d: {  	[timem:s6], [sflag:s22] =	dma.local [hbm:s4], s20  }
0x9e: {  	_ =	swait.ge [sflag:s22], s20  }
0x9f: {  	s3 =	ssub.s32 $0x0, s20;
	[sflag:s22] =	ssyncset.done $0x0  }
0xa0: {  	[sflag:s22] =	ssyncadd.s32 s3;
	_ =	sdelay $0x1  }
0xa1: {  	s23 =	simm.s32 $0x1B8B  }
0xa2: {  	_ =	swait.ge [sflag:s23], $0x1  }
0xa3: {  	[sflag:s23] =	ssyncset.done $0x0  }
0xa4: {  	s25 =	simm.s32 $0x1B8E;
	s24 =	sld [smem:$0x3FFE];
	[sflag:s23] =	ssyncadd.s32 $0xFFFFFFFF  }
0xa5: {  	s26 =	simm.s32 $execute0_lowered;
	[smem:$0x3FD2] =	sst s25  }
0xa6: {  	s4 =	sshll.u32 s26, $0x1;
	_ =	strace $0x80000049;
	[dreg:$0x1] =	wrdreg $0xFFFFFFFF  }
0xa7: {  	s28 =	simm.s32 $_size_execute0_lowered;
	s2 =	sadd.s32 s2, s4;
	[dreg:$0x0] =	wrdreg $0x0  }
0xa8: {  	s4 =	sshll.u32 s28, $0x1;
	[dreg:$0x2] =	wrdreg s2  }
0xa9: {  	[dreg:$0x3] =	wrdreg s4  }
0xaa: {  	[dreg:$0x4] =	wrdreg $0xC0  }
0xab: {  	_ =	task [dreg:s6], $0x5FFFF  }
0xac: {  	[dreg:$0x1] =	wrdreg $0xFFFFFFFF  }
0xad: {  	[dreg:$0x0] =	wrdreg $0x60  }
0xae: {  	[dreg:$0x2] =	wrdreg s24  }
0xaf: {  	[dreg:$0x3] =	wrdreg $0x129800  }
0xb0: {  	[dreg:$0x4] =	wrdreg $0x9  }
0xb1: {  	_ =	task.clear_ibuf [dreg:s6], $0x5FFFF;
	_ =	strace $0x90000049  }
0xb2: {  	s29 =	simm.s32 $0x9;
	_ =	strace $0x8000004B  }
0xb3: {  	_ =	swait.ge [sflag:s29], $0x1  }
0xb4: {  	[sflag:s29] =	ssyncadd.s32 $0xFFFFFFFF  }
0xb5: {  	_ =	strace $0x9000004B  }
0xb6: {  	_ =	sfence  }
0xb7: {  	s30 =	sld [smem:$0x0];
	_ =	sdelay $0x2  }
0xb8: {  	s31 =	sshll.u32 s1, $0xD;
	s1 =	sshrl.u32 s1, $0x2  }
0xb9: {  	s3 =	sand.u32 $0x4000, s31;
	s1 =	sadd.s32 s1, s30  }
0xba: {  	s0 =	sor.u32 s3, s0;
	s1 =	sshll.u32 s1, $0x11  }
0xbb: {  	s0 =	sor.u32 s1, s0  }
0xbc: {  	s0 =	sadd.s32 $0x8F2B, s0  }
0xbd: {  	[sflag:s0] =	ssyncadd.remote.s32 $0x1  }
0xbe: {  	_ =	sfence.sel $0xFFFF  }
0xbf: {  	[dreg:$0x0] =	wrdreg $0xFFFFFFFF;
	(pc) =	sbr.abs _section_cstart, $3  }
0xc0: {  	[dreg:$0x1] =	wrdreg $0xFFFFFFFF  }
0xc1: {  	_ =	task.clear_ibuf [dreg:s6], $0x2FFFF;
	_ =	strace $0x9FFFFFFF  }
0xc2: {  	(tm) =	ssettm $0x7FFFFFFF  }
0xc3: {  	_ =	shalt  }
tec
execute0_lowered:
.L_overlay_start_1:
0x0: {  	(tag) =	ssettag $0x1  }
0x1: {  	s0 =	rddreg [dreg:$0x0]  }
0x2: {  	s2 =	rddreg [dreg:$0x1]  }
0x3: {  	s1 =	srdreg.scid;
	s7 =	stileid.u32  }
0x4: {  	s4 =	simm.s32 $0x0;
	s15 =	simm.s32 $0x1;
	s16 =	simm.s32 $0x2  }
0x5: {  	s17 =	simm.s32 $0x9;
	s18 =	simm.s32 $0xA;
	s19 =	simm.s32 $0x7D  }
0x6: {  	s29 =	simm.s32 $0xADC0;
	s31 =	simm.s32 $0xC530;
	s13 =	simm.s32 $0x3  }
0x7: {  	s28 =	simm.s32 $0x8;
	s30 =	simm.s32 $0xE;
	s8 =	simm.s32 $0x0  }
0x8: {  	s1 =	sand.u32 $0x1, s1;
	s3 =	smul.u32 $0x7800, s7;
	[smem:$0x7FF] =	sst s4  }
0x9: {  	s4 =	sadd.s32 $0x16800, s0;
	s20 =	sshll.u32 s1, $0x4;
	s5 =	smul.u32 $0x78000, s1  }
0xa: {  	_ =	strace $0x8000004A;
	s1 =	ssub.s32 $0x2, s1;
	s6 =	sor.u32 s7, s20  }
0xb: {  	s7 =	smul.u32 $0x1E000, s7;
	s21 =	sshrl.u32 s1, $0x1;
	s20 =	simm.s32 $0x5000  }
0xc: {  	s6 =	smul.u32 $0x500, s6;
	s5 =	sadd.s32 s3, s5;
	s1 =	ssub.s32 s1, s21  }
0xd: {  	s21 =	simm.s32 $0x5;
	s5 =	sshrl.u32 s5, $0x3;
	s23 =	sshrl.u32 s7, $0x2  }
0xe: {  	s26 =	smax.u32 s1, $0x1;
	s1 =	simm.s32 $0xF410;
	s6 =	sadd.s32 s6, s0  }
0xf: {  	s0 =	sadd.s32 s5, s0;
	[dreg:$0xa] =	wrdreg s26;
	s22 =	sadd.s32 $0xC800, s6  }
0x10: {  	s24 =	sadd.s32 s23, s2;
	s6 =	sadd.s32 $0x2800, s6;
	[dreg:$0x3] =	wrdreg s22  }
0x11: {  	s23 =	simm.s32 $0xB;
	s5 =	sadd.s32 $0x1E00, s24;
	[dreg:$0x4] =	wrdreg s6  }
.Ltmp0:
0x12: {  	s25 =	sadd.s32 $0x3C00, s24;
	[dreg:$0x6] =	wrdreg s5;
	(pc) =	sbr.rel .LBB2_1-.Ltmp0, $4  }
0x13: {  	s26 =	simm.s32 $0xD;
	s0 =	sadd.s32 $0x25400, s0;
	[dreg:$0x7] =	wrdreg s25  }
0x14: {  	s6 =	sadd.s32 s3, s2;
	s3 =	sadd.s32 $0x5A00, s24;
	[dreg:$0x9] =	wrdreg s0  }
0x15: {  	s22 =	simm.s32 $0x6770;
	s24 =	simm.s32 $0x7EE0;
	[dreg:$0x8] =	wrdreg s3  }
0x16: {  	v0 =	vimm.f32 $0.0e+00;
	s0 =	simm.s32 $0xDCA0;
	s25 =	simm.s32 $0x7;
	[dreg:$0x5] =	wrdreg s6  }
.LBB2_6:
0x17: {  	_ =	swait.ge [sflag:s28], $0x1770  }
0x18: {  	[sflag:s28] =	ssyncset.done $0x0  }
0x19: {  	[sflag:s28] =	ssyncadd.s32 $0xFFFFE890  }
0x1a: {  	[spmem:s2] =	stream.indirect.scatter.add.f32 [tilespmem:s1], [sflag:$0x10], $0x30, s11, s19, $0xb8;
	[tilespmem:$0x1A180] =	vst v63  }
0x1b: {  	_ =	swait.ge [sflag:s30], $0x1770  }
0x1c: {  	[sflag:s30] =	ssyncset.done $0x0  }
0x1d: {  	s3 =	simm.s32 $0xF;
	[sflag:s30] =	ssyncadd.s32 $0xFFFFE890  }
0x1e: {  	_ =	swait.ge [sflag:s3], $0x1770  }
0x1f: {  	[sflag:s3] =	ssyncset.done $0x0  }
0x20: {  	s10 =	simm.s32 $0x10;
	[sflag:s3] =	ssyncadd.s32 $0xFFFFE890  }
0x21: {  	_ =	swait.ge [sflag:s10], $0x1770  }
0x22: {  	[sflag:s10] =	ssyncset.done $0x0  }
0x23: {  	[sflag:s10] =	ssyncadd.s32 $0xFFFFE890  }
0x24: {  	s11 =	stileid.u32;
	[bflag:$0x0] =	sbarrier.arrive $0xFFFF  }
0x25: {  	s12 =	simm.s32 $0x11;
	s3 =	sshll.u32 s11, $0x6;
	s6 =	rddreg [dreg:$0x5]  }
0x26: {  	s3 =	sor.u32 $0x1C11, s3;
	s7 =	rddreg [dreg:$0x9];
	s5 =	sshrl.u32 s6, $0x3  }
0x27: {  	[hbm:s7], [sflag:s3] =	dma.local [spmem:s5], $0xF00  }
0x28: {  	_ =	swait.ge [sflag:s12], $0xF00  }
0x29: {  	s8 =	sadd.s32 $0x1, s8;
	s14 =	rddreg [dreg:$0xa]  }
0x2a: {  	p0 =	sne.s32 s8, s14  }
.Ltmp1:
0x2b: {  	_ = 	snop;
	(pc) =	sbr.rel @!p0 .LBB2_7-.Ltmp1, $3  }
0x2c: {  	_ =	sdelay $0x1  }
0x2d: {  	[sflag:s12] =	ssyncset.done $0x0  }
0x2e: {  	[sflag:s12] =	ssyncadd.s32 $0xFFFFF100  }
.LBB2_1:
0x2f: {  	s5 =	rddreg [dreg:$0x3]  }
0x30: {  	s3 =	simm.s32 $0x0;
	s14 =	rddreg [dreg:$0x4]  }
0x31: {  	[tilespmem:s3], [sflag:$0x1] =	stream.linear.gather [hbm4b:s5+s3], $0x2800, $0x38;
	[tilespmem:$0x1A180] =	vst v63  }
0x32: {  	s7 =	simm.s32 $0x2800;
	s9 =	simm.s32 $0xC0;
	s10 =	simm.s32 $0x0  }
0x33: {  	[tilespmem:s7], [sflag:$0x2] =	stream.linear.gather [hbm4b:s14+s3], $0x2800, $0x38;
	[tilespmem:$0x1A180] =	vst v63  }
.LBB2_2:
0x34: {  	p0 =	sne.s32 s9, $0x7740;
	[tilespmem:s10+$0x10BA0] =	vst v0;
	s11 =	smov.u32 s9;
	s9 =	sadd.s32 $0xC0, s9  }
.Ltmp2:
0x35: {  	[tilespmem:s10+$0x10B80] =	vst v0;
	(pc) =	sbr.rel @p0 .LBB2_2-.Ltmp2, $2  }
0x36: {  	[tilespmem:s10+$0x10B90] =	vst v0;
	_ =	sdelay $0x2  }
0x37: {  	s10 =	sshra.s32 s11, $0x2  }
0x38: {  	[tilespmem:s10+$0x10BA0] =	vst v0  }
0x39: {  	[tilespmem:s10+$0x10B80] =	vst v0  }
0x3a: {  	[tilespmem:s10+$0x10B90] =	vst v0;
	s5 =	simm.s32 $0x10B80  }
0x3b: {  	[spmem:s6] =	stream.linear.scatter [tilespmem:s5], [sflag:$0x9], $0x1E00, $0x38;
	[tilespmem:$0x1A180] =	vst v63  }
0x3c: {  	s3 =	rddreg [dreg:$0x6]  }
0x3d: {  	[spmem:s3] =	stream.linear.scatter [tilespmem:s5], [sflag:$0xA], $0x1E00, $0x38;
	[tilespmem:$0x1A180] =	vst v63  }
0x3e: {  	s12 =	rddreg [dreg:$0x7]  }
0x3f: {  	[spmem:s12] =	stream.linear.scatter [tilespmem:s5], [sflag:$0x9], $0x1E00, $0x38;
	[tilespmem:$0x1A180] =	vst v63  }
0x40: {  	s14 =	rddreg [dreg:$0x8]  }
0x41: {  	[spmem:s14] =	stream.linear.scatter [tilespmem:s5], [sflag:$0xA], $0x1E00, $0x38;
	[tilespmem:$0x1A180] =	vst v63  }
0x42: {  	_ =	swait.ge [sflag:s15], $0x2800  }
0x43: {  	[sflag:s15] =	ssyncset.done $0x0  }
0x44: {  	[sflag:s15] =	ssyncadd.s32 $0xFFFFD800  }
0x45: {  	_ =	swait.ge [sflag:s16], $0x2800  }
0x46: {  	[sflag:s16] =	ssyncset.done $0x0  }
0x47: {  	[sflag:s16] =	ssyncadd.s32 $0xFFFFD800  }
0x48: {  	_ =	swait.ge [sflag:s17], $0x1E00  }
0x49: {  	[sflag:s17] =	ssyncset.done $0x0  }
0x4a: {  	[sflag:s17] =	ssyncadd.s32 $0xFFFFE200  }
0x4b: {  	_ =	swait.ge [sflag:s18], $0x1E00  }
0x4c: {  	[sflag:s18] =	ssyncset.done $0x0  }
0x4d: {  	[sflag:s18] =	ssyncadd.s32 $0xFFFFE200  }
0x4e: {  	_ =	swait.ge [sflag:s17], $0x1E00  }
0x4f: {  	[sflag:s17] =	ssyncset.done $0x0  }
0x50: {  	[sflag:s17] =	ssyncadd.s32 $0xFFFFE200  }
0x51: {  	_ =	swait.ge [sflag:s18], $0x1E00  }
0x52: {  	[sflag:s18] =	ssyncset.done $0x0  }
0x53: {  	[sflag:s18] =	ssyncadd.s32 $0xFFFFE200  }
0x54: {  	s9 =	simm.s32 $0x0;
	[bflag:$0x0] =	sbarrier.arrive $0xFFFF  }
0x55: {  	[tilespmem:s20], [sflag:$0x1] =	stream.indirect.gather [hbm4b:s4+s19], $0x30, s9, s19, $0xb8;
	[tilespmem:$0x1A180] =	vst v63  }
0x56: {  	s6 =	simm.s32 $0x80  }
0x57: {  	[tilespmem:s22], [sflag:$0x2] =	stream.indirect.gather [hbm4b:s4+s19], $0x30, s6, s19, $0xb8;
	[tilespmem:$0x1A180] =	vst v63  }
0x58: {  	s7 =	simm.s32 $0x100  }
0x59: {  	[tilespmem:s24], [sflag:$0x3] =	stream.indirect.gather [hbm4b:s4+s19], $0x30, s7, s19, $0xb8;
	[tilespmem:$0x1A180] =	vst v63  }
0x5a: {  	s10 =	simm.s32 $0x180;
	s11 =	simm.s32 $0x9650  }
0x5b: {  	[tilespmem:s11], [sflag:$0x4] =	stream.indirect.gather [hbm4b:s4+s19], $0x30, s10, s19, $0xb8;
	[tilespmem:$0x1A180] =	vst v63  }
0x5c: {  	s12 =	simm.s32 $0x200  }
0x5d: {  	[tilespmem:s29], [sflag:$0x5] =	stream.indirect.gather [hbm4b:s4+s19], $0x30, s12, s19, $0xb8;
	[tilespmem:$0x1A180] =	vst v63  }
0x5e: {  	s14 =	simm.s32 $0x280  }
0x5f: {  	[tilespmem:s31], [sflag:$0x6] =	stream.indirect.gather [hbm4b:s4+s19], $0x30, s14, s19, $0xb8;
	[tilespmem:$0x1A180] =	vst v63  }
.LBB2_4:
0x60: {  	_ =	swait.ge [sflag:s15], $0x1770  }
0x61: {  	s10 =	sshra.s32 s9, $0x2;
	[sflag:s15] =	ssyncset.done $0x0  }
0x62: {  	p0 =	seq.s32 s9, $0x0;
	s11 =	sadd.s32 $0x2800, s10;
	[sflag:s15] =	ssyncadd.s32 $0xFFFFE890  }
0x63: {  	[spmem:s2] =	stream.indirect.scatter.add.f32 [tilespmem:s20], [sflag:$0x9], $0x30, s11, s19, $0xb8;
	[tilespmem:$0x1A180] =	vst v63  }
0x64: {  	s11 =	simm.s32 @!p0 $0xF  }
0x65: {  	_ =	swait.ge @!p0 [sflag:s11], $0x1770  }
0x66: {  	[sflag:s11] =	ssyncset.done @!p0 $0x0  }
0x67: {  	s5 =	sadd.s32 $0x300, s10;
	[sflag:s11] =	ssyncadd.s32 @!p0 $0xFFFFE890  }
0x68: {  	[tilespmem:s0], [sflag:$0x7] =	stream.indirect.gather [hbm4b:s4+s19], $0x30, s5, s19, $0xb8;
	[tilespmem:$0x1A180] =	vst v63  }
0x69: {  	_ =	swait.ge [sflag:s16], $0x1770  }
0x6a: {  	[sflag:s16] =	ssyncset.done $0x0  }
0x6b: {  	s6 =	sadd.s32 $0x2880, s10;
	s11 =	simm.s32 @!p0 $0x10;
	[sflag:s16] =	ssyncadd.s32 $0xFFFFE890  }
0x6c: {  	[spmem:s2] =	stream.indirect.scatter.add.f32 [tilespmem:s22], [sflag:$0xA], $0x30, s6, s19, $0xb8;
	[tilespmem:$0x1A180] =	vst v63  }
0x6d: {  	_ =	swait.ge @!p0 [sflag:s11], $0x1770  }
0x6e: {  	[sflag:s11] =	ssyncset.done @!p0 $0x0  }
0x6f: {  	s7 =	sadd.s32 $0x380, s10;
	[sflag:s11] =	ssyncadd.s32 @!p0 $0xFFFFE890  }
0x70: {  	[tilespmem:s1], [sflag:$0x8] =	stream.indirect.gather [hbm4b:s4+s19], $0x30, s7, s19, $0xb8;
	[tilespmem:$0x1A180] =	vst v63  }
0x71: {  	_ =	swait.ge [sflag:s13], $0x1770  }
0x72: {  	[sflag:s13] =	ssyncset.done $0x0  }
0x73: {  	s12 =	sadd.s32 $0x2900, s10;
	[sflag:s13] =	ssyncadd.s32 $0xFFFFE890  }
0x74: {  	[spmem:s2] =	stream.indirect.scatter.add.f32 [tilespmem:s24], [sflag:$0xB], $0x30, s12, s19, $0xb8;
	[tilespmem:$0x1A180] =	vst v63  }
0x75: {  	_ =	swait.ge [sflag:s17], $0x1770  }
0x76: {  	p0 =	seq.s32 s9, $0x9000;
	[sflag:s17] =	ssyncset.done $0x0  }
0x77: {  	s11 =	simm.s32 @p0 $0x4;
	[sflag:s17] =	ssyncadd.s32 $0xFFFFE890  }
0x78: {  	_ =	swait.ge @p0 [sflag:s11], $0x1770  }
0x79: {  	[sflag:s11] =	ssyncset.done @p0 $0x0  }
0x7a: {  	[sflag:s11] =	ssyncadd.s32 @p0 $0xFFFFE890;
	s11 =	sshra.s32 @p0 s9, $0x2  }
0x7b: {  	s3 =	simm.s32 @p0 $0x7D;
	s5 =	simm.s32 @p0 $0x9650;
	s12 =	sadd.s32 @p0 $0x2980, s11  }
0x7c: {  	[spmem:s2] =	stream.indirect.scatter.add.f32 @p0 [tilespmem:s5], [sflag:$0xC], $0x30, s12, s3, $0xb8;
	[tilespmem:$0x1A180] =	vst v63  }
0x7d: {  	s5 =	simm.s32 @p0 $0xA  }
0x7e: {  	_ =	swait.ge @p0 [sflag:s5], $0x1770  }
0x7f: {  	[sflag:s5] =	ssyncset.done @p0 $0x0  }
0x80: {  	[sflag:s5] =	ssyncadd.s32 @p0 $0xFFFFE890;
	s5 =	sshra.s32 @!p0 s9, $0x2  }
0x81: {  	s6 =	simm.s32 @!p0 $0x7D;
	s7 =	simm.s32 @!p0 $0x5000;
	s12 =	sadd.s32 @!p0 $0x400, s5  }
0x82: {  	[tilespmem:s7], [sflag:$0x1] =	stream.indirect.gather @!p0 [hbm4b:s4+s6], $0x30, s12, s6, $0xb8;
	[tilespmem:$0x1A180] =	vst v63  }
0x83: {  	s7 =	simm.s32 @!p0 $0x4  }
0x84: {  	_ =	swait.ge @!p0 [sflag:s7], $0x1770  }
0x85: {  	[sflag:s7] =	ssyncset.done @!p0 $0x0  }
0x86: {  	s12 =	simm.s32 @!p0 $0x9650;
	[sflag:s7] =	ssyncadd.s32 @!p0 $0xFFFFE890;
	s7 =	sadd.s32 @!p0 $0x2980, s5  }
0x87: {  	[spmem:s2] =	stream.indirect.scatter.add.f32 @!p0 [tilespmem:s12], [sflag:$0xC], $0x30, s7, s6, $0xb8;
	[tilespmem:$0x1A180] =	vst v63  }
0x88: {  	s7 =	simm.s32 @!p0 $0xA  }
0x89: {  	_ =	swait.ge @!p0 [sflag:s7], $0x1770  }
0x8a: {  	[sflag:s7] =	ssyncset.done @!p0 $0x0  }
0x8b: {  	s14 =	simm.s32 @!p0 $0x6770;
	[sflag:s7] =	ssyncadd.s32 @!p0 $0xFFFFE890;
	s7 =	sadd.s32 @!p0 $0x480, s5  }
0x8c: {  	[tilespmem:s14], [sflag:$0x2] =	stream.indirect.gather @!p0 [hbm4b:s4+s6], $0x30, s7, s6, $0xb8;
	[tilespmem:$0x1A180] =	vst v63  }
0x8d: {  	_ =	swait.ge [sflag:s21], $0x1770  }
0x8e: {  	[sflag:s21] =	ssyncset.done $0x0  }
0x8f: {  	s14 =	sadd.s32 $0x2A00, s10;
	[sflag:s21] =	ssyncadd.s32 $0xFFFFE890  }
0x90: {  	[spmem:s2] =	stream.indirect.scatter.add.f32 [tilespmem:s29], [sflag:$0xD], $0x30, s14, s19, $0xb8;
	[tilespmem:$0x1A180] =	vst v63  }
0x91: {  	_ =	swait.ge [sflag:s23], $0x1770  }
0x92: {  	[sflag:s23] =	ssyncset.done $0x0  }
0x93: {  	s7 =	simm.s32 @p0 $0x6;
	[sflag:s23] =	ssyncadd.s32 $0xFFFFE890  }
0x94: {  	_ =	swait.ge @p0 [sflag:s7], $0x1770  }
0x95: {  	[sflag:s7] =	ssyncset.done @p0 $0x0  }
0x96: {  	[sflag:s7] =	ssyncadd.s32 @p0 $0xFFFFE890;
	s7 =	sadd.s32 @p0 $0x2A80, s11;
	s11 =	simm.s32 @p0 $0xC530  }
0x97: {  	[spmem:s2] =	stream.indirect.scatter.add.f32 @p0 [tilespmem:s11], [sflag:$0xE], $0x30, s7, s3, $0xb8;
	[tilespmem:$0x1A180] =	vst v63  }
0x98: {  	s3 =	simm.s32 @p0 $0xC  }
0x99: {  	_ =	swait.ge @p0 [sflag:s3], $0x1770  }
0x9a: {  	[sflag:s3] =	ssyncset.done @p0 $0x0  }
0x9b: {  	s7 =	simm.s32 @!p0 $0x7EE0;
	[sflag:s3] =	ssyncadd.s32 @p0 $0xFFFFE890;
	s3 =	sadd.s32 @!p0 $0x500, s5  }
0x9c: {  	[tilespmem:s7], [sflag:$0x3] =	stream.indirect.gather @!p0 [hbm4b:s4+s6], $0x30, s3, s6, $0xb8;
	[tilespmem:$0x1A180] =	vst v63  }
0x9d: {  	s3 =	simm.s32 @!p0 $0x6  }
0x9e: {  	_ =	swait.ge @!p0 [sflag:s3], $0x1770  }
0x9f: {  	[sflag:s3] =	ssyncset.done @!p0 $0x0  }
0xa0: {  	s7 =	simm.s32 @!p0 $0xC530;
	[sflag:s3] =	ssyncadd.s32 @!p0 $0xFFFFE890;
	s3 =	sadd.s32 @!p0 $0x2A80, s5  }
0xa1: {  	[spmem:s2] =	stream.indirect.scatter.add.f32 @!p0 [tilespmem:s7], [sflag:$0xE], $0x30, s3, s6, $0xb8;
	[tilespmem:$0x1A180] =	vst v63  }
0xa2: {  	s3 =	simm.s32 @!p0 $0xC  }
0xa3: {  	_ =	swait.ge @!p0 [sflag:s3], $0x1770  }
0xa4: {  	[sflag:s3] =	ssyncset.done @!p0 $0x0  }
0xa5: {  	[sflag:s3] =	ssyncadd.s32 @!p0 $0xFFFFE890;
	s3 =	sadd.s32 @!p0 $0x580, s5  }
0xa6: {  	[tilespmem:s12], [sflag:$0x4] =	stream.indirect.gather @!p0 [hbm4b:s4+s6], $0x30, s3, s6, $0xb8;
	[tilespmem:$0x1A180] =	vst v63  }
0xa7: {  	_ =	swait.ge [sflag:s25], $0x1770  }
0xa8: {  	[sflag:s25] =	ssyncset.done $0x0  }
.Ltmp3:
0xa9: {  	s14 =	sadd.s32 $0x2B00, s10;
	[sflag:s25] =	ssyncadd.s32 $0xFFFFE890;
	(pc) =	sbr.rel @p0 .LBB2_6-.Ltmp3, $4  }
0xaa: {  	[spmem:s2] =	stream.indirect.scatter.add.f32 [tilespmem:s0], [sflag:$0xF], $0x30, s14, s19, $0xb8;
	[tilespmem:$0x1A180] =	vst v63  }
0xab: {  	_ =	swait.ge [sflag:s26], $0x1770  }
0xac: {  	[sflag:s26] =	ssyncset.done $0x0  }
0xad: {  	s11 =	sadd.s32 $0x2B80, s10;
	[sflag:s26] =	ssyncadd.s32 $0xFFFFE890  }
0xae: {  	s3 =	sadd.s32 $0x600, s10  }
0xaf: {  	[tilespmem:s29], [sflag:$0x5] =	stream.indirect.gather [hbm4b:s4+s19], $0x30, s3, s19, $0xb8;
	[tilespmem:$0x1A180] =	vst v63  }
0xb0: {  	_ =	swait.ge [sflag:s28], $0x1770  }
0xb1: {  	[sflag:s28] =	ssyncset.done $0x0  }
0xb2: {  	[sflag:s28] =	ssyncadd.s32 $0xFFFFE890  }
0xb3: {  	[spmem:s2] =	stream.indirect.scatter.add.f32 [tilespmem:s1], [sflag:$0x10], $0x30, s11, s19, $0xb8;
	[tilespmem:$0x1A180] =	vst v63  }
.Ltmp4:
0xb4: {  	_ = 	snop;
	(pc) =	sbr.rel .LBB2_4-.Ltmp4, $4  }
0xb5: {  	_ =	swait.ge [sflag:s30], $0x1770  }
0xb6: {  	[sflag:s30] =	ssyncset.done $0x0  }
0xb7: {  	s14 =	sadd.s32 $0x680, s10;
	s9 =	sadd.s32 $0x1000, s9;
	[sflag:s30] =	ssyncadd.s32 $0xFFFFE890  }
0xb8: {  	[tilespmem:s31], [sflag:$0x6] =	stream.indirect.gather [hbm4b:s4+s19], $0x30, s14, s19, $0xb8;
	[tilespmem:$0x1A180] =	vst v63  }
.LBB2_7:
0xb9: {  	_ =	sfence.sel $0x180000  }
0xba: {  	[bflag:$0x0] =	sbarrier.arrive $0xFFFF  }
0xbb: {  	_ =	strace $0x9000004A  }
0xbc: {  	s0 =	stileid.u32;
	[bflag:$0x2] =	sbarrier.arrive $0xFFFF  }
0xbd: {  	p0 =	sne.s32 s0, $0x0;
	s0 =	rddreg [dreg:$0x2]  }
0xbe: {  	s0 =	sadd.s32 @!p0 $0x100000, s0  }
0xbf: {  	[sflag:s0] =	ssyncadd.tile.s32 @!p0 $0x1;
	_ =	shalt  }
.Lfunc_end2:
_tile_overlayer_lowered:
.L_overlay_start_2:
0xc0: {  	(tag) =	ssettag $0x2  }
0xc1: {  	s0 =	rddreg [dreg:$0x0];
	s2 =	stileid.u32  }
0xc2: {  	s1 =	rddreg [dreg:$0x1];
	p0 =	sne.s32 s2, $0x0  }
0xc3: {  	s3 =	rddreg [dreg:$0x2];
	[bflag:$0x3] =	sbarrier.arrive $0xFFFF;
	s2 =	simm.s32 @!p0 $0x1C11  }
0xc4: {  	[timem:s3], [sflag:s2] =	dma.local @!p0 [hbm:s0], s1  }
0xc5: {  	s0 =	simm.s32 @!p0 $0x11  }
0xc6: {  	_ =	swait.ge @!p0 [sflag:s0], s1  }
0xc7: {  	s1 =	ssub.s32 @!p0 $0x0, s1;
	[sflag:s0] =	ssyncset.done @!p0 $0x0  }
0xc8: {  	[sflag:s0] =	ssyncadd.s32 @!p0 s1  }
0xc9: {  	[bflag:$0x3] =	sbarrier.arrive $0xFFFF  }
0xca: {  	_ =	shalt  }

// kernel: kernel.15.cloned.1.call-start
scs
__scs_entry_jumppad:
0x0: {  	(pc) =	sbr.rel $0x88, $3  }
0x1: {  	(tag) =	ssettag $0x0;
	lr =	simm.s32 $0x1  }
0x2: {  	[smem:$0x3F92] =	sst lr;
	_ =	strace $0xD0000000  }
0x3: {  	_ = 	snop  }
0x4: {  	_ = 	snop  }
0x5: {  	_ = 	snop  }
0x6: {  	_ = 	snop  }
0x7: {  	_ = 	snop  }
__scs_overlays_trampoline_lowered:
0x8: {  	[smem:$0x3FA1] =	sst s0  }
0x9: {  	[smem:$0x3FA2] =	sst s1  }
0xa: {  	[smem:$0x3FA3] =	sst s2  }
0xb: {  	[smem:$0x3FA4] =	sst s3  }
0xc: {  	[smem:$0x3FA5] =	sst s4  }
0xd: {  	[smem:$0x3FA6] =	sst s5  }
0xe: {  	[smem:$0x3FA7] =	sst s6  }
0xf: {  	[smem:$0x3FA8] =	sst s7  }
0x10: {  	[smem:$0x3FA9] =	sst s8  }
0x11: {  	[smem:$0x3FAA] =	sst s9;
	s0 =	simm.s32 @!p0 $0x0  }
0x12: {  	s1 =	sld [smem:$0x3F90];
	s0 =	simm.s32 @p0 $0x1  }
0x13: {  	[smem:$0x3FAB] =	sst s0;
	s0 =	simm.s32 @!p1 $0x0  }
0x14: {  	s2 =	sld [smem:$0x3F8F];
	s0 =	simm.s32 @p1 $0x1  }
0x15: {  	[smem:$0x3FAC] =	sst s0;
	s0 =	simm.s32 @!p2 $0x0  }
0x16: {  	s3 =	sld [smem:$0x3FDB];
	s0 =	simm.s32 @p2 $0x1  }
0x17: {  	s4 =	simm.s32 $0x1BF5;
	[smem:$0x3FAE] =	sst s0  }
0x18: {  	s0 =	sld [smem:$0x3F91];
	_ =	swait.ge [sflag:s4], $0x0  }
0x19: {  	s7 =	sld [smem:$0x3F92]  }
0x1a: {  	s8 =	sadd.s32 $0xFFFFE003, lr  }
0x1b: {  	s9 =	sadd.s32 $0xFFFFFEF7, lr;
	s5 =	simm.s32 $0xFFFFFFFF;
	p2 =	slt.u32 s8, $0xFFFFF086  }
0x1c: {  	p1 =	slt.u32 s9, $0xF7A;
	s5 =	simm.s32 @!p2 $0x0  }
0x1d: {  	s5 =	simm.s32 @p1 $0x1;
	p0 =	seq.s32 s7, s2  }
0x1e: {  	s7 =	smul.u32 @!p0 $0xF7A, s2;
	p2 =	seq.s32 @!p0 s5, $0x0  }
0x1f: {  	s9 =	smul.u32 $0xF7A, s1;
	s8 =	simm.s32 @!p0 $0x1BF5;
	p2 =	por !p2, p0  }
0x20: {  	[sflag:s8] =	ssyncset.s32 @!p0 $0xFFFFF086;
	s6 =	sadd.s32 @!p0 s3, s7;
	s7 =	simm.s32 @!p0 $0x108  }
0x21: {  	s3 =	sadd.s32 s3, s9;
	s6 =	sadd.s32 @!p0 $0x88, s6;
	s7 =	simm.s32 @p2 $0x1082  }
0x22: {  	[simem:s7], [sflag:s8] =	dma.local @!p0 [hbm:s6], $0xF7A  }
0x23: {  	s9 =	sor.u32 $0xD0000000, s2;
	s6 =	simm.s32 $0x108;
	_ =	swait.ge @!p0 [sflag:s8], $0x0  }
0x24: {  	s3 =	sadd.s32 $0x88, s3;
	s6 =	simm.s32 @!p1 $0x1082;
	[sflag:s4] =	ssyncset.s32 $0xFFFFF086  }
0x25: {  	[simem:s6], [sflag:s4] =	dma.local [hbm:s3], $0xF7A  }
0x26: {  	[smem:$0x3F92] =	sst s1;
	(tag) =	ssettag s2;
	_ =	strace s9  }
0x27: {  	s1 =	sld [smem:$0x3FA2]  }
0x28: {  	s2 =	sld [smem:$0x3FA3]  }
0x29: {  	s4 =	sld [smem:$0x3FA5]  }
0x2a: {  	p0 =	seq.s32 s5, $0x0;
	s5 =	sld [smem:$0x3FA6]  }
0x2b: {  	s6 =	sld [smem:$0x3FA7]  }
0x2c: {  	s7 =	sld [smem:$0x3FA8]  }
0x2d: {  	s3 =	simm.s32 $0x108;
	s8 =	sld [smem:$0x3FA9]  }
0x2e: {  	s3 =	simm.s32 @!p0 $0x1082;
	s9 =	sld [smem:$0x3FAA]  }
0x2f: {  	lr =	sadd.s32 s0, s3;
	s0 =	sld [smem:$0x3FA1]  }
0x30: {  	s3 =	sld [smem:$0x3FA4]  }
0x31: {  	[smem:$0x3FAD] =	sst s10  }
0x32: {  	s10 =	sld [smem:$0x3FAB];
	_ =	sdelay $0x3  }
0x33: {  	p0 =	seq.s32 s10, $0x1;
	s10 =	sld [smem:$0x3FAD];
	_ =	sdelay $0x3  }
0x34: {  	[smem:$0x3FAD] =	sst s10  }
0x35: {  	s10 =	sld [smem:$0x3FAC];
	_ =	sdelay $0x3  }
0x36: {  	p1 =	seq.s32 s10, $0x1;
	s10 =	sld [smem:$0x3FAD];
	_ =	sdelay $0x3  }
0x37: {  	[smem:$0x3FAD] =	sst s10  }
0x38: {  	s10 =	sld [smem:$0x3FAE]  }
0x39: {  	_ = 	snop;
	(pc) =	sbr.ind lr, $3  }
0x3a: {  	_ = 	snop  }
0x3b: {  	_ = 	snop  }
0x3c: {  	p2 =	seq.s32 s10, $0x1;
	s10 =	sld [smem:$0x3FAD]  }
0x3d: {  	_ =	shalt  }
0x3e: {  	_ =	shalt  }
0x3f: {  	_ =	shalt  }
0x40: {  	_ =	shalt  }
0x41: {  	_ =	shalt  }
0x42: {  	_ =	shalt  }
0x43: {  	_ =	shalt  }
0x44: {  	_ =	shalt  }
0x45: {  	_ =	shalt  }
0x46: {  	_ =	shalt  }
0x47: {  	_ =	shalt  }
0x48: {  	_ =	shalt  }
0x49: {  	_ =	shalt  }
0x4a: {  	_ =	shalt  }
0x4b: {  	_ =	shalt  }
0x4c: {  	_ =	shalt  }
0x4d: {  	_ =	shalt  }
0x4e: {  	_ =	shalt  }
0x4f: {  	_ =	shalt  }
0x50: {  	_ =	shalt  }
0x51: {  	_ =	shalt  }
0x52: {  	_ =	shalt  }
0x53: {  	_ =	shalt  }
0x54: {  	_ =	shalt  }
0x55: {  	_ =	shalt  }
0x56: {  	_ =	shalt  }
0x57: {  	_ =	shalt  }
0x58: {  	_ =	shalt  }
0x59: {  	_ =	shalt  }
0x5a: {  	_ =	shalt  }
0x5b: {  	_ =	shalt  }
0x5c: {  	_ =	shalt  }
0x5d: {  	_ =	shalt  }
0x5e: {  	_ =	shalt  }
0x5f: {  	_ =	shalt  }
0x60: {  	_ =	shalt  }
0x61: {  	_ =	shalt  }
0x62: {  	_ =	shalt  }
0x63: {  	_ =	shalt  }
0x64: {  	_ =	shalt  }
0x65: {  	_ =	shalt  }
0x66: {  	_ =	shalt  }
0x67: {  	_ =	shalt  }
0x68: {  	_ =	shalt  }
0x69: {  	_ =	shalt  }
0x6a: {  	_ =	shalt  }
0x6b: {  	_ =	shalt  }
0x6c: {  	_ =	shalt  }
0x6d: {  	_ =	shalt  }
0x6e: {  	_ =	shalt  }
0x6f: {  	_ =	shalt  }
0x70: {  	_ =	shalt  }
0x71: {  	_ =	shalt  }
0x72: {  	_ =	shalt  }
0x73: {  	_ =	shalt  }
0x74: {  	_ =	shalt  }
0x75: {  	_ =	shalt  }
0x76: {  	_ =	shalt  }
0x77: {  	_ =	shalt  }
0x78: {  	_ =	shalt  }
0x79: {  	_ =	shalt  }
0x7a: {  	_ =	shalt  }
0x7b: {  	_ =	shalt  }
0x7c: {  	_ =	shalt  }
0x7d: {  	_ =	shalt  }
0x7e: {  	_ =	shalt  }
0x7f: {  	_ =	shalt  }
0x80: {  	_ =	shalt  }
0x81: {  	_ =	shalt  }
0x82: {  	_ =	shalt  }
0x83: {  	_ =	shalt  }
0x84: {  	_ =	shalt  }
0x85: {  	_ =	shalt  }
0x86: {  	_ =	shalt  }
0x87: {  	_ =	shalt  }
.Lfunc_end0:
.L_simem_size_0:
called_computation.2_lowered:
.L_overlay_start_0:
0x88: {  	s2 =	sld [smem:$0x3FD9]  }
0x89: {  	s3 =	sld [smem:$0x3FFE];
	_ =	sdelay $0x1  }
0x8a: {  	s1 =	srdreg.scid  }
0x8b: {  	s0 =	sand.u32 $0x1, s1  }
0x8c: {  	s16 =	sshll.u32 s0, $0xA;
	s2 =	sadd.s32 s3, s2  }
0x8d: {  	s2 =	sadd.s32 s2, s16  }
0x8e: {  	[smem:$0x3FB9] =	sst s2  }
0x8f: {  	_ = 	snop  }
0x90: {  	(tm) =	ssettm $0x1  }
0x91: {  	s17 =	sld [smem:$0x3FFB];
	_ =	sdelay $0x3  }
0x92: {  	_ =	strace s17  }
0x93: {  	s2 =	sld [smem:$0x3FFC];
	_ =	sdelay $0x3  }
0x94: {  	_ =	strace s2  }
0x95: {  	s2 =	sld [smem:$0x3FFD];
	_ =	sdelay $0x3  }
0x96: {  	_ =	strace s2  }
0x97: {  	_ =	strace $0x8FFFFFFF  }
0x98: {  	s18 =	sld [smem:$0x3FDB];
	_ =	sdelay $0x1  }
0x99: {  	s19 =	simm.s32 $_scs_section_size  }
0x9a: {  	s4 =	simm.s32 $_size__tile_overlayer_lowered;
	s5 =	simm.s32 $_tile_overlayer_lowered  }
0x9b: {  	s22 =	simm.s32 $0x1BFF;
	s21 =	sshll.u32 s5, $0x1;
	s2 =	sadd.s32 s19, s18  }
0x9c: {  	s6 =	simm.s32 $0x0;
	s20 =	sshll.u32 s4, $0x1;
	s4 =	sadd.s32 s21, s2  }
0x9d: {  	[timem:s6], [sflag:s22] =	dma.local [hbm:s4], s20  }
0x9e: {  	_ =	swait.ge [sflag:s22], s20  }
0x9f: {  	s3 =	ssub.s32 $0x0, s20;
	[sflag:s22] =	ssyncset.done $0x0  }
0xa0: {  	[sflag:s22] =	ssyncadd.s32 s3;
	_ =	sdelay $0x1  }
0xa1: {  	s23 =	simm.s32 $0x1B8B  }
0xa2: {  	_ =	swait.ge [sflag:s23], $0x1  }
0xa3: {  	[sflag:s23] =	ssyncset.done $0x0  }
0xa4: {  	s25 =	simm.s32 $0x1B8E;
	s24 =	sld [smem:$0x3FFE];
	[sflag:s23] =	ssyncadd.s32 $0xFFFFFFFF  }
0xa5: {  	s26 =	simm.s32 $execute0_lowered;
	[smem:$0x3FD2] =	sst s25  }
0xa6: {  	s4 =	sshll.u32 s26, $0x1;
	_ =	strace $0x8000004C;
	[dreg:$0x1] =	wrdreg $0xFFFFFFFF  }
0xa7: {  	s28 =	simm.s32 $_size_execute0_lowered;
	s2 =	sadd.s32 s2, s4;
	[dreg:$0x0] =	wrdreg $0x0  }
0xa8: {  	s4 =	sshll.u32 s28, $0x1;
	[dreg:$0x2] =	wrdreg s2  }
0xa9: {  	[dreg:$0x3] =	wrdreg s4  }
0xaa: {  	[dreg:$0x4] =	wrdreg $0xC0  }
0xab: {  	_ =	task [dreg:s6], $0x5FFFF  }
0xac: {  	[dreg:$0x1] =	wrdreg $0xFFFFFFFF  }
0xad: {  	[dreg:$0x0] =	wrdreg $0x60  }
0xae: {  	[dreg:$0x2] =	wrdreg s24  }
0xaf: {  	[dreg:$0x3] =	wrdreg $0x129800  }
0xb0: {  	[dreg:$0x4] =	wrdreg $0x9  }
0xb1: {  	_ =	task.clear_ibuf [dreg:s6], $0x5FFFF;
	_ =	strace $0x9000004C  }
0xb2: {  	s29 =	simm.s32 $0x9;
	_ =	strace $0x8000004E  }
0xb3: {  	_ =	swait.ge [sflag:s29], $0x1  }
0xb4: {  	[sflag:s29] =	ssyncadd.s32 $0xFFFFFFFF  }
0xb5: {  	_ =	strace $0x9000004E  }
0xb6: {  	_ =	sfence  }
0xb7: {  	s30 =	sld [smem:$0x0];
	_ =	sdelay $0x2  }
0xb8: {  	s31 =	sshll.u32 s1, $0xD;
	s1 =	sshrl.u32 s1, $0x2  }
0xb9: {  	s3 =	sand.u32 $0x4000, s31;
	s1 =	sadd.s32 s1, s30  }
0xba: {  	s0 =	sor.u32 s3, s0;
	s1 =	sshll.u32 s1, $0x11  }
0xbb: {  	s0 =	sor.u32 s1, s0  }
0xbc: {  	s0 =	sadd.s32 $0x8F2B, s0  }
0xbd: {  	[sflag:s0] =	ssyncadd.remote.s32 $0x1  }
0xbe: {  	_ =	sfence.sel $0xFFFF  }
0xbf: {  	[dreg:$0x0] =	wrdreg $0xFFFFFFFF;
	(pc) =	sbr.abs _section_cstart, $3  }
0xc0: {  	[dreg:$0x1] =	wrdreg $0xFFFFFFFF  }
0xc1: {  	_ =	task.clear_ibuf [dreg:s6], $0x2FFFF;
	_ =	strace $0x9FFFFFFF  }
0xc2: {  	(tm) =	ssettm $0x7FFFFFFF  }
0xc3: {  	_ =	shalt  }
tec
execute0_lowered:
.L_overlay_start_1:
0x0: {  	(tag) =	ssettag $0x1  }
0x1: {  	s0 =	rddreg [dreg:$0x0]  }
0x2: {  	s2 =	rddreg [dreg:$0x1]  }
0x3: {  	s1 =	srdreg.scid;
	s7 =	stileid.u32  }
0x4: {  	s4 =	simm.s32 $0x0;
	s15 =	simm.s32 $0x1;
	s16 =	simm.s32 $0x2  }
0x5: {  	s17 =	simm.s32 $0x9;
	s18 =	simm.s32 $0xA;
	s19 =	simm.s32 $0x7D  }
0x6: {  	s29 =	simm.s32 $0xADC0;
	s31 =	simm.s32 $0xC530;
	s13 =	simm.s32 $0x3  }
0x7: {  	s28 =	simm.s32 $0x8;
	s30 =	simm.s32 $0xE;
	s8 =	simm.s32 $0x0  }
0x8: {  	s1 =	sand.u32 $0x1, s1;
	s3 =	smul.u32 $0x7800, s7;
	[smem:$0x7FF] =	sst s4  }
0x9: {  	s4 =	sadd.s32 $0x16800, s0;
	s20 =	sshll.u32 s1, $0x4;
	s5 =	smul.u32 $0x78000, s1  }
0xa: {  	_ =	strace $0x8000004D;
	s1 =	ssub.s32 $0x2, s1;
	s6 =	sor.u32 s7, s20  }
0xb: {  	s7 =	smul.u32 $0x1E000, s7;
	s21 =	sshrl.u32 s1, $0x1;
	s20 =	simm.s32 $0x5000  }
0xc: {  	s6 =	smul.u32 $0x500, s6;
	s5 =	sadd.s32 s3, s5;
	s1 =	ssub.s32 s1, s21  }
0xd: {  	s21 =	simm.s32 $0x5;
	s5 =	sshrl.u32 s5, $0x3;
	s23 =	sshrl.u32 s7, $0x2  }
0xe: {  	s26 =	smax.u32 s1, $0x1;
	s1 =	simm.s32 $0xF410;
	s6 =	sadd.s32 s6, s0  }
0xf: {  	s0 =	sadd.s32 s5, s0;
	[dreg:$0xa] =	wrdreg s26;
	s22 =	sadd.s32 $0xC800, s6  }
0x10: {  	s24 =	sadd.s32 s23, s2;
	s6 =	sadd.s32 $0x2800, s6;
	[dreg:$0x3] =	wrdreg s22  }
0x11: {  	s23 =	simm.s32 $0xB;
	s5 =	sadd.s32 $0x1E00, s24;
	[dreg:$0x4] =	wrdreg s6  }
.Ltmp0:
0x12: {  	s25 =	sadd.s32 $0x3C00, s24;
	[dreg:$0x6] =	wrdreg s5;
	(pc) =	sbr.rel .LBB2_1-.Ltmp0, $4  }
0x13: {  	s26 =	simm.s32 $0xD;
	s0 =	sadd.s32 $0x25400, s0;
	[dreg:$0x7] =	wrdreg s25  }
0x14: {  	s6 =	sadd.s32 s3, s2;
	s3 =	sadd.s32 $0x5A00, s24;
	[dreg:$0x9] =	wrdreg s0  }
0x15: {  	s22 =	simm.s32 $0x6770;
	s24 =	simm.s32 $0x7EE0;
	[dreg:$0x8] =	wrdreg s3  }
0x16: {  	v0 =	vimm.f32 $0.0e+00;
	s0 =	simm.s32 $0xDCA0;
	s25 =	simm.s32 $0x7;
	[dreg:$0x5] =	wrdreg s6  }
.LBB2_6:
0x17: {  	_ =	swait.ge [sflag:s28], $0x1770  }
0x18: {  	[sflag:s28] =	ssyncset.done $0x0  }
0x19: {  	[sflag:s28] =	ssyncadd.s32 $0xFFFFE890  }
0x1a: {  	[spmem:s2] =	stream.indirect.scatter.add.f32 [tilespmem:s1], [sflag:$0x10], $0x30, s11, s19, $0xb8;
	[tilespmem:$0x1A180] =	vst v63  }
0x1b: {  	_ =	swait.ge [sflag:s30], $0x1770  }
0x1c: {  	[sflag:s30] =	ssyncset.done $0x0  }
0x1d: {  	s3 =	simm.s32 $0xF;
	[sflag:s30] =	ssyncadd.s32 $0xFFFFE890  }
0x1e: {  	_ =	swait.ge [sflag:s3], $0x1770  }
0x1f: {  	[sflag:s3] =	ssyncset.done $0x0  }
0x20: {  	s10 =	simm.s32 $0x10;
	[sflag:s3] =	ssyncadd.s32 $0xFFFFE890  }
0x21: {  	_ =	swait.ge [sflag:s10], $0x1770  }
0x22: {  	[sflag:s10] =	ssyncset.done $0x0  }
0x23: {  	[sflag:s10] =	ssyncadd.s32 $0xFFFFE890  }
0x24: {  	s11 =	stileid.u32;
	[bflag:$0x0] =	sbarrier.arrive $0xFFFF  }
0x25: {  	s12 =	simm.s32 $0x11;
	s3 =	sshll.u32 s11, $0x6;
	s6 =	rddreg [dreg:$0x5]  }
0x26: {  	s3 =	sor.u32 $0x1C11, s3;
	s7 =	rddreg [dreg:$0x9];
	s5 =	sshrl.u32 s6, $0x3  }
0x27: {  	[hbm:s7], [sflag:s3] =	dma.local [spmem:s5], $0xF00  }
0x28: {  	_ =	swait.ge [sflag:s12], $0xF00  }
0x29: {  	s8 =	sadd.s32 $0x1, s8;
	s14 =	rddreg [dreg:$0xa]  }
0x2a: {  	p0 =	sne.s32 s8, s14  }
.Ltmp1:
0x2b: {  	_ = 	snop;
	(pc) =	sbr.rel @!p0 .LBB2_7-.Ltmp1, $3  }
0x2c: {  	_ =	sdelay $0x1  }
0x2d: {  	[sflag:s12] =	ssyncset.done $0x0  }
0x2e: {  	[sflag:s12] =	ssyncadd.s32 $0xFFFFF100  }
.LBB2_1:
0x2f: {  	s5 =	rddreg [dreg:$0x3]  }
0x30: {  	s3 =	simm.s32 $0x0;
	s14 =	rddreg [dreg:$0x4]  }
0x31: {  	[tilespmem:s3], [sflag:$0x1] =	stream.linear.gather [hbm4b:s5+s3], $0x2800, $0x38;
	[tilespmem:$0x1A180] =	vst v63  }
0x32: {  	s7 =	simm.s32 $0x2800;
	s9 =	simm.s32 $0xC0;
	s10 =	simm.s32 $0x0  }
0x33: {  	[tilespmem:s7], [sflag:$0x2] =	stream.linear.gather [hbm4b:s14+s3], $0x2800, $0x38;
	[tilespmem:$0x1A180] =	vst v63  }
.LBB2_2:
0x34: {  	p0 =	sne.s32 s9, $0x7740;
	[tilespmem:s10+$0x10BA0] =	vst v0;
	s11 =	smov.u32 s9;
	s9 =	sadd.s32 $0xC0, s9  }
.Ltmp2:
0x35: {  	[tilespmem:s10+$0x10B80] =	vst v0;
	(pc) =	sbr.rel @p0 .LBB2_2-.Ltmp2, $2  }
0x36: {  	[tilespmem:s10+$0x10B90] =	vst v0;
	_ =	sdelay $0x2  }
0x37: {  	s10 =	sshra.s32 s11, $0x2  }
0x38: {  	[tilespmem:s10+$0x10BA0] =	vst v0  }
0x39: {  	[tilespmem:s10+$0x10B80] =	vst v0  }
0x3a: {  	[tilespmem:s10+$0x10B90] =	vst v0;
	s5 =	simm.s32 $0x10B80  }
0x3b: {  	[spmem:s6] =	stream.linear.scatter [tilespmem:s5], [sflag:$0x9], $0x1E00, $0x38;
	[tilespmem:$0x1A180] =	vst v63  }
0x3c: {  	s3 =	rddreg [dreg:$0x6]  }
0x3d: {  	[spmem:s3] =	stream.linear.scatter [tilespmem:s5], [sflag:$0xA], $0x1E00, $0x38;
	[tilespmem:$0x1A180] =	vst v63  }
0x3e: {  	s12 =	rddreg [dreg:$0x7]  }
0x3f: {  	[spmem:s12] =	stream.linear.scatter [tilespmem:s5], [sflag:$0x9], $0x1E00, $0x38;
	[tilespmem:$0x1A180] =	vst v63  }
0x40: {  	s14 =	rddreg [dreg:$0x8]  }
0x41: {  	[spmem:s14] =	stream.linear.scatter [tilespmem:s5], [sflag:$0xA], $0x1E00, $0x38;
	[tilespmem:$0x1A180] =	vst v63  }
0x42: {  	_ =	swait.ge [sflag:s15], $0x2800  }
0x43: {  	[sflag:s15] =	ssyncset.done $0x0  }
0x44: {  	[sflag:s15] =	ssyncadd.s32 $0xFFFFD800  }
0x45: {  	_ =	swait.ge [sflag:s16], $0x2800  }
0x46: {  	[sflag:s16] =	ssyncset.done $0x0  }
0x47: {  	[sflag:s16] =	ssyncadd.s32 $0xFFFFD800  }
0x48: {  	_ =	swait.ge [sflag:s17], $0x1E00  }
0x49: {  	[sflag:s17] =	ssyncset.done $0x0  }
0x4a: {  	[sflag:s17] =	ssyncadd.s32 $0xFFFFE200  }
0x4b: {  	_ =	swait.ge [sflag:s18], $0x1E00  }
0x4c: {  	[sflag:s18] =	ssyncset.done $0x0  }
0x4d: {  	[sflag:s18] =	ssyncadd.s32 $0xFFFFE200  }
0x4e: {  	_ =	swait.ge [sflag:s17], $0x1E00  }
0x4f: {  	[sflag:s17] =	ssyncset.done $0x0  }
0x50: {  	[sflag:s17] =	ssyncadd.s32 $0xFFFFE200  }
0x51: {  	_ =	swait.ge [sflag:s18], $0x1E00  }
0x52: {  	[sflag:s18] =	ssyncset.done $0x0  }
0x53: {  	[sflag:s18] =	ssyncadd.s32 $0xFFFFE200  }
0x54: {  	s9 =	simm.s32 $0x0;
	[bflag:$0x0] =	sbarrier.arrive $0xFFFF  }
0x55: {  	[tilespmem:s20], [sflag:$0x1] =	stream.indirect.gather [hbm4b:s4+s19], $0x30, s9, s19, $0xb8;
	[tilespmem:$0x1A180] =	vst v63  }
0x56: {  	s6 =	simm.s32 $0x80  }
0x57: {  	[tilespmem:s22], [sflag:$0x2] =	stream.indirect.gather [hbm4b:s4+s19], $0x30, s6, s19, $0xb8;
	[tilespmem:$0x1A180] =	vst v63  }
0x58: {  	s7 =	simm.s32 $0x100  }
0x59: {  	[tilespmem:s24], [sflag:$0x3] =	stream.indirect.gather [hbm4b:s4+s19], $0x30, s7, s19, $0xb8;
	[tilespmem:$0x1A180] =	vst v63  }
0x5a: {  	s10 =	simm.s32 $0x180;
	s11 =	simm.s32 $0x9650  }
0x5b: {  	[tilespmem:s11], [sflag:$0x4] =	stream.indirect.gather [hbm4b:s4+s19], $0x30, s10, s19, $0xb8;
	[tilespmem:$0x1A180] =	vst v63  }
0x5c: {  	s12 =	simm.s32 $0x200  }
0x5d: {  	[tilespmem:s29], [sflag:$0x5] =	stream.indirect.gather [hbm4b:s4+s19], $0x30, s12, s19, $0xb8;
	[tilespmem:$0x1A180] =	vst v63  }
0x5e: {  	s14 =	simm.s32 $0x280  }
0x5f: {  	[tilespmem:s31], [sflag:$0x6] =	stream.indirect.gather [hbm4b:s4+s19], $0x30, s14, s19, $0xb8;
	[tilespmem:$0x1A180] =	vst v63  }
.LBB2_4:
0x60: {  	_ =	swait.ge [sflag:s15], $0x1770  }
0x61: {  	s10 =	sshra.s32 s9, $0x2;
	[sflag:s15] =	ssyncset.done $0x0  }
0x62: {  	p0 =	seq.s32 s9, $0x0;
	s11 =	sadd.s32 $0x2800, s10;
	[sflag:s15] =	ssyncadd.s32 $0xFFFFE890  }
0x63: {  	[spmem:s2] =	stream.indirect.scatter.add.f32 [tilespmem:s20], [sflag:$0x9], $0x30, s11, s19, $0xb8;
	[tilespmem:$0x1A180] =	vst v63  }
0x64: {  	s11 =	simm.s32 @!p0 $0xF  }
0x65: {  	_ =	swait.ge @!p0 [sflag:s11], $0x1770  }
0x66: {  	[sflag:s11] =	ssyncset.done @!p0 $0x0  }
0x67: {  	s5 =	sadd.s32 $0x300, s10;
	[sflag:s11] =	ssyncadd.s32 @!p0 $0xFFFFE890  }
0x68: {  	[tilespmem:s0], [sflag:$0x7] =	stream.indirect.gather [hbm4b:s4+s19], $0x30, s5, s19, $0xb8;
	[tilespmem:$0x1A180] =	vst v63  }
0x69: {  	_ =	swait.ge [sflag:s16], $0x1770  }
0x6a: {  	[sflag:s16] =	ssyncset.done $0x0  }
0x6b: {  	s6 =	sadd.s32 $0x2880, s10;
	s11 =	simm.s32 @!p0 $0x10;
	[sflag:s16] =	ssyncadd.s32 $0xFFFFE890  }
0x6c: {  	[spmem:s2] =	stream.indirect.scatter.add.f32 [tilespmem:s22], [sflag:$0xA], $0x30, s6, s19, $0xb8;
	[tilespmem:$0x1A180] =	vst v63  }
0x6d: {  	_ =	swait.ge @!p0 [sflag:s11], $0x1770  }
0x6e: {  	[sflag:s11] =	ssyncset.done @!p0 $0x0  }
0x6f: {  	s7 =	sadd.s32 $0x380, s10;
	[sflag:s11] =	ssyncadd.s32 @!p0 $0xFFFFE890  }
0x70: {  	[tilespmem:s1], [sflag:$0x8] =	stream.indirect.gather [hbm4b:s4+s19], $0x30, s7, s19, $0xb8;
	[tilespmem:$0x1A180] =	vst v63  }
0x71: {  	_ =	swait.ge [sflag:s13], $0x1770  }
0x72: {  	[sflag:s13] =	ssyncset.done $0x0  }
0x73: {  	s12 =	sadd.s32 $0x2900, s10;
	[sflag:s13] =	ssyncadd.s32 $0xFFFFE890  }
0x74: {  	[spmem:s2] =	stream.indirect.scatter.add.f32 [tilespmem:s24], [sflag:$0xB], $0x30, s12, s19, $0xb8;
	[tilespmem:$0x1A180] =	vst v63  }
0x75: {  	_ =	swait.ge [sflag:s17], $0x1770  }
0x76: {  	p0 =	seq.s32 s9, $0x9000;
	[sflag:s17] =	ssyncset.done $0x0  }
0x77: {  	s11 =	simm.s32 @p0 $0x4;
	[sflag:s17] =	ssyncadd.s32 $0xFFFFE890  }
0x78: {  	_ =	swait.ge @p0 [sflag:s11], $0x1770  }
0x79: {  	[sflag:s11] =	ssyncset.done @p0 $0x0  }
0x7a: {  	[sflag:s11] =	ssyncadd.s32 @p0 $0xFFFFE890;
	s11 =	sshra.s32 @p0 s9, $0x2  }
0x7b: {  	s3 =	simm.s32 @p0 $0x7D;
	s5 =	simm.s32 @p0 $0x9650;
	s12 =	sadd.s32 @p0 $0x2980, s11  }
0x7c: {  	[spmem:s2] =	stream.indirect.scatter.add.f32 @p0 [tilespmem:s5], [sflag:$0xC], $0x30, s12, s3, $0xb8;
	[tilespmem:$0x1A180] =	vst v63  }
0x7d: {  	s5 =	simm.s32 @p0 $0xA  }
0x7e: {  	_ =	swait.ge @p0 [sflag:s5], $0x1770  }
0x7f: {  	[sflag:s5] =	ssyncset.done @p0 $0x0  }
0x80: {  	[sflag:s5] =	ssyncadd.s32 @p0 $0xFFFFE890;
	s5 =	sshra.s32 @!p0 s9, $0x2  }
0x81: {  	s6 =	simm.s32 @!p0 $0x7D;
	s7 =	simm.s32 @!p0 $0x5000;
	s12 =	sadd.s32 @!p0 $0x400, s5  }
0x82: {  	[tilespmem:s7], [sflag:$0x1] =	stream.indirect.gather @!p0 [hbm4b:s4+s6], $0x30, s12, s6, $0xb8;
	[tilespmem:$0x1A180] =	vst v63  }
0x83: {  	s7 =	simm.s32 @!p0 $0x4  }
0x84: {  	_ =	swait.ge @!p0 [sflag:s7], $0x1770  }
0x85: {  	[sflag:s7] =	ssyncset.done @!p0 $0x0  }
0x86: {  	s12 =	simm.s32 @!p0 $0x9650;
	[sflag:s7] =	ssyncadd.s32 @!p0 $0xFFFFE890;
	s7 =	sadd.s32 @!p0 $0x2980, s5  }
0x87: {  	[spmem:s2] =	stream.indirect.scatter.add.f32 @!p0 [tilespmem:s12], [sflag:$0xC], $0x30, s7, s6, $0xb8;
	[tilespmem:$0x1A180] =	vst v63  }
0x88: {  	s7 =	simm.s32 @!p0 $0xA  }
0x89: {  	_ =	swait.ge @!p0 [sflag:s7], $0x1770  }
0x8a: {  	[sflag:s7] =	ssyncset.done @!p0 $0x0  }
0x8b: {  	s14 =	simm.s32 @!p0 $0x6770;
	[sflag:s7] =	ssyncadd.s32 @!p0 $0xFFFFE890;
	s7 =	sadd.s32 @!p0 $0x480, s5  }
0x8c: {  	[tilespmem:s14], [sflag:$0x2] =	stream.indirect.gather @!p0 [hbm4b:s4+s6], $0x30, s7, s6, $0xb8;
	[tilespmem:$0x1A180] =	vst v63  }
0x8d: {  	_ =	swait.ge [sflag:s21], $0x1770  }
0x8e: {  	[sflag:s21] =	ssyncset.done $0x0  }
0x8f: {  	s14 =	sadd.s32 $0x2A00, s10;
	[sflag:s21] =	ssyncadd.s32 $0xFFFFE890  }
0x90: {  	[spmem:s2] =	stream.indirect.scatter.add.f32 [tilespmem:s29], [sflag:$0xD], $0x30, s14, s19, $0xb8;
	[tilespmem:$0x1A180] =	vst v63  }
0x91: {  	_ =	swait.ge [sflag:s23], $0x1770  }
0x92: {  	[sflag:s23] =	ssyncset.done $0x0  }
0x93: {  	s7 =	simm.s32 @p0 $0x6;
	[sflag:s23] =	ssyncadd.s32 $0xFFFFE890  }
0x94: {  	_ =	swait.ge @p0 [sflag:s7], $0x1770  }
0x95: {  	[sflag:s7] =	ssyncset.done @p0 $0x0  }
0x96: {  	[sflag:s7] =	ssyncadd.s32 @p0 $0xFFFFE890;
	s7 =	sadd.s32 @p0 $0x2A80, s11;
	s11 =	simm.s32 @p0 $0xC530  }
0x97: {  	[spmem:s2] =	stream.indirect.scatter.add.f32 @p0 [tilespmem:s11], [sflag:$0xE], $0x30, s7, s3, $0xb8;
	[tilespmem:$0x1A180] =	vst v63  }
0x98: {  	s3 =	simm.s32 @p0 $0xC  }
0x99: {  	_ =	swait.ge @p0 [sflag:s3], $0x1770  }
0x9a: {  	[sflag:s3] =	ssyncset.done @p0 $0x0  }
0x9b: {  	s7 =	simm.s32 @!p0 $0x7EE0;
	[sflag:s3] =	ssyncadd.s32 @p0 $0xFFFFE890;
	s3 =	sadd.s32 @!p0 $0x500, s5  }
0x9c: {  	[tilespmem:s7], [sflag:$0x3] =	stream.indirect.gather @!p0 [hbm4b:s4+s6], $0x30, s3, s6, $0xb8;
	[tilespmem:$0x1A180] =	vst v63  }
0x9d: {  	s3 =	simm.s32 @!p0 $0x6  }
0x9e: {  	_ =	swait.ge @!p0 [sflag:s3], $0x1770  }
0x9f: {  	[sflag:s3] =	ssyncset.done @!p0 $0x0  }
0xa0: {  	s7 =	simm.s32 @!p0 $0xC530;
	[sflag:s3] =	ssyncadd.s32 @!p0 $0xFFFFE890;
	s3 =	sadd.s32 @!p0 $0x2A80, s5  }
0xa1: {  	[spmem:s2] =	stream.indirect.scatter.add.f32 @!p0 [tilespmem:s7], [sflag:$0xE], $0x30, s3, s6, $0xb8;
	[tilespmem:$0x1A180] =	vst v63  }
0xa2: {  	s3 =	simm.s32 @!p0 $0xC  }
0xa3: {  	_ =	swait.ge @!p0 [sflag:s3], $0x1770  }
0xa4: {  	[sflag:s3] =	ssyncset.done @!p0 $0x0  }
0xa5: {  	[sflag:s3] =	ssyncadd.s32 @!p0 $0xFFFFE890;
	s3 =	sadd.s32 @!p0 $0x580, s5  }
0xa6: {  	[tilespmem:s12], [sflag:$0x4] =	stream.indirect.gather @!p0 [hbm4b:s4+s6], $0x30, s3, s6, $0xb8;
	[tilespmem:$0x1A180] =	vst v63  }
0xa7: {  	_ =	swait.ge [sflag:s25], $0x1770  }
0xa8: {  	[sflag:s25] =	ssyncset.done $0x0  }
.Ltmp3:
0xa9: {  	s14 =	sadd.s32 $0x2B00, s10;
	[sflag:s25] =	ssyncadd.s32 $0xFFFFE890;
	(pc) =	sbr.rel @p0 .LBB2_6-.Ltmp3, $4  }
0xaa: {  	[spmem:s2] =	stream.indirect.scatter.add.f32 [tilespmem:s0], [sflag:$0xF], $0x30, s14, s19, $0xb8;
	[tilespmem:$0x1A180] =	vst v63  }
0xab: {  	_ =	swait.ge [sflag:s26], $0x1770  }
0xac: {  	[sflag:s26] =	ssyncset.done $0x0  }
0xad: {  	s11 =	sadd.s32 $0x2B80, s10;
	[sflag:s26] =	ssyncadd.s32 $0xFFFFE890  }
0xae: {  	s3 =	sadd.s32 $0x600, s10  }
0xaf: {  	[tilespmem:s29], [sflag:$0x5] =	stream.indirect.gather [hbm4b:s4+s19], $0x30, s3, s19, $0xb8;
	[tilespmem:$0x1A180] =	vst v63  }
0xb0: {  	_ =	swait.ge [sflag:s28], $0x1770  }
0xb1: {  	[sflag:s28] =	ssyncset.done $0x0  }
0xb2: {  	[sflag:s28] =	ssyncadd.s32 $0xFFFFE890  }
0xb3: {  	[spmem:s2] =	stream.indirect.scatter.add.f32 [tilespmem:s1], [sflag:$0x10], $0x30, s11, s19, $0xb8;
	[tilespmem:$0x1A180] =	vst v63  }
.Ltmp4:
0xb4: {  	_ = 	snop;
	(pc) =	sbr.rel .LBB2_4-.Ltmp4, $4  }
0xb5: {  	_ =	swait.ge [sflag:s30], $0x1770  }
0xb6: {  	[sflag:s30] =	ssyncset.done $0x0  }
0xb7: {  	s14 =	sadd.s32 $0x680, s10;
	s9 =	sadd.s32 $0x1000, s9;
	[sflag:s30] =	ssyncadd.s32 $0xFFFFE890  }
0xb8: {  	[tilespmem:s31], [sflag:$0x6] =	stream.indirect.gather [hbm4b:s4+s19], $0x30, s14, s19, $0xb8;
	[tilespmem:$0x1A180] =	vst v63  }
.LBB2_7:
0xb9: {  	_ =	sfence.sel $0x180000  }
0xba: {  	[bflag:$0x0] =	sbarrier.arrive $0xFFFF  }
0xbb: {  	_ =	strace $0x9000004D  }
0xbc: {  	s0 =	stileid.u32;
	[bflag:$0x2] =	sbarrier.arrive $0xFFFF  }
0xbd: {  	p0 =	sne.s32 s0, $0x0;
	s0 =	rddreg [dreg:$0x2]  }
0xbe: {  	s0 =	sadd.s32 @!p0 $0x100000, s0  }
0xbf: {  	[sflag:s0] =	ssyncadd.tile.s32 @!p0 $0x1;
	_ =	shalt  }
.Lfunc_end2:
_tile_overlayer_lowered:
.L_overlay_start_2:
0xc0: {  	(tag) =	ssettag $0x2  }
0xc1: {  	s0 =	rddreg [dreg:$0x0];
	s2 =	stileid.u32  }
0xc2: {  	s1 =	rddreg [dreg:$0x1];
	p0 =	sne.s32 s2, $0x0  }
0xc3: {  	s3 =	rddreg [dreg:$0x2];
	[bflag:$0x3] =	sbarrier.arrive $0xFFFF;
	s2 =	simm.s32 @!p0 $0x1C11  }
0xc4: {  	[timem:s3], [sflag:s2] =	dma.local @!p0 [hbm:s0], s1  }
0xc5: {  	s0 =	simm.s32 @!p0 $0x11  }
0xc6: {  	_ =	swait.ge @!p0 [sflag:s0], s1  }
0xc7: {  	s1 =	ssub.s32 @!p0 $0x0, s1;
	[sflag:s0] =	ssyncset.done @!p0 $0x0  }
0xc8: {  	[sflag:s0] =	ssyncadd.s32 @!p0 s1  }
0xc9: {  	[bflag:$0x3] =	sbarrier.arrive $0xFFFF  }
0xca: {  	_ =	shalt  }

// kernel: kernel.9.cloned.1.call-start
scs
__scs_entry_jumppad:
0x0: {  	(pc) =	sbr.rel $0x88, $3  }
0x1: {  	(tag) =	ssettag $0x0;
	lr =	simm.s32 $0x1  }
0x2: {  	[smem:$0x3F92] =	sst lr;
	_ =	strace $0xD0000000  }
0x3: {  	_ = 	snop  }
0x4: {  	_ = 	snop  }
0x5: {  	_ = 	snop  }
0x6: {  	_ = 	snop  }
0x7: {  	_ = 	snop  }
__scs_overlays_trampoline_lowered:
0x8: {  	[smem:$0x3FA1] =	sst s0  }
0x9: {  	[smem:$0x3FA2] =	sst s1  }
0xa: {  	[smem:$0x3FA3] =	sst s2  }
0xb: {  	[smem:$0x3FA4] =	sst s3  }
0xc: {  	[smem:$0x3FA5] =	sst s4  }
0xd: {  	[smem:$0x3FA6] =	sst s5  }
0xe: {  	[smem:$0x3FA7] =	sst s6  }
0xf: {  	[smem:$0x3FA8] =	sst s7  }
0x10: {  	[smem:$0x3FA9] =	sst s8  }
0x11: {  	[smem:$0x3FAA] =	sst s9;
	s0 =	simm.s32 @!p0 $0x0  }
0x12: {  	s1 =	sld [smem:$0x3F90];
	s0 =	simm.s32 @p0 $0x1  }
0x13: {  	[smem:$0x3FAB] =	sst s0;
	s0 =	simm.s32 @!p1 $0x0  }
0x14: {  	s2 =	sld [smem:$0x3F8F];
	s0 =	simm.s32 @p1 $0x1  }
0x15: {  	[smem:$0x3FAC] =	sst s0;
	s0 =	simm.s32 @!p2 $0x0  }
0x16: {  	s3 =	sld [smem:$0x3FDB];
	s0 =	simm.s32 @p2 $0x1  }
0x17: {  	s4 =	simm.s32 $0x1BF5;
	[smem:$0x3FAE] =	sst s0  }
0x18: {  	s0 =	sld [smem:$0x3F91];
	_ =	swait.ge [sflag:s4], $0x0  }
0x19: {  	s7 =	sld [smem:$0x3F92]  }
0x1a: {  	s8 =	sadd.s32 $0xFFFFE003, lr  }
0x1b: {  	s9 =	sadd.s32 $0xFFFFFEF7, lr;
	s5 =	simm.s32 $0xFFFFFFFF;
	p2 =	slt.u32 s8, $0xFFFFF086  }
0x1c: {  	p1 =	slt.u32 s9, $0xF7A;
	s5 =	simm.s32 @!p2 $0x0  }
0x1d: {  	s5 =	simm.s32 @p1 $0x1;
	p0 =	seq.s32 s7, s2  }
0x1e: {  	s7 =	smul.u32 @!p0 $0xF7A, s2;
	p2 =	seq.s32 @!p0 s5, $0x0  }
0x1f: {  	s9 =	smul.u32 $0xF7A, s1;
	s8 =	simm.s32 @!p0 $0x1BF5;
	p2 =	por !p2, p0  }
0x20: {  	[sflag:s8] =	ssyncset.s32 @!p0 $0xFFFFF086;
	s6 =	sadd.s32 @!p0 s3, s7;
	s7 =	simm.s32 @!p0 $0x108  }
0x21: {  	s3 =	sadd.s32 s3, s9;
	s6 =	sadd.s32 @!p0 $0x88, s6;
	s7 =	simm.s32 @p2 $0x1082  }
0x22: {  	[simem:s7], [sflag:s8] =	dma.local @!p0 [hbm:s6], $0xF7A  }
0x23: {  	s9 =	sor.u32 $0xD0000000, s2;
	s6 =	simm.s32 $0x108;
	_ =	swait.ge @!p0 [sflag:s8], $0x0  }
0x24: {  	s3 =	sadd.s32 $0x88, s3;
	s6 =	simm.s32 @!p1 $0x1082;
	[sflag:s4] =	ssyncset.s32 $0xFFFFF086  }
0x25: {  	[simem:s6], [sflag:s4] =	dma.local [hbm:s3], $0xF7A  }
0x26: {  	[smem:$0x3F92] =	sst s1;
	(tag) =	ssettag s2;
	_ =	strace s9  }
0x27: {  	s1 =	sld [smem:$0x3FA2]  }
0x28: {  	s2 =	sld [smem:$0x3FA3]  }
0x29: {  	s4 =	sld [smem:$0x3FA5]  }
0x2a: {  	p0 =	seq.s32 s5, $0x0;
	s5 =	sld [smem:$0x3FA6]  }
0x2b: {  	s6 =	sld [smem:$0x3FA7]  }
0x2c: {  	s7 =	sld [smem:$0x3FA8]  }
0x2d: {  	s3 =	simm.s32 $0x108;
	s8 =	sld [smem:$0x3FA9]  }
0x2e: {  	s3 =	simm.s32 @!p0 $0x1082;
	s9 =	sld [smem:$0x3FAA]  }
0x2f: {  	lr =	sadd.s32 s0, s3;
	s0 =	sld [smem:$0x3FA1]  }
0x30: {  	s3 =	sld [smem:$0x3FA4]  }
0x31: {  	[smem:$0x3FAD] =	sst s10  }
0x32: {  	s10 =	sld [smem:$0x3FAB];
	_ =	sdelay $0x3  }
0x33: {  	p0 =	seq.s32 s10, $0x1;
	s10 =	sld [smem:$0x3FAD];
	_ =	sdelay $0x3  }
0x34: {  	[smem:$0x3FAD] =	sst s10  }
0x35: {  	s10 =	sld [smem:$0x3FAC];
	_ =	sdelay $0x3  }
0x36: {  	p1 =	seq.s32 s10, $0x1;
	s10 =	sld [smem:$0x3FAD];
	_ =	sdelay $0x3  }
0x37: {  	[smem:$0x3FAD] =	sst s10  }
0x38: {  	s10 =	sld [smem:$0x3FAE]  }
0x39: {  	_ = 	snop;
	(pc) =	sbr.ind lr, $3  }
0x3a: {  	_ = 	snop  }
0x3b: {  	_ = 	snop  }
0x3c: {  	p2 =	seq.s32 s10, $0x1;
	s10 =	sld [smem:$0x3FAD]  }
0x3d: {  	_ =	shalt  }
0x3e: {  	_ =	shalt  }
0x3f: {  	_ =	shalt  }
0x40: {  	_ =	shalt  }
0x41: {  	_ =	shalt  }
0x42: {  	_ =	shalt  }
0x43: {  	_ =	shalt  }
0x44: {  	_ =	shalt  }
0x45: {  	_ =	shalt  }
0x46: {  	_ =	shalt  }
0x47: {  	_ =	shalt  }
0x48: {  	_ =	shalt  }
0x49: {  	_ =	shalt  }
0x4a: {  	_ =	shalt  }
0x4b: {  	_ =	shalt  }
0x4c: {  	_ =	shalt  }
0x4d: {  	_ =	shalt  }
0x4e: {  	_ =	shalt  }
0x4f: {  	_ =	shalt  }
0x50: {  	_ =	shalt  }
0x51: {  	_ =	shalt  }
0x52: {  	_ =	shalt  }
0x53: {  	_ =	shalt  }
0x54: {  	_ =	shalt  }
0x55: {  	_ =	shalt  }
0x56: {  	_ =	shalt  }
0x57: {  	_ =	shalt  }
0x58: {  	_ =	shalt  }
0x59: {  	_ =	shalt  }
0x5a: {  	_ =	shalt  }
0x5b: {  	_ =	shalt  }
0x5c: {  	_ =	shalt  }
0x5d: {  	_ =	shalt  }
0x5e: {  	_ =	shalt  }
0x5f: {  	_ =	shalt  }
0x60: {  	_ =	shalt  }
0x61: {  	_ =	shalt  }
0x62: {  	_ =	shalt  }
0x63: {  	_ =	shalt  }
0x64: {  	_ =	shalt  }
0x65: {  	_ =	shalt  }
0x66: {  	_ =	shalt  }
0x67: {  	_ =	shalt  }
0x68: {  	_ =	shalt  }
0x69: {  	_ =	shalt  }
0x6a: {  	_ =	shalt  }
0x6b: {  	_ =	shalt  }
0x6c: {  	_ =	shalt  }
0x6d: {  	_ =	shalt  }
0x6e: {  	_ =	shalt  }
0x6f: {  	_ =	shalt  }
0x70: {  	_ =	shalt  }
0x71: {  	_ =	shalt  }
0x72: {  	_ =	shalt  }
0x73: {  	_ =	shalt  }
0x74: {  	_ =	shalt  }
0x75: {  	_ =	shalt  }
0x76: {  	_ =	shalt  }
0x77: {  	_ =	shalt  }
0x78: {  	_ =	shalt  }
0x79: {  	_ =	shalt  }
0x7a: {  	_ =	shalt  }
0x7b: {  	_ =	shalt  }
0x7c: {  	_ =	shalt  }
0x7d: {  	_ =	shalt  }
0x7e: {  	_ =	shalt  }
0x7f: {  	_ =	shalt  }
0x80: {  	_ =	shalt  }
0x81: {  	_ =	shalt  }
0x82: {  	_ =	shalt  }
0x83: {  	_ =	shalt  }
0x84: {  	_ =	shalt  }
0x85: {  	_ =	shalt  }
0x86: {  	_ =	shalt  }
0x87: {  	_ =	shalt  }
.Lfunc_end0:
.L_simem_size_0:
called_computation_lowered:
.L_overlay_start_0:
0x88: {  	s2 =	sld [smem:$0x3FD9]  }
0x89: {  	s3 =	sld [smem:$0x3FFE];
	_ =	sdelay $0x1  }
0x8a: {  	s1 =	srdreg.scid  }
0x8b: {  	s0 =	sand.u32 $0x1, s1  }
0x8c: {  	s16 =	sshll.u32 s0, $0xA;
	s2 =	sadd.s32 s3, s2  }
0x8d: {  	s2 =	sadd.s32 s2, s16  }
0x8e: {  	[smem:$0x3FB9] =	sst s2  }
0x8f: {  	_ = 	snop  }
0x90: {  	(tm) =	ssettm $0x1  }
0x91: {  	s17 =	sld [smem:$0x3FFB];
	_ =	sdelay $0x3  }
0x92: {  	_ =	strace s17  }
0x93: {  	s2 =	sld [smem:$0x3FFC];
	_ =	sdelay $0x3  }
0x94: {  	_ =	strace s2  }
0x95: {  	s2 =	sld [smem:$0x3FFD];
	_ =	sdelay $0x3  }
0x96: {  	_ =	strace s2  }
0x97: {  	_ =	strace $0x8FFFFFFF  }
0x98: {  	s18 =	sld [smem:$0x3FDB];
	_ =	sdelay $0x1  }
0x99: {  	s19 =	simm.s32 $_scs_section_size  }
0x9a: {  	s4 =	simm.s32 $_size__tile_overlayer_lowered;
	s5 =	simm.s32 $_tile_overlayer_lowered  }
0x9b: {  	s22 =	simm.s32 $0x1BFF;
	s21 =	sshll.u32 s5, $0x1;
	s2 =	sadd.s32 s19, s18  }
0x9c: {  	s6 =	simm.s32 $0x0;
	s20 =	sshll.u32 s4, $0x1;
	s4 =	sadd.s32 s21, s2  }
0x9d: {  	[timem:s6], [sflag:s22] =	dma.local [hbm:s4], s20  }
0x9e: {  	_ =	swait.ge [sflag:s22], s20  }
0x9f: {  	s3 =	ssub.s32 $0x0, s20;
	[sflag:s22] =	ssyncset.done $0x0  }
0xa0: {  	[sflag:s22] =	ssyncadd.s32 s3;
	_ =	sdelay $0x1  }
0xa1: {  	s23 =	simm.s32 $0x1B8B  }
0xa2: {  	_ =	swait.ge [sflag:s23], $0x1  }
0xa3: {  	[sflag:s23] =	ssyncset.done $0x0  }
0xa4: {  	s25 =	simm.s32 $0x1B8E;
	s24 =	sld [smem:$0x3FFE];
	[sflag:s23] =	ssyncadd.s32 $0xFFFFFFFF  }
0xa5: {  	s26 =	simm.s32 $execute0_lowered;
	[smem:$0x3FD2] =	sst s25  }
0xa6: {  	s4 =	sshll.u32 s26, $0x1;
	_ =	strace $0x80000046;
	[dreg:$0x1] =	wrdreg $0xFFFFFFFF  }
0xa7: {  	s28 =	simm.s32 $_size_execute0_lowered;
	s2 =	sadd.s32 s2, s4;
	[dreg:$0x0] =	wrdreg $0x0  }
0xa8: {  	s4 =	sshll.u32 s28, $0x1;
	[dreg:$0x2] =	wrdreg s2  }
0xa9: {  	[dreg:$0x3] =	wrdreg s4  }
0xaa: {  	[dreg:$0x4] =	wrdreg $0xC0  }
0xab: {  	_ =	task [dreg:s6], $0x5FFFF  }
0xac: {  	[dreg:$0x1] =	wrdreg $0xFFFFFFFF  }
0xad: {  	[dreg:$0x0] =	wrdreg $0x60  }
0xae: {  	[dreg:$0x2] =	wrdreg s24  }
0xaf: {  	[dreg:$0x3] =	wrdreg $0x114400  }
0xb0: {  	[dreg:$0x4] =	wrdreg $0x9  }
0xb1: {  	_ =	task.clear_ibuf [dreg:s6], $0x5FFFF;
	_ =	strace $0x90000046  }
0xb2: {  	s29 =	simm.s32 $0x9;
	_ =	strace $0x80000048  }
0xb3: {  	_ =	swait.ge [sflag:s29], $0x1  }
0xb4: {  	[sflag:s29] =	ssyncadd.s32 $0xFFFFFFFF  }
0xb5: {  	_ =	strace $0x90000048  }
0xb6: {  	_ =	sfence  }
0xb7: {  	s30 =	sld [smem:$0x0];
	_ =	sdelay $0x2  }
0xb8: {  	s31 =	sshll.u32 s1, $0xD;
	s1 =	sshrl.u32 s1, $0x2  }
0xb9: {  	s3 =	sand.u32 $0x4000, s31;
	s1 =	sadd.s32 s1, s30  }
0xba: {  	s0 =	sor.u32 s3, s0;
	s1 =	sshll.u32 s1, $0x11  }
0xbb: {  	s0 =	sor.u32 s1, s0  }
0xbc: {  	s0 =	sadd.s32 $0x8F2B, s0  }
0xbd: {  	[sflag:s0] =	ssyncadd.remote.s32 $0x1  }
0xbe: {  	_ =	sfence.sel $0xFFFF  }
0xbf: {  	[dreg:$0x0] =	wrdreg $0xFFFFFFFF;
	(pc) =	sbr.abs _section_cstart, $3  }
0xc0: {  	[dreg:$0x1] =	wrdreg $0xFFFFFFFF  }
0xc1: {  	_ =	task.clear_ibuf [dreg:s6], $0x2FFFF;
	_ =	strace $0x9FFFFFFF  }
0xc2: {  	(tm) =	ssettm $0x7FFFFFFF  }
0xc3: {  	_ =	shalt  }
tec
execute0_lowered:
.L_overlay_start_1:
0x0: {  	(tag) =	ssettag $0x1  }
0x1: {  	s0 =	rddreg [dreg:$0x0]  }
0x2: {  	s2 =	rddreg [dreg:$0x1];
	s1 =	srdreg.scid  }
0x3: {  	s7 =	stileid.u32;
	s4 =	simm.s32 $0x0;
	s8 =	simm.s32 $0x2800  }
0x4: {  	s14 =	simm.s32 $0xEC40;
	s15 =	simm.s32 $0x1;
	s16 =	simm.s32 $0x2  }
0x5: {  	s17 =	simm.s32 $0x6;
	s18 =	simm.s32 $0x7;
	s19 =	simm.s32 $0x7D  }
0x6: {  	s20 =	simm.s32 $0x5000;
	s30 =	simm.s32 $0xCD00;
	s31 =	simm.s32 $0x3  }
0x7: {  	s28 =	simm.s32 $0x5;
	s29 =	simm.s32 $0xB;
	s1 =	sand.u32 $0x1, s1  }
0x8: {  	s3 =	smul.u32 $0xA000, s7;
	[smem:$0x7FF] =	sst s4;
	s4 =	sadd.s32 $0x16800, s0  }
0x9: {  	s21 =	sshll.u32 s1, $0x4;
	s5 =	smul.u32 $0xA0000, s1;
	_ =	strace $0x80000047  }
0xa: {  	s1 =	ssub.s32 $0x2, s1;
	s6 =	sor.u32 s7, s21;
	s7 =	smul.u32 $0x28000, s7  }
0xb: {  	s22 =	sshrl.u32 s1, $0x1;
	s21 =	simm.s32 $0x4;
	s6 =	smul.u32 $0x500, s6  }
0xc: {  	s5 =	sadd.s32 s3, s5;
	s1 =	ssub.s32 s1, s22;
	s22 =	simm.s32 $0x6F40  }
0xd: {  	s5 =	sshrl.u32 s5, $0x3;
	s24 =	sshrl.u32 s7, $0x2;
	s7 =	sadd.s32 s3, s2  }
0xe: {  	s12 =	smax.u32 s1, $0x1;
	s1 =	simm.s32 $0x0;
	s6 =	sadd.s32 s6, s0  }
0xf: {  	s0 =	sadd.s32 s5, s0;
	s25 =	sadd.s32 s24, s2;
	s24 =	simm.s32 $0x8E80  }
.Ltmp0:
0x10: {  	s23 =	sadd.s32 $0xC800, s6;
	s6 =	sadd.s32 $0x2800, s6;
	(pc) =	sbr.rel .LBB2_1-.Ltmp0, $4  }
0x11: {  	s5 =	sadd.s32 $0x2800, s25;
	s26 =	sadd.s32 $0x5000, s25;
	[dreg:$0x3] =	wrdreg s23  }
0x12: {  	s10 =	sadd.s32 $0x7800, s25;
	s11 =	sadd.s32 $0x2A200, s0;
	[dreg:$0x4] =	wrdreg s6  }
0x13: {  	s0 =	simm.s32 $0x8;
	s25 =	simm.s32 $0xA;
	[dreg:$0x5] =	wrdreg s5  }
0x14: {  	v0 =	vimm.f32 $0.0e+00;
	[dreg:$0x6] =	wrdreg s26;
	s26 =	simm.s32 $0xADC0;
	s23 =	simm.s32 $0x9  }
.LBB2_6:
0x15: {  	_ =	swait.ge [sflag:s23], $0x1F40  }
0x16: {  	[sflag:s23] =	ssyncset.done $0x0  }
0x17: {  	[sflag:s23] =	ssyncadd.s32 $0xFFFFE0C0  }
0x18: {  	s3 =	stileid.u32;
	_ =	swait.ge [sflag:s25], $0x1F40  }
0x19: {  	s5 =	sshrl.u32 s7, $0x3;
	s1 =	sadd.s32 $0x1, s1;
	[sflag:s25] =	ssyncset.done $0x0  }
0x1a: {  	s3 =	sshll.u32 s3, $0x6;
	p0 =	sne.s32 s1, s12;
	[sflag:s25] =	ssyncadd.s32 $0xFFFFE0C0  }
.Ltmp1:
0x1b: {  	s3 =	sor.u32 $0x1C0B, s3;
	[bflag:$0x0] =	sbarrier.arrive $0xFFFF;
	(pc) =	sbr.rel @!p0 .LBB2_7-.Ltmp1, $4  }
0x1c: {  	[hbm:s11], [sflag:s3] =	dma.local [spmem:s5], $0x1400  }
0x1d: {  	_ =	swait.ge [sflag:s29], $0x1400  }
0x1e: {  	[sflag:s29] =	ssyncset.done $0x0  }
0x1f: {  	s8 =	simm.s32 $0x2800;
	[sflag:s29] =	ssyncadd.s32 $0xFFFFEC00  }
.LBB2_1:
0x20: {  	s3 =	simm.s32 $0x0;
	s5 =	rddreg [dreg:$0x3]  }
0x21: {  	[tilespmem:s3], [sflag:$0x1] =	stream.linear.gather [hbm4b:s5+s3], $0x2800, $0x38;
	[tilespmem:$0x1B440] =	vst v63  }
0x22: {  	s13 =	rddreg [dreg:$0x4]  }
0x23: {  	[tilespmem:s8], [sflag:$0x2] =	stream.linear.gather [hbm4b:s13+s3], $0x2800, $0x38;
	[tilespmem:$0x1B440] =	vst v63  }
0x24: {  	s5 =	simm.s32 $0x100;
	s3 =	simm.s32 $0x0  }
.LBB2_2:
0x25: {  	p0 =	sne.s32 s5, $0x9F00;
	[tilespmem:s3+$0xEC70] =	vst v0;
	s6 =	smov.u32 s5;
	s5 =	sadd.s32 $0x100, s5  }
.Ltmp2:
0x26: {  	[tilespmem:s3+$0xEC60] =	vst v0;
	(pc) =	sbr.rel @p0 .LBB2_2-.Ltmp2, $3  }
0x27: {  	[tilespmem:s3+$0xEC40] =	vst v0  }
0x28: {  	[tilespmem:s3+$0xEC50] =	vst v0;
	_ =	sdelay $0x1  }
0x29: {  	s3 =	sshra.s32 s6, $0x2  }
0x2a: {  	[tilespmem:s3+$0xEC70] =	vst v0  }
0x2b: {  	[tilespmem:s3+$0xEC60] =	vst v0  }
0x2c: {  	[tilespmem:s3+$0xEC40] =	vst v0  }
0x2d: {  	[tilespmem:s3+$0xEC50] =	vst v0  }
0x2e: {  	[spmem:s7] =	stream.linear.scatter [tilespmem:s14], [sflag:$0x6], $0x2800, $0x38;
	[tilespmem:$0x1B440] =	vst v63  }
0x2f: {  	s5 =	rddreg [dreg:$0x5]  }
0x30: {  	[spmem:s5] =	stream.linear.scatter [tilespmem:s14], [sflag:$0x7], $0x2800, $0x38;
	[tilespmem:$0x1B440] =	vst v63  }
0x31: {  	s6 =	rddreg [dreg:$0x6]  }
0x32: {  	[spmem:s6] =	stream.linear.scatter [tilespmem:s14], [sflag:$0x6], $0x2800, $0x38;
	[tilespmem:$0x1B440] =	vst v63  }
0x33: {  	_ = 	snop  }
0x34: {  	[spmem:s10] =	stream.linear.scatter [tilespmem:s14], [sflag:$0x7], $0x2800, $0x38;
	[tilespmem:$0x1B440] =	vst v63  }
0x35: {  	_ =	swait.ge [sflag:s15], $0x2800  }
0x36: {  	[sflag:s15] =	ssyncset.done $0x0  }
0x37: {  	[sflag:s15] =	ssyncadd.s32 $0xFFFFD800  }
0x38: {  	_ =	swait.ge [sflag:s16], $0x2800  }
0x39: {  	[sflag:s16] =	ssyncset.done $0x0  }
0x3a: {  	[sflag:s16] =	ssyncadd.s32 $0xFFFFD800  }
0x3b: {  	_ =	swait.ge [sflag:s17], $0x2800  }
0x3c: {  	[sflag:s17] =	ssyncset.done $0x0  }
0x3d: {  	[sflag:s17] =	ssyncadd.s32 $0xFFFFD800  }
0x3e: {  	_ =	swait.ge [sflag:s18], $0x2800  }
0x3f: {  	[sflag:s18] =	ssyncset.done $0x0  }
0x40: {  	[sflag:s18] =	ssyncadd.s32 $0xFFFFD800  }
0x41: {  	_ =	swait.ge [sflag:s17], $0x2800  }
0x42: {  	[sflag:s17] =	ssyncset.done $0x0  }
0x43: {  	[sflag:s17] =	ssyncadd.s32 $0xFFFFD800  }
0x44: {  	_ =	swait.ge [sflag:s18], $0x2800  }
0x45: {  	[sflag:s18] =	ssyncset.done $0x0  }
0x46: {  	[sflag:s18] =	ssyncadd.s32 $0xFFFFD800  }
0x47: {  	s3 =	simm.s32 $0x0;
	[bflag:$0x0] =	sbarrier.arrive $0xFFFF  }
0x48: {  	[tilespmem:s20], [sflag:$0x1] =	stream.indirect.gather [hbm4b:s4+s19], $0x40, s3, s19, $0xb8;
	[tilespmem:$0x1B440] =	vst v63  }
0x49: {  	s5 =	simm.s32 $0x80  }
0x4a: {  	[tilespmem:s22], [sflag:$0x2] =	stream.indirect.gather [hbm4b:s4+s19], $0x40, s5, s19, $0xb8;
	[tilespmem:$0x1B440] =	vst v63  }
0x4b: {  	s9 =	simm.s32 $0x100  }
0x4c: {  	[tilespmem:s24], [sflag:$0x3] =	stream.indirect.gather [hbm4b:s4+s19], $0x40, s9, s19, $0xb8;
	[tilespmem:$0x1B440] =	vst v63  }
0x4d: {  	_ =	swait.ge [sflag:s15], $0x1F40  }
0x4e: {  	[sflag:s15] =	ssyncset.done $0x0  }
0x4f: {  	[sflag:s15] =	ssyncadd.s32 $0xFFFFE0C0  }
0x50: {  	[spmem:s2] =	stream.indirect.scatter.add.f32 [tilespmem:s20], [sflag:$0x6], $0x40, s8, s19, $0xb8;
	[tilespmem:$0x1B440] =	vst v63  }
0x51: {  	s13 =	simm.s32 $0x180  }
0x52: {  	[tilespmem:s26], [sflag:$0x4] =	stream.indirect.gather [hbm4b:s4+s19], $0x40, s13, s19, $0xb8;
	[tilespmem:$0x1B440] =	vst v63  }
0x53: {  	_ =	swait.ge [sflag:s16], $0x1F40  }
0x54: {  	[sflag:s16] =	ssyncset.done $0x0  }
0x55: {  	s6 =	simm.s32 $0x2880;
	[sflag:s16] =	ssyncadd.s32 $0xFFFFE0C0  }
0x56: {  	[spmem:s2] =	stream.indirect.scatter.add.f32 [tilespmem:s22], [sflag:$0x7], $0x40, s6, s19, $0xb8;
	[tilespmem:$0x1B440] =	vst v63  }
0x57: {  	s8 =	simm.s32 $0x200  }
0x58: {  	[tilespmem:s30], [sflag:$0x5] =	stream.indirect.gather [hbm4b:s4+s19], $0x40, s8, s19, $0xb8;
	[tilespmem:$0x1B440] =	vst v63  }
0x59: {  	_ =	swait.ge [sflag:s31], $0x1F40  }
0x5a: {  	[sflag:s31] =	ssyncset.done $0x0  }
0x5b: {  	s9 =	simm.s32 $0x2900;
	[sflag:s31] =	ssyncadd.s32 $0xFFFFE0C0  }
0x5c: {  	[spmem:s2] =	stream.indirect.scatter.add.f32 [tilespmem:s24], [sflag:$0x8], $0x40, s9, s19, $0xb8;
	[tilespmem:$0x1B440] =	vst v63  }
0x5d: {  	_ =	swait.ge [sflag:s17], $0x1F40  }
0x5e: {  	[sflag:s17] =	ssyncset.done $0x0  }
0x5f: {  	s13 =	simm.s32 $0x280;
	[sflag:s17] =	ssyncadd.s32 $0xFFFFE0C0  }
0x60: {  	[tilespmem:s20], [sflag:$0x1] =	stream.indirect.gather [hbm4b:s4+s19], $0x40, s13, s19, $0xb8;
	[tilespmem:$0x1B440] =	vst v63  }
0x61: {  	_ =	swait.ge [sflag:s21], $0x1F40  }
0x62: {  	[sflag:s21] =	ssyncset.done $0x0  }
0x63: {  	s6 =	simm.s32 $0x2980;
	[sflag:s21] =	ssyncadd.s32 $0xFFFFE0C0  }
0x64: {  	[spmem:s2] =	stream.indirect.scatter.add.f32 [tilespmem:s26], [sflag:$0x9], $0x40, s6, s19, $0xb8;
	[tilespmem:$0x1B440] =	vst v63  }
0x65: {  	_ =	swait.ge [sflag:s18], $0x1F40  }
0x66: {  	[sflag:s18] =	ssyncset.done $0x0  }
0x67: {  	s8 =	simm.s32 $0x300;
	[sflag:s18] =	ssyncadd.s32 $0xFFFFE0C0  }
0x68: {  	[tilespmem:s22], [sflag:$0x2] =	stream.indirect.gather [hbm4b:s4+s19], $0x40, s8, s19, $0xb8;
	[tilespmem:$0x1B440] =	vst v63  }
0x69: {  	_ =	swait.ge [sflag:s28], $0x1F40  }
0x6a: {  	[sflag:s28] =	ssyncset.done $0x0  }
0x6b: {  	s9 =	simm.s32 $0x2A00;
	[sflag:s28] =	ssyncadd.s32 $0xFFFFE0C0  }
0x6c: {  	[spmem:s2] =	stream.indirect.scatter.add.f32 [tilespmem:s30], [sflag:$0xA], $0x40, s9, s19, $0xb8;
	[tilespmem:$0x1B440] =	vst v63  }
0x6d: {  	_ =	swait.ge [sflag:s0], $0x1F40  }
0x6e: {  	[sflag:s0] =	ssyncset.done $0x0  }
0x6f: {  	s13 =	simm.s32 $0x380;
	[sflag:s0] =	ssyncadd.s32 $0xFFFFE0C0  }
0x70: {  	[tilespmem:s24], [sflag:$0x3] =	stream.indirect.gather [hbm4b:s4+s19], $0x40, s13, s19, $0xb8;
	[tilespmem:$0x1B440] =	vst v63  }
.LBB2_4:
0x71: {  	_ =	swait.ge [sflag:s15], $0x1F40  }
0x72: {  	s5 =	sshra.s32 s3, $0x2;
	[sflag:s15] =	ssyncset.done $0x0  }
0x73: {  	s6 =	sadd.s32 $0x2A80, s5;
	[sflag:s15] =	ssyncadd.s32 $0xFFFFE0C0  }
0x74: {  	[spmem:s2] =	stream.indirect.scatter.add.f32 [tilespmem:s20], [sflag:$0x6], $0x40, s6, s19, $0xb8;
	[tilespmem:$0x1B440] =	vst v63  }
0x75: {  	_ =	swait.ge [sflag:s23], $0x1F40  }
0x76: {  	[sflag:s23] =	ssyncset.done $0x0  }
0x77: {  	s9 =	sadd.s32 $0x400, s5;
	[sflag:s23] =	ssyncadd.s32 $0xFFFFE0C0  }
0x78: {  	[tilespmem:s26], [sflag:$0x4] =	stream.indirect.gather [hbm4b:s4+s19], $0x40, s9, s19, $0xb8;
	[tilespmem:$0x1B440] =	vst v63  }
0x79: {  	_ =	swait.ge [sflag:s16], $0x1F40  }
0x7a: {  	[sflag:s16] =	ssyncset.done $0x0  }
0x7b: {  	s13 =	sadd.s32 $0x2B00, s5;
	[sflag:s16] =	ssyncadd.s32 $0xFFFFE0C0  }
0x7c: {  	[spmem:s2] =	stream.indirect.scatter.add.f32 [tilespmem:s22], [sflag:$0x7], $0x40, s13, s19, $0xb8;
	[tilespmem:$0x1B440] =	vst v63  }
0x7d: {  	_ =	swait.ge [sflag:s25], $0x1F40  }
0x7e: {  	[sflag:s25] =	ssyncset.done $0x0  }
0x7f: {  	s8 =	sadd.s32 $0x480, s5;
	[sflag:s25] =	ssyncadd.s32 $0xFFFFE0C0  }
0x80: {  	[tilespmem:s30], [sflag:$0x5] =	stream.indirect.gather [hbm4b:s4+s19], $0x40, s8, s19, $0xb8;
	[tilespmem:$0x1B440] =	vst v63  }
0x81: {  	_ =	swait.ge [sflag:s31], $0x1F40  }
0x82: {  	[sflag:s31] =	ssyncset.done $0x0  }
0x83: {  	s9 =	sadd.s32 $0x2B80, s5;
	[sflag:s31] =	ssyncadd.s32 $0xFFFFE0C0  }
0x84: {  	[spmem:s2] =	stream.indirect.scatter.add.f32 [tilespmem:s24], [sflag:$0x8], $0x40, s9, s19, $0xb8;
	[tilespmem:$0x1B440] =	vst v63  }
0x85: {  	_ =	swait.ge [sflag:s17], $0x1F40  }
0x86: {  	p0 =	seq.s32 s3, $0x8C00;
	[sflag:s17] =	ssyncset.done $0x0  }
0x87: {  	s6 =	simm.s32 @p0 $0x4;
	[sflag:s17] =	ssyncadd.s32 $0xFFFFE0C0  }
0x88: {  	_ =	swait.ge @p0 [sflag:s6], $0x1F40  }
0x89: {  	[sflag:s6] =	ssyncset.done @p0 $0x0  }
0x8a: {  	[sflag:s6] =	ssyncadd.s32 @p0 $0xFFFFE0C0;
	s6 =	sshra.s32 @p0 s3, $0x2  }
0x8b: {  	s8 =	simm.s32 @p0 $0x7D;
	s9 =	simm.s32 @p0 $0xADC0;
	s6 =	sadd.s32 @p0 $0x2C00, s6  }
0x8c: {  	[spmem:s2] =	stream.indirect.scatter.add.f32 @p0 [tilespmem:s9], [sflag:$0x9], $0x40, s6, s8, $0xb8;
	[tilespmem:$0x1B440] =	vst v63  }
0x8d: {  	s6 =	simm.s32 @p0 $0x7  }
0x8e: {  	_ =	swait.ge @p0 [sflag:s6], $0x1F40  }
0x8f: {  	[sflag:s6] =	ssyncset.done @p0 $0x0  }
0x90: {  	[sflag:s6] =	ssyncadd.s32 @p0 $0xFFFFE0C0;
	s6 =	sshra.s32 @!p0 s3, $0x2  }
0x91: {  	s13 =	simm.s32 @!p0 $0x5000;
	s9 =	simm.s32 @!p0 $0x7D;
	s8 =	sadd.s32 @!p0 $0x500, s6  }
0x92: {  	[tilespmem:s13], [sflag:$0x1] =	stream.indirect.gather @!p0 [hbm4b:s4+s9], $0x40, s8, s9, $0xb8;
	[tilespmem:$0x1B440] =	vst v63  }
0x93: {  	s8 =	simm.s32 @!p0 $0x4  }
0x94: {  	_ =	swait.ge @!p0 [sflag:s8], $0x1F40  }
0x95: {  	[sflag:s8] =	ssyncset.done @!p0 $0x0  }
0x96: {  	s13 =	simm.s32 @!p0 $0xADC0;
	[sflag:s8] =	ssyncadd.s32 @!p0 $0xFFFFE0C0;
	s8 =	sadd.s32 @!p0 $0x2C00, s6  }
0x97: {  	[spmem:s2] =	stream.indirect.scatter.add.f32 @!p0 [tilespmem:s13], [sflag:$0x9], $0x40, s8, s9, $0xb8;
	[tilespmem:$0x1B440] =	vst v63  }
0x98: {  	s8 =	simm.s32 @!p0 $0x7  }
0x99: {  	_ =	swait.ge @!p0 [sflag:s8], $0x1F40  }
0x9a: {  	[sflag:s8] =	ssyncset.done @!p0 $0x0  }
0x9b: {  	s6 =	sadd.s32 @!p0 $0x580, s6;
	[sflag:s8] =	ssyncadd.s32 @!p0 $0xFFFFE0C0;
	s8 =	simm.s32 @!p0 $0x6F40  }
0x9c: {  	[tilespmem:s8], [sflag:$0x2] =	stream.indirect.gather @!p0 [hbm4b:s4+s9], $0x40, s6, s9, $0xb8;
	[tilespmem:$0x1B440] =	vst v63  }
0x9d: {  	_ =	swait.ge [sflag:s28], $0x1F40  }
0x9e: {  	[sflag:s28] =	ssyncset.done $0x0  }
.Ltmp3:
0x9f: {  	s13 =	sadd.s32 $0x2C80, s5;
	[sflag:s28] =	ssyncadd.s32 $0xFFFFE0C0;
	(pc) =	sbr.rel @p0 .LBB2_6-.Ltmp3, $4  }
0xa0: {  	[spmem:s2] =	stream.indirect.scatter.add.f32 [tilespmem:s30], [sflag:$0xA], $0x40, s13, s19, $0xb8;
	[tilespmem:$0x1B440] =	vst v63  }
0xa1: {  	_ =	swait.ge [sflag:s0], $0x1F40  }
0xa2: {  	[sflag:s0] =	ssyncset.done $0x0  }
0xa3: {  	[sflag:s0] =	ssyncadd.s32 $0xFFFFE0C0  }
.Ltmp4:
0xa4: {  	(pc) =	sbr.rel .LBB2_4-.Ltmp4, $3  }
0xa5: {  	_ =	sdelay $0x1  }
0xa6: {  	s5 =	sadd.s32 $0x600, s5;
	s3 =	sadd.s32 $0xA00, s3  }
0xa7: {  	[tilespmem:s24], [sflag:$0x3] =	stream.indirect.gather [hbm4b:s4+s19], $0x40, s5, s19, $0xb8;
	[tilespmem:$0x1B440] =	vst v63  }
.LBB2_7:
0xa8: {  	_ =	sfence.sel $0x180000  }
0xa9: {  	[bflag:$0x0] =	sbarrier.arrive $0xFFFF  }
0xaa: {  	_ =	strace $0x90000047  }
0xab: {  	s0 =	stileid.u32;
	[bflag:$0x2] =	sbarrier.arrive $0xFFFF  }
0xac: {  	p0 =	sne.s32 s0, $0x0;
	s0 =	rddreg [dreg:$0x2]  }
0xad: {  	s0 =	sadd.s32 @!p0 $0x100000, s0  }
0xae: {  	[sflag:s0] =	ssyncadd.tile.s32 @!p0 $0x1;
	_ =	shalt  }
.Lfunc_end2:
_tile_overlayer_lowered:
.L_overlay_start_2:
0xaf: {  	(tag) =	ssettag $0x2  }
0xb0: {  	s0 =	rddreg [dreg:$0x0];
	s2 =	stileid.u32  }
0xb1: {  	s1 =	rddreg [dreg:$0x1];
	p0 =	sne.s32 s2, $0x0  }
0xb2: {  	s3 =	rddreg [dreg:$0x2];
	[bflag:$0x3] =	sbarrier.arrive $0xFFFF;
	s2 =	simm.s32 @!p0 $0x1C0B  }
0xb3: {  	[timem:s3], [sflag:s2] =	dma.local @!p0 [hbm:s0], s1  }
0xb4: {  	s0 =	simm.s32 @!p0 $0xB  }
0xb5: {  	_ =	swait.ge @!p0 [sflag:s0], s1  }
0xb6: {  	s1 =	ssub.s32 @!p0 $0x0, s1;
	[sflag:s0] =	ssyncset.done @!p0 $0x0  }
0xb7: {  	[sflag:s0] =	ssyncadd.s32 @!p0 s1  }
0xb8: {  	[bflag:$0x3] =	sbarrier.arrive $0xFFFF  }
0xb9: {  	_ =	shalt  }

</sc_bundles>
